<compile_context>
chip_gen: v7x
topology: tpu7x:2x2x1
jax: 0.10.2.dev20260603
libtpu: 0.0.44.dev20260713+nightly
codegen_flags: <defaults>
</compile_context>

<pallas_src>
import functools

import jax
import jax.numpy as jnp
from jax import lax
from jax.experimental import pallas as pl
from jax.experimental.pallas import tpu as pltpu
from jax.experimental.pallas import tpu_sc as plsc

NC = 2
NS = 16
NT = NC * NS
LANES = 16

ROWS = 40
CH = ROWS * 128
F32 = jnp.float32
I32 = jnp.int32


def _sds(shape, dtype):
    return jax.ShapeDtypeStruct(shape, dtype)


def _sc_degree(adj, npn):
    e = adj.shape[1]
    ept = (e // NT) // 128 * 128
    xblk = (e - ept * NT) // 128
    xbase = ept * NT
    nfull = ept // CH
    tl = ept - nfull * CH
    nch = nfull + (1 if tl else 0)
    stripe = npn // NS
    mesh = plsc.VectorSubcoreMesh(core_axis_name="c", subcore_axis_name="s")

    @functools.partial(
        pl.kernel,
        out_type=(_sds((NC * npn,), F32),
                  _sds((e,), I32), _sds((e,), I32)),
        mesh=mesh,
        compiler_params=pltpu.CompilerParams(needs_layout_passes=False),
        scratch_types=[
            [pltpu.VMEM((2, CH), I32)] * 2,
            [pltpu.VMEM((CH,), I32)] * 2,
            pltpu.VMEM((128,), I32),
            pltpu.VMEM((CH,), F32),
            pltpu.VMEM((CH,), F32),
            pltpu.VMEM((stripe,), F32),
            pltpu.VMEM_SHARED((npn,), F32),
            pltpu.SemaphoreType.DMA,
            pltpu.SemaphoreType.DMA,
            pltpu.SemaphoreType.DMA,
            pltpu.SemaphoreType.DMA,
            pltpu.SemaphoreType.DMA,
        ],
    )
    def k(adj_hbm, out_hbm, src_out, dst_out, ib_v, idd_v, idx_x,
          ones_v, tail_v, zero_v, acc_sh,
          sem_l0, sem_l1, sem_s0, sem_s1, sem_o):
        cid = lax.axis_index("c")
        sid = lax.axis_index("s")
        wid = sid * NC + cid
        sem_l = (sem_l0, sem_l1)
        sem_s = (sem_s0, sem_s1)

        lane = jnp.arange(LANES, dtype=I32)

        @plsc.parallel_loop(0, CH, LANES, unroll=4)
        def fill_ones(j):
            ones_v[pl.ds(j, LANES)] = jnp.full((LANES,), 1.0, F32)
            tail_v[pl.ds(j, LANES)] = jnp.where(j + lane < tl, 1.0, 0.0)

        @plsc.parallel_loop(0, stripe, LANES, unroll=4)
        def fill_zero(j):
            zero_v[pl.ds(j, LANES)] = jnp.zeros((LANES,), F32)

        pltpu.sync_copy(zero_v, acc_sh.at[pl.ds(sid * stripe, stripe)])

        def ld(ci, p):
            base = wid * ept + ci * CH
            sz = CH if ci < nfull else tl
            if sz == CH:
                return pltpu.async_copy(adj_hbm.at[:, pl.ds(base, CH)],
                                        ib_v[p], sem_l[p])
            return pltpu.async_copy(adj_hbm.at[:, pl.ds(base, tl)],
                                    ib_v[p].at[:, pl.ds(0, tl)], sem_l[p])
        lds = {0: ld(0, 0)}
        sts = {}
        outs = {}
        plsc.subcore_barrier()
        for ci in range(nch):
            p = ci % 2
            base = wid * ept + ci * CH
            sz = CH if ci < nfull else tl
            lds.pop(ci).wait()
            if ci >= 1:
                sts.pop(ci - 1).wait()
            if ci >= 1:
                for d in outs.pop(ci - 1):
                    d.wait()
            if ci + 1 < nch:
                lds[ci + 1] = ld(ci + 1, 1 - p)

            @plsc.parallel_loop(0, CH, LANES, unroll=4)
            def depack(col):
                idd_v[p][pl.ds(col, LANES)] = ib_v[p][1, pl.ds(col, LANES)]

            vals = ones_v if ci < nfull else tail_v
            sts[ci] = pltpu.async_copy(vals, acc_sh.at[idd_v[p]],
                                       sem_s[p], add=True)
            outs[ci] = (
                pltpu.async_copy(ib_v[p].at[0, pl.ds(0, sz)],
                                 src_out.at[pl.ds(base, sz)], sem_o),
                pltpu.async_copy(idd_v[p].at[pl.ds(0, sz)],
                                 dst_out.at[pl.ds(base, sz)], sem_o),
            )
        sts.pop(nch - 1).wait()
        for ci in sorted(outs):
            for d in outs.pop(ci):
                d.wait()

        if xblk:
            @pl.when(wid < xblk)
            def _extra():
                xb = xbase + wid * 128
                pltpu.sync_copy(adj_hbm.at[:, pl.ds(xb, 128)],
                                ib_v[0].at[:, pl.ds(0, 128)])

                @plsc.parallel_loop(0, 128, LANES)
                def depack_x(col):
                    idx_x[pl.ds(col, LANES)] = ib_v[0][1, pl.ds(col, LANES)]

                pltpu.sync_copy(ones_v.at[pl.ds(0, 128)],
                                acc_sh.at[idx_x], add=True)
                pltpu.sync_copy(ib_v[0].at[0, pl.ds(0, 128)],
                                src_out.at[pl.ds(xb, 128)])
                pltpu.sync_copy(idx_x, dst_out.at[pl.ds(xb, 128)])
        plsc.subcore_barrier()
        pltpu.sync_copy(acc_sh.at[pl.ds(sid * stripe, stripe)], zero_v)
        pltpu.sync_copy(zero_v, out_hbm.at[pl.ds(cid * npn + sid * stripe, stripe)])

    return k(adj)


def _sc_segsum_s(src1, dst1, y, npn):
    ept = src1.shape[0] // NT
    nfull = ept // CH
    tl = ept - nfull * CH
    nch = nfull + (1 if tl else 0)
    stripe = npn // NS
    mesh = plsc.VectorSubcoreMesh(core_axis_name="c", subcore_axis_name="s")

    @functools.partial(
        pl.kernel,
        out_type=_sds((NC * npn,), F32),
        mesh=mesh,
        compiler_params=pltpu.CompilerParams(needs_layout_passes=False),
        scratch_types=[
            pltpu.VMEM((npn,), F32),
            [pltpu.VMEM((CH,), I32)] * 2,
            [pltpu.VMEM((CH,), I32)] * 2,
            [pltpu.VMEM((CH,), F32)] * 2,
            pltpu.VMEM((stripe,), F32),
            pltpu.VMEM_SHARED((npn,), F32),
            pltpu.SemaphoreType.DMA,
            pltpu.SemaphoreType.DMA,
            pltpu.SemaphoreType.DMA,
            pltpu.SemaphoreType.DMA,
            pltpu.SemaphoreType.DMA,
        ],
    )
    def k(src_hbm, dst_hbm, y_hbm, out_hbm,
          y_v, ids_v, idd_v, msg_v, zero_v, acc_sh,
          sem_l0, sem_l1, sem_s0, sem_s1, sem_t):
        cid = lax.axis_index("c")
        sid = lax.axis_index("s")
        wid = sid * NC + cid
        sem_l = (sem_l0, sem_l1)
        sem_s = (sem_s0, sem_s1)

        tab0 = pltpu.async_copy(y_hbm, y_v, sem_t)

        @plsc.parallel_loop(0, stripe, LANES, unroll=4)
        def fill_zero(j):
            zero_v[pl.ds(j, LANES)] = jnp.zeros((LANES,), F32)

        pltpu.sync_copy(zero_v, acc_sh.at[pl.ds(sid * stripe, stripe)])

        lane = jnp.arange(LANES, dtype=I32)

        def ld(ci, p):
            base = wid * ept + ci * CH
            sz = CH if ci < nfull else tl
            if sz == CH:
                return (pltpu.async_copy(src_hbm.at[pl.ds(base, CH)],
                                         ids_v[p], sem_l[p]),
                        pltpu.async_copy(dst_hbm.at[pl.ds(base, CH)],
                                         idd_v[p], sem_l[p]))
            return (pltpu.async_copy(src_hbm.at[pl.ds(base, tl)],
                                     ids_v[p].at[pl.ds(0, tl)], sem_l[p]),
                    pltpu.async_copy(dst_hbm.at[pl.ds(base, tl)],
                                     idd_v[p].at[pl.ds(0, tl)], sem_l[p]))
        lds = {0: ld(0, 0)}
        sts = {}
        tab0.wait()
        plsc.subcore_barrier()
        for ci in range(nch):
            p = ci % 2
            for d in lds.pop(ci):
                d.wait()
            if ci >= 1:
                sts.pop(ci - 1).wait()
            if ci + 1 < nch:
                lds[ci + 1] = ld(ci + 1, 1 - p)

            if ci < nfull:
                @plsc.parallel_loop(0, CH, LANES, unroll=4)
                def vec(col):
                    sv = ids_v[p][pl.ds(col, LANES)]
                    msg_v[p][pl.ds(col, LANES)] = plsc.load_gather(y_v, [sv])
            else:
                @plsc.parallel_loop(0, CH, LANES, unroll=4)
                def vec_tail(col):
                    sv = ids_v[p][pl.ds(col, LANES)]
                    m = plsc.load_gather(y_v, [sv])
                    m = jnp.where(col + lane < tl, m, 0.0)
                    msg_v[p][pl.ds(col, LANES)] = m

            sts[ci] = pltpu.async_copy(msg_v[p], acc_sh.at[idd_v[p]],
                                       sem_s[p], add=True)
        sts.pop(nch - 1).wait()
        plsc.subcore_barrier()
        pltpu.sync_copy(acc_sh.at[pl.ds(sid * stripe, stripe)], zero_v)
        pltpu.sync_copy(zero_v, out_hbm.at[pl.ds(cid * npn + sid * stripe, stripe)])

    return k(src1, dst1, y)


def _sc_segsum_pm(src1, dst1, w, npn):
    ept = src1.shape[0] // NT
    nfull = ept // CH
    tl = ept - nfull * CH
    nch = nfull + (1 if tl else 0)
    stripe = npn // NS
    mesh = plsc.VectorSubcoreMesh(core_axis_name="c", subcore_axis_name="s")

    @functools.partial(
        pl.kernel,
        out_type=_sds((2 * NC * npn,), F32),
        mesh=mesh,
        compiler_params=pltpu.CompilerParams(needs_layout_passes=False),
        scratch_types=[
            pltpu.VMEM((npn,), F32),
            [pltpu.VMEM((CH,), I32)] * 2,
            [pltpu.VMEM((CH,), I32)] * 2,
            [pltpu.VMEM((CH,), F32)] * 2,
            [pltpu.VMEM((CH,), F32)] * 2,
            pltpu.VMEM((stripe,), F32),
            pltpu.VMEM_SHARED((npn,), F32),
            pltpu.VMEM_SHARED((npn,), F32),
            pltpu.SemaphoreType.DMA,
            pltpu.SemaphoreType.DMA,
            pltpu.SemaphoreType.DMA,
            pltpu.SemaphoreType.DMA,
            pltpu.SemaphoreType.DMA,
        ],
    )
    def k(src_hbm, dst_hbm, w_hbm, out_hbm,
          w_v, ids_v, idd_v, msgp_v, msgn_v, zero_v, accp_sh, accn_sh,
          sem_l0, sem_l1, sem_s0, sem_s1, sem_t):
        cid = lax.axis_index("c")
        sid = lax.axis_index("s")
        wid = sid * NC + cid
        sem_l = (sem_l0, sem_l1)
        sem_s = (sem_s0, sem_s1)

        tab0 = pltpu.async_copy(w_hbm, w_v, sem_t)

        @plsc.parallel_loop(0, stripe, LANES, unroll=4)
        def fill_zero(j):
            zero_v[pl.ds(j, LANES)] = jnp.zeros((LANES,), F32)

        pltpu.sync_copy(zero_v, accp_sh.at[pl.ds(sid * stripe, stripe)])
        pltpu.sync_copy(zero_v, accn_sh.at[pl.ds(sid * stripe, stripe)])

        lane = jnp.arange(LANES, dtype=I32)

        def ld(ci, p):
            base = wid * ept + ci * CH
            sz = CH if ci < nfull else tl
            if sz == CH:
                return (pltpu.async_copy(src_hbm.at[pl.ds(base, CH)],
                                         ids_v[p], sem_l[p]),
                        pltpu.async_copy(dst_hbm.at[pl.ds(base, CH)],
                                         idd_v[p], sem_l[p]))
            return (pltpu.async_copy(src_hbm.at[pl.ds(base, tl)],
                                     ids_v[p].at[pl.ds(0, tl)], sem_l[p]),
                    pltpu.async_copy(dst_hbm.at[pl.ds(base, tl)],
                                     idd_v[p].at[pl.ds(0, tl)], sem_l[p]))
        lds = {0: ld(0, 0)}
        sts = {}
        tab0.wait()
        plsc.subcore_barrier()
        for ci in range(nch):
            p = ci % 2
            for d in lds.pop(ci):
                d.wait()
            if ci >= 1:
                for d in sts.pop(ci - 1):
                    d.wait()
            if ci + 1 < nch:
                lds[ci + 1] = ld(ci + 1, 1 - p)

            if ci < nfull:
                @plsc.parallel_loop(0, CH, LANES, unroll=4)
                def vec(col):
                    sv = ids_v[p][pl.ds(col, LANES)]
                    m = plsc.load_gather(w_v, [sv])
                    msgp_v[p][pl.ds(col, LANES)] = jnp.maximum(m, 0.0)
                    msgn_v[p][pl.ds(col, LANES)] = jnp.minimum(m, 0.0)
            else:
                @plsc.parallel_loop(0, CH, LANES, unroll=4)
                def vec_tail(col):
                    sv = ids_v[p][pl.ds(col, LANES)]
                    m = plsc.load_gather(w_v, [sv])
                    m = jnp.where(col + lane < tl, m, 0.0)
                    msgp_v[p][pl.ds(col, LANES)] = jnp.maximum(m, 0.0)
                    msgn_v[p][pl.ds(col, LANES)] = jnp.minimum(m, 0.0)

            sts[ci] = (pltpu.async_copy(msgp_v[p], accp_sh.at[idd_v[p]],
                                        sem_s[p], add=True),
                       pltpu.async_copy(msgn_v[p], accn_sh.at[idd_v[p]],
                                        sem_s[p], add=True))
        for d in sts.pop(nch - 1):
            d.wait()
        plsc.subcore_barrier()
        pltpu.sync_copy(accp_sh.at[pl.ds(sid * stripe, stripe)], zero_v)
        pltpu.sync_copy(zero_v, out_hbm.at[pl.ds(cid * npn + sid * stripe, stripe)])
        pltpu.sync_copy(accn_sh.at[pl.ds(sid * stripe, stripe)], zero_v)
        pltpu.sync_copy(zero_v, out_hbm.at[pl.ds((2 + cid) * npn + sid * stripe, stripe)])

    return k(src1, dst1, w)


def _tc_dis_uv(deg3, x2, w1, w2, a2):
    rn = deg3.shape[1]

    def body(deg_ref, x_ref, w1_ref, w2_ref, a_ref, dis_ref, y_ref, uv_ref):
        deg = deg_ref[0] + deg_ref[1] + 1.0
        dis = lax.rsqrt(deg)
        dis_ref[...] = dis
        y_ref[...] = dis * x_ref[...]
        w1v = w1_ref[...]
        a = a_ref[...]
        p = jnp.where(w1v >= 0.0, w1v, a * w1v)
        q = jnp.where(w1v <= 0.0, w1v, a * w1v)
        pq = jnp.concatenate([p, q], axis=0)
        uv_ref[...] = lax.dot_general(w2_ref[...], pq,
                                      (((0,), (1,)), ((), ())),
                                      preferred_element_type=F32)

    return pl.pallas_call(
        body,
        out_shape=(_sds((rn, 128), F32), _sds((rn, 128), F32),
                   _sds((w2.shape[1], 2), F32)),
    )(deg3, x2, w1, w2, a2)


def _tc_s_w(s_part3, x2, dis2):
    rn = x2.shape[0]

    def body(sp_ref, x_ref, dis_ref, s_ref, w_ref):
        dis = dis_ref[...]
        s = dis * (sp_ref[0] + sp_ref[1] + x_ref[...] * dis)
        s_ref[...] = s
        w_ref[...] = dis * s

    return pl.pallas_call(
        body,
        out_shape=(_sds((rn, 128), F32), _sds((rn, 128), F32)),
    )(s_part3, x2, dis2)


def _tc_final(tp0, tp1, tn0, tn1, s_row, dis_row, uvT, b2c, n, hid):
    npn = s_row.shape[1]
    bc = 4096
    grid = (npn + bc - 1) // bc

    def body(tp0_ref, tp1_ref, tn0_ref, tn1_ref, s_ref, dis_ref,
             uvT_ref, b2_ref, out_ref):
        dis = dis_ref[...]
        sl = dis * dis
        s = s_ref[...]
        tp = dis * (tp0_ref[...] + tp1_ref[...]) + jnp.maximum(s, 0.0) * sl
        tn = dis * (tn0_ref[...] + tn1_ref[...]) + jnp.minimum(s, 0.0) * sl
        u = uvT_ref[:, 0:1]
        v = uvT_ref[:, 1:2]
        out_ref[...] = u * tp + v * tn + b2_ref[...]

    row = pl.BlockSpec((1, bc), lambda i: (0, i))
    return pl.pallas_call(
        body,
        grid=(grid,),
        in_specs=[row, row, row, row, row, row,
                  pl.BlockSpec((hid, 2), lambda i: (0, 0)),
                  pl.BlockSpec((hid, 1), lambda i: (0, 0))],
        out_specs=pl.BlockSpec((hid, bc), lambda i: (0, i)),
        out_shape=_sds((hid, n), F32),
    )(tp0, tp1, tn0, tn1, s_row, dis_row, uvT, b2c)


def kernel(data_x, data_adj, W1, b1, prelu_a, W2, b2):
    n = data_x.shape[0]
    hid = W2.shape[1]
    e = data_adj.shape[1]

    npn = ((n + 128 + 127) // 128) * 128
    rn = npn // 128

    adj = data_adj.astype(I32)

    x = jnp.pad(jnp.reshape(data_x, (n,)), (0, npn - n))
    x2 = x.reshape(rn, 128)

    deg_part, src, dst = _sc_degree(adj, npn)
    dis2, y2, uvT = _tc_dis_uv(deg_part.reshape(NC, rn, 128), x2,
                               W1, W2,
                               jnp.reshape(prelu_a, (1, 1)))
    y = y2.reshape(npn)

    s_part = _sc_segsum_s(src, dst, y, npn)
    s2, w2arr = _tc_s_w(s_part.reshape(NC, rn, 128), x2, dis2)
    w = w2arr.reshape(npn)

    tptn = _sc_segsum_pm(src, dst, w, npn)
    tp0 = lax.slice(tptn, (0,), (npn,)).reshape(1, npn)
    tp1 = lax.slice(tptn, (npn,), (2 * npn,)).reshape(1, npn)
    tn0 = lax.slice(tptn, (2 * npn,), (3 * npn,)).reshape(1, npn)
    tn1 = lax.slice(tptn, (3 * npn,), (4 * npn,)).reshape(1, npn)
    outT = _tc_final(tp0, tp1, tn0, tn1,
                     s2.reshape(1, npn), dis2.reshape(1, npn), uvT,
                     b2.reshape(hid, 1), n, hid)
    return outT.T

# --- scband reference (transcript-rebuilt; emitter-appended) ---
"""Pipeline reference for scband-generator-16819091931356 (READ-ONLY COPY).

The authoritative reference and input builder live on the scoring server;
editing this copy changes nothing except your own understanding.
"""

import jax, jax.numpy as jnp
import numpy as np

N_NODES = 50000
N_EDGES = 800000
HID = 64


def gcn_conv(x, edge_index, W, b, n_nodes):
    # PyG-style GCNConv with add_self_loops=True and symmetric normalization
    src = edge_index[0]
    dst = edge_index[1]
    loop = jnp.arange(n_nodes, dtype=edge_index.dtype)
    src = jnp.concatenate([src, loop])
    dst = jnp.concatenate([dst, loop])
    deg = jnp.zeros((n_nodes,), dtype=x.dtype).at[dst].add(1.0)
    deg_inv_sqrt = jnp.where(deg > 0, 1.0 / jnp.sqrt(deg), 0.0)
    norm = deg_inv_sqrt[src] * deg_inv_sqrt[dst]
    xw = x @ W
    msg = norm[:, None] * jnp.take(xw, src, axis=0)
    out = jax.ops.segment_sum(msg, dst, num_segments=n_nodes)
    return out + b


def setup_inputs(seed: int = 0) -> dict:
    key = jax.random.key(seed)
    k1, k2, k3 = jax.random.split(key, 3)
    # self.x = torch.rand(N).view(-1, 1)
    data_x = jax.random.uniform(k1, (N_NODES, 1), dtype=jnp.float32)
    data_adj = jax.random.randint(k2, (2, N_EDGES), 0, N_NODES, dtype=jnp.int64)
    kw1, kw2 = jax.random.split(k3)
    W1 = jax.random.normal(kw1, (1, HID), dtype=jnp.float32) * (1.0 / np.sqrt(1))
    b1 = jnp.zeros((HID,), dtype=jnp.float32)
    prelu_a = jnp.array(0.25, dtype=jnp.float32)  # nn.PReLU default
    W2 = jax.random.normal(kw2, (HID, HID), dtype=jnp.float32) * (1.0 / np.sqrt(HID))
    b2 = jnp.zeros((HID,), dtype=jnp.float32)
    return {"data_x": data_x, "data_adj": data_adj, "W1": W1, "b1": b1,
            "prelu_a": prelu_a, "W2": W2, "b2": b2}


def reference(data_x, data_adj, W1, b1, prelu_a, W2, b2):
    n_nodes = data_x.shape[0]
    h = gcn_conv(data_x, data_adj, W1, b1, n_nodes)
    h = jnp.where(h >= 0, h, prelu_a * h)  # PReLU
    out = gcn_conv(h, data_adj, W2, b2, n_nodes)
    return out

if __name__ == "__main__":
    import jax
    _d = setup_inputs()
    print(jax.jit(kernel)(*tuple(_d.values())))

</pallas_src>

<mosaic_0001>
#map = affine_map<(d0, d1) -> (0, 0)>
#map1 = affine_map<(d0, d1) -> (0)>
module attributes {stable_mosaic.version = 14 : i64} {
  func.func @k(%arg0: i32, %arg1: i32, %arg2: memref<2x800000xi32, #tpu.memory_space<hbm>>, %arg3: memref<100352xf32, #tpu.memory_space<hbm>>, %arg4: memref<800000xi32, #tpu.memory_space<hbm>>, %arg5: memref<800000xi32, #tpu.memory_space<hbm>>, %arg6: memref<2x5120xi32, #tpu.memory_space<vmem>>, %arg7: memref<2x5120xi32, #tpu.memory_space<vmem>>, %arg8: memref<5120xi32, #tpu.memory_space<vmem>>, %arg9: memref<5120xi32, #tpu.memory_space<vmem>>, %arg10: memref<128xi32, #tpu.memory_space<vmem>>, %arg11: memref<5120xf32, #tpu.memory_space<vmem>>, %arg12: memref<5120xf32, #tpu.memory_space<vmem>>, %arg13: memref<3136xf32, #tpu.memory_space<vmem>>, %arg14: memref<50176xf32, #tpu.memory_space<vmem_shared>>, %arg15: memref<!tpu.dma_semaphore, #tpu.memory_space<semaphore_mem>>, %arg16: memref<!tpu.dma_semaphore, #tpu.memory_space<semaphore_mem>>, %arg17: memref<!tpu.dma_semaphore, #tpu.memory_space<semaphore_mem>>, %arg18: memref<!tpu.dma_semaphore, #tpu.memory_space<semaphore_mem>>, %arg19: memref<!tpu.dma_semaphore, #tpu.memory_space<semaphore_mem>>) attributes {dimension_semantics = [#tpu.dimension_semantics<core_parallel>, #tpu.dimension_semantics<subcore_parallel>], iteration_bounds = array<i64: 2, 16>, scalar_prefetch = 0 : i64, scratch_operands = 14 : i64, tpu.core_type = #tpu.core_type<sc_vector_subcore>, window_params = [{transform_indices = #map}, {transform_indices = #map1}, {transform_indices = #map1}, {transform_indices = #map1}]} {
    %mul3A = arith.constant 2 : i32
    %mul3A_0 = arith.muli %arg1, %mul3A : i32
    %add3A = arith.addi %mul3A_0, %arg0 : i32
    %iota3A = tpu.iota {dimensions = array<i32: 0>} : vector<16xi32>
    %parallel_loop3A = arith.constant 0 : i32
    %parallel_loop3A_1 = arith.constant 5120 : i32
    %parallel_loop3A_2 = arith.constant 16 : i32
    scf.for %parallel_loop3A_293 = %parallel_loop3A to %parallel_loop3A_1 step %parallel_loop3A_2  : i32 {
      %parallel_loop3A_294 = arith.constant 1.000000e+00 : f32
      %parallel_loop3A_295 = vector.broadcast %parallel_loop3A_294 : f32 to vector<16xf32>
      %parallel_loop3A_296 = arith.index_cast %parallel_loop3A_293 : i32 to index
      %parallel_loop3A_297 = tpu.vector_load %arg11[%parallel_loop3A_296] {strides = array<i32>} : memref<5120xf32, #tpu.memory_space<vmem>>, vector<16xf32>,
      tpu.vector_store %arg11[%parallel_loop3A_296], %parallel_loop3A_295 {strides = array<i32>} : memref<5120xf32, #tpu.memory_space<vmem>>, vector<16xf32>,
      %parallel_loop3A_298 = vector.broadcast %parallel_loop3A_293 : i32 to vector<16xi32>
      %parallel_loop3A_299 = arith.addi %parallel_loop3A_298, %iota3A : vector<16xi32>
      %parallel_loop3A_300 = arith.constant 4480 : i32
      %parallel_loop3A_301 = vector.broadcast %parallel_loop3A_300 : i32 to vector<16xi32>
      %parallel_loop3A_302 = arith.cmpi slt, %parallel_loop3A_299, %parallel_loop3A_301 : vector<16xi32>
      %parallel_loop3A_303 = arith.constant 1.000000e+00 : f32
      %parallel_loop3A_304 = arith.constant 0.000000e+00 : f32
      %parallel_loop3A_305 = vector.broadcast %parallel_loop3A_303 : f32 to vector<16xf32>
      %parallel_loop3A_306 = vector.broadcast %parallel_loop3A_304 : f32 to vector<16xf32>
      %parallel_loop3A_307 = arith.select %parallel_loop3A_302, %parallel_loop3A_305, %parallel_loop3A_306 : vector<16xi1>, vector<16xf32>
      %parallel_loop3A_308 = arith.index_cast %parallel_loop3A_293 : i32 to index
      %parallel_loop3A_309 = tpu.vector_load %arg12[%parallel_loop3A_308] {strides = array<i32>} : memref<5120xf32, #tpu.memory_space<vmem>>, vector<16xf32>,
      tpu.vector_store %arg12[%parallel_loop3A_308], %parallel_loop3A_307 {strides = array<i32>} : memref<5120xf32, #tpu.memory_space<vmem>>, vector<16xf32>,
    } {sc.loop_unroll_factor = 4 : i64, sc.parallel_access}
    %parallel_loop3A_3 = arith.constant 0 : i32
    %parallel_loop3A_4 = arith.constant 3136 : i32
    %parallel_loop3A_5 = arith.constant 16 : i32
    scf.for %parallel_loop3A_293 = %parallel_loop3A_3 to %parallel_loop3A_4 step %parallel_loop3A_5  : i32 {
      %parallel_loop3A_294 = arith.constant 0.000000e+00 : f32
      %parallel_loop3A_295 = vector.broadcast %parallel_loop3A_294 : f32 to vector<16xf32>
      %parallel_loop3A_296 = arith.index_cast %parallel_loop3A_293 : i32 to index
      %parallel_loop3A_297 = tpu.vector_load %arg13[%parallel_loop3A_296] {strides = array<i32>} : memref<3136xf32, #tpu.memory_space<vmem>>, vector<16xf32>,
      tpu.vector_store %arg13[%parallel_loop3A_296], %parallel_loop3A_295 {strides = array<i32>} : memref<3136xf32, #tpu.memory_space<vmem>>, vector<16xf32>,
    } {sc.loop_unroll_factor = 4 : i64, sc.parallel_access}
    %mul3A_6 = arith.constant 3136 : i32
    %mul3A_7 = arith.muli %arg1, %mul3A_6 : i32
    "tpu.region"() ({
      %run_scoped3A = tpu.sem_alloc : memref<!tpu.dma_semaphore, #tpu.memory_space<semaphore_mem>>
      %dma_start3A_293 = tpu.memref_slice %arg14[%mul3A_7] : memref<50176xf32, #tpu.memory_space<vmem_shared>> -> memref<3136xf32, #tpu.memory_space<vmem_shared>>
      %dma_start3A_294 = tpu.memref_slice %arg14[%mul3A_7] : memref<50176xf32, #tpu.memory_space<vmem_shared>> -> memref<3136xf32, #tpu.memory_space<vmem_shared>>
      tpu.enqueue_dma source(%arg13 : memref<3136xf32, #tpu.memory_space<vmem>>) target(%dma_start3A_294 : memref<3136xf32, #tpu.memory_space<vmem_shared>>) target_semaphore(%run_scoped3A : memref<!tpu.dma_semaphore, #tpu.memory_space<semaphore_mem>>)
      %dma_wait3A_295 = tpu.memref_slice %arg14[%mul3A_7] : memref<50176xf32, #tpu.memory_space<vmem_shared>> -> memref<3136xf32, #tpu.memory_space<vmem_shared>>
      %dma_wait3A_296 = tpu.memref_slice %arg14[%mul3A_7] : memref<50176xf32, #tpu.memory_space<vmem_shared>> -> memref<3136xf32, #tpu.memory_space<vmem_shared>>
      tpu.wait_dma2 semaphore(%run_scoped3A : memref<!tpu.dma_semaphore, #tpu.memory_space<semaphore_mem>>) src(%arg13 : memref<3136xf32, #tpu.memory_space<vmem>>) dst(%dma_wait3A_296 : memref<3136xf32, #tpu.memory_space<vmem_shared>>)
      tpu.yield
    }) : () -> ()
    %mul3A_8 = arith.constant 24960 : i32
    %mul3A_9 = arith.muli %add3A, %mul3A_8 : i32
    %add3A_10 = arith.constant 0 : i32
    %add3A_11 = arith.addi %mul3A_9, %add3A_10 : i32
    %dma_start3A = arith.constant 0 : i32
    %dma_start3A_12 = tpu.memref_slice %arg2[%dma_start3A, %add3A_11] : memref<2x800000xi32, #tpu.memory_space<hbm>> -> memref<2x5120xi32, #tpu.memory_space<hbm>>
    %dma_start3A_13 = arith.constant 0 : i32
    %dma_start3A_14 = tpu.memref_slice %arg2[%dma_start3A_13, %add3A_11] : memref<2x800000xi32, #tpu.memory_space<hbm>> -> memref<2x5120xi32, #tpu.memory_space<hbm>>
    tpu.enqueue_dma source(%dma_start3A_14 : memref<2x5120xi32, #tpu.memory_space<hbm>>) target(%arg6 : memref<2x5120xi32, #tpu.memory_space<vmem>>) target_semaphore(%arg15 : memref<!tpu.dma_semaphore, #tpu.memory_space<semaphore_mem>>)
    %barrier3A = arith.constant 0 : index
    tpu.barrier barrier_id(%barrier3A)
    %mul3A_15 = arith.constant 24960 : i32
    %mul3A_16 = arith.muli %add3A, %mul3A_15 : i32
    %add3A_17 = arith.constant 0 : i32
    %add3A_18 = arith.addi %mul3A_16, %add3A_17 : i32
    %dma_wait3A = arith.constant 0 : i32
    %dma_wait3A_19 = tpu.memref_slice %arg2[%dma_wait3A, %add3A_11] : memref<2x800000xi32, #tpu.memory_space<hbm>> -> memref<2x5120xi32, #tpu.memory_space<hbm>>
    %dma_wait3A_20 = arith.constant 0 : i32
    %dma_wait3A_21 = tpu.memref_slice %arg2[%dma_wait3A_20, %add3A_11] : memref<2x800000xi32, #tpu.memory_space<hbm>> -> memref<2x5120xi32, #tpu.memory_space<hbm>>
    tpu.wait_dma2 semaphore(%arg15 : memref<!tpu.dma_semaphore, #tpu.memory_space<semaphore_mem>>) src(%dma_wait3A_21 : memref<2x5120xi32, #tpu.memory_space<hbm>>) dst(%arg6 : memref<2x5120xi32, #tpu.memory_space<vmem>>)
    %mul3A_22 = arith.constant 24960 : i32
    %mul3A_23 = arith.muli %add3A, %mul3A_22 : i32
    %add3A_24 = arith.constant 5120 : i32
    %add3A_25 = arith.addi %mul3A_23, %add3A_24 : i32
    %dma_start3A_26 = arith.constant 0 : i32
    %dma_start3A_27 = tpu.memref_slice %arg2[%dma_start3A_26, %add3A_25] : memref<2x800000xi32, #tpu.memory_space<hbm>> -> memref<2x5120xi32, #tpu.memory_space<hbm>>
    %dma_start3A_28 = arith.constant 0 : i32
    %dma_start3A_29 = tpu.memref_slice %arg2[%dma_start3A_28, %add3A_25] : memref<2x800000xi32, #tpu.memory_space<hbm>> -> memref<2x5120xi32, #tpu.memory_space<hbm>>
    tpu.enqueue_dma source(%dma_start3A_29 : memref<2x5120xi32, #tpu.memory_space<hbm>>) target(%arg7 : memref<2x5120xi32, #tpu.memory_space<vmem>>) target_semaphore(%arg16 : memref<!tpu.dma_semaphore, #tpu.memory_space<semaphore_mem>>)
    %parallel_loop3A_30 = arith.constant 0 : i32
    %parallel_loop3A_31 = arith.constant 5120 : i32
    %parallel_loop3A_32 = arith.constant 16 : i32
    scf.for %parallel_loop3A_293 = %parallel_loop3A_30 to %parallel_loop3A_31 step %parallel_loop3A_32  : i32 {
      %parallel_loop3A_294 = arith.constant 1 : i32
      %parallel_loop3A_295 = arith.index_cast %parallel_loop3A_294 : i32 to index
      %parallel_loop3A_296 = arith.index_cast %parallel_loop3A_293 : i32 to index
      %parallel_loop3A_297 = tpu.vector_load %arg6[%parallel_loop3A_295, %parallel_loop3A_296] {strides = array<i32>} : memref<2x5120xi32, #tpu.memory_space<vmem>>, vector<16xi32>,
      %parallel_loop3A_298 = arith.index_cast %parallel_loop3A_293 : i32 to index
      %parallel_loop3A_299 = tpu.vector_load %arg8[%parallel_loop3A_298] {strides = array<i32>} : memref<5120xi32, #tpu.memory_space<vmem>>, vector<16xi32>,
      tpu.vector_store %arg8[%parallel_loop3A_298], %parallel_loop3A_297 {strides = array<i32>} : memref<5120xi32, #tpu.memory_space<vmem>>, vector<16xi32>,
    } {sc.loop_unroll_factor = 4 : i64, sc.parallel_access}
    %dma_start3A_33 = arith.constant 0 : i32
    %dma_start3A_34 = tpu.memref_slice %arg14[%dma_start3A_33] : memref<50176xf32, #tpu.memory_space<vmem_shared>> -> memref<50176xf32, #tpu.memory_space<vmem_shared>>
    tpu.enqueue_indirect_dma source(%arg11 : memref<5120xf32, #tpu.memory_space<vmem>>) target(%dma_start3A_34 : memref<50176xf32, #tpu.memory_space<vmem_shared>>) offsets(%arg8 : memref<5120xi32, #tpu.memory_space<vmem>>) semaphore(%arg17 : memref<!tpu.dma_semaphore, #tpu.memory_space<semaphore_mem>>) {add = true}
    %dma_start3A_35 = arith.constant 0 : i32
    %dma_start3A_36 = arith.constant 0 : i32
    %dma_start3A_37 = tpu.memref_slice %arg6[%dma_start3A_35, %dma_start3A_36] : memref<2x5120xi32, #tpu.memory_space<vmem>> -> memref<1x5120xi32, #tpu.memory_space<vmem>>
    %dma_start3A_38 = tpu.memref_squeeze %dma_start3A_37 : memref<1x5120xi32, #tpu.memory_space<vmem>> -> memref<5120xi32, #tpu.memory_space<vmem>>
    %dma_start3A_39 = tpu.memref_slice %arg4[%add3A_18] : memref<800000xi32, #tpu.memory_space<hbm>> -> memref<5120xi32, #tpu.memory_space<hbm>>
    %dma_start3A_40 = tpu.memref_slice %arg4[%add3A_18] : memref<800000xi32, #tpu.memory_space<hbm>> -> memref<5120xi32, #tpu.memory_space<hbm>>
    %dma_start3A_41 = arith.constant 0 : i32
    %dma_start3A_42 = tpu.memref_slice %arg6[%dma_start3A_35, %dma_start3A_41] : memref<2x5120xi32, #tpu.memory_space<vmem>> -> memref<1x5120xi32, #tpu.memory_space<vmem>>
    %dma_start3A_43 = tpu.memref_squeeze %dma_start3A_42 : memref<1x5120xi32, #tpu.memory_space<vmem>> -> memref<5120xi32, #tpu.memory_space<vmem>>
    tpu.enqueue_dma source(%dma_start3A_43 : memref<5120xi32, #tpu.memory_space<vmem>>) target(%dma_start3A_40 : memref<5120xi32, #tpu.memory_space<hbm>>) target_semaphore(%arg19 : memref<!tpu.dma_semaphore, #tpu.memory_space<semaphore_mem>>)
    %dma_start3A_44 = arith.constant 0 : i32
    %dma_start3A_45 = tpu.memref_slice %arg8[%dma_start3A_44] : memref<5120xi32, #tpu.memory_space<vmem>> -> memref<5120xi32, #tpu.memory_space<vmem>>
    %dma_start3A_46 = tpu.memref_slice %arg5[%add3A_18] : memref<800000xi32, #tpu.memory_space<hbm>> -> memref<5120xi32, #tpu.memory_space<hbm>>
    %dma_start3A_47 = tpu.memref_slice %arg5[%add3A_18] : memref<800000xi32, #tpu.memory_space<hbm>> -> memref<5120xi32, #tpu.memory_space<hbm>>
    %dma_start3A_48 = arith.constant 0 : i32
    %dma_start3A_49 = tpu.memref_slice %arg8[%dma_start3A_48] : memref<5120xi32, #tpu.memory_space<vmem>> -> memref<5120xi32, #tpu.memory_space<vmem>>
    tpu.enqueue_dma source(%dma_start3A_49 : memref<5120xi32, #tpu.memory_space<vmem>>) target(%dma_start3A_47 : memref<5120xi32, #tpu.memory_space<hbm>>) target_semaphore(%arg19 : memref<!tpu.dma_semaphore, #tpu.memory_space<semaphore_mem>>)
    %mul3A_50 = arith.constant 24960 : i32
    %mul3A_51 = arith.muli %add3A, %mul3A_50 : i32
    %add3A_52 = arith.constant 5120 : i32
    %add3A_53 = arith.addi %mul3A_51, %add3A_52 : i32
    %dma_wait3A_54 = arith.constant 0 : i32
    %dma_wait3A_55 = tpu.memref_slice %arg2[%dma_wait3A_54, %add3A_25] : memref<2x800000xi32, #tpu.memory_space<hbm>> -> memref<2x5120xi32, #tpu.memory_space<hbm>>
    %dma_wait3A_56 = arith.constant 0 : i32
    %dma_wait3A_57 = tpu.memref_slice %arg2[%dma_wait3A_56, %add3A_25] : memref<2x800000xi32, #tpu.memory_space<hbm>> -> memref<2x5120xi32, #tpu.memory_space<hbm>>
    tpu.wait_dma2 semaphore(%arg16 : memref<!tpu.dma_semaphore, #tpu.memory_space<semaphore_mem>>) src(%dma_wait3A_57 : memref<2x5120xi32, #tpu.memory_space<hbm>>) dst(%arg7 : memref<2x5120xi32, #tpu.memory_space<vmem>>)
    %dma_wait3A_58 = arith.constant 0 : i32
    %dma_wait3A_59 = tpu.memref_slice %arg14[%dma_wait3A_58] : memref<50176xf32, #tpu.memory_space<vmem_shared>> -> memref<50176xf32, #tpu.memory_space<vmem_shared>>
    tpu.wait_indirect_dma semaphore(%arg17 : memref<!tpu.dma_semaphore, #tpu.memory_space<semaphore_mem>>) src(%arg11 : memref<5120xf32, #tpu.memory_space<vmem>>) dst(%dma_wait3A_59 : memref<50176xf32, #tpu.memory_space<vmem_shared>>)
    %dma_wait3A_60 = arith.constant 0 : i32
    %dma_wait3A_61 = arith.constant 0 : i32
    %dma_wait3A_62 = tpu.memref_slice %arg6[%dma_wait3A_60, %dma_wait3A_61] : memref<2x5120xi32, #tpu.memory_space<vmem>> -> memref<1x5120xi32, #tpu.memory_space<vmem>>
    %dma_wait3A_63 = tpu.memref_squeeze %dma_wait3A_62 : memref<1x5120xi32, #tpu.memory_space<vmem>> -> memref<5120xi32, #tpu.memory_space<vmem>>
    %dma_wait3A_64 = tpu.memref_slice %arg4[%add3A_18] : memref<800000xi32, #tpu.memory_space<hbm>> -> memref<5120xi32, #tpu.memory_space<hbm>>
    %dma_wait3A_65 = tpu.memref_slice %arg4[%add3A_18] : memref<800000xi32, #tpu.memory_space<hbm>> -> memref<5120xi32, #tpu.memory_space<hbm>>
    %dma_wait3A_66 = arith.constant 0 : i32
    %dma_wait3A_67 = tpu.memref_slice %arg6[%dma_wait3A_60, %dma_wait3A_66] : memref<2x5120xi32, #tpu.memory_space<vmem>> -> memref<1x5120xi32, #tpu.memory_space<vmem>>
    %dma_wait3A_68 = tpu.memref_squeeze %dma_wait3A_67 : memref<1x5120xi32, #tpu.memory_space<vmem>> -> memref<5120xi32, #tpu.memory_space<vmem>>
    tpu.wait_dma2 semaphore(%arg19 : memref<!tpu.dma_semaphore, #tpu.memory_space<semaphore_mem>>) src(%dma_wait3A_68 : memref<5120xi32, #tpu.memory_space<vmem>>) dst(%dma_wait3A_65 : memref<5120xi32, #tpu.memory_space<hbm>>)
    %dma_wait3A_69 = arith.constant 0 : i32
    %dma_wait3A_70 = tpu.memref_slice %arg8[%dma_wait3A_69] : memref<5120xi32, #tpu.memory_space<vmem>> -> memref<5120xi32, #tpu.memory_space<vmem>>
    %dma_wait3A_71 = tpu.memref_slice %arg5[%add3A_18] : memref<800000xi32, #tpu.memory_space<hbm>> -> memref<5120xi32, #tpu.memory_space<hbm>>
    %dma_wait3A_72 = tpu.memref_slice %arg5[%add3A_18] : memref<800000xi32, #tpu.memory_space<hbm>> -> memref<5120xi32, #tpu.memory_space<hbm>>
    %dma_wait3A_73 = arith.constant 0 : i32
    %dma_wait3A_74 = tpu.memref_slice %arg8[%dma_wait3A_73] : memref<5120xi32, #tpu.memory_space<vmem>> -> memref<5120xi32, #tpu.memory_space<vmem>>
    tpu.wait_dma2 semaphore(%arg19 : memref<!tpu.dma_semaphore, #tpu.memory_space<semaphore_mem>>) src(%dma_wait3A_74 : memref<5120xi32, #tpu.memory_space<vmem>>) dst(%dma_wait3A_72 : memref<5120xi32, #tpu.memory_space<hbm>>)
    %mul3A_75 = arith.constant 24960 : i32
    %mul3A_76 = arith.muli %add3A, %mul3A_75 : i32
    %add3A_77 = arith.constant 10240 : i32
    %add3A_78 = arith.addi %mul3A_76, %add3A_77 : i32
    %dma_start3A_79 = arith.constant 0 : i32
    %dma_start3A_80 = tpu.memref_slice %arg2[%dma_start3A_79, %add3A_78] : memref<2x800000xi32, #tpu.memory_space<hbm>> -> memref<2x5120xi32, #tpu.memory_space<hbm>>
    %dma_start3A_81 = arith.constant 0 : i32
    %dma_start3A_82 = tpu.memref_slice %arg2[%dma_start3A_81, %add3A_78] : memref<2x800000xi32, #tpu.memory_space<hbm>> -> memref<2x5120xi32, #tpu.memory_space<hbm>>
    tpu.enqueue_dma source(%dma_start3A_82 : memref<2x5120xi32, #tpu.memory_space<hbm>>) target(%arg6 : memref<2x5120xi32, #tpu.memory_space<vmem>>) target_semaphore(%arg15 : memref<!tpu.dma_semaphore, #tpu.memory_space<semaphore_mem>>)
    %parallel_loop3A_83 = arith.constant 0 : i32
    %parallel_loop3A_84 = arith.constant 5120 : i32
    %parallel_loop3A_85 = arith.constant 16 : i32
    scf.for %parallel_loop3A_293 = %parallel_loop3A_83 to %parallel_loop3A_84 step %parallel_loop3A_85  : i32 {
      %parallel_loop3A_294 = arith.constant 1 : i32
      %parallel_loop3A_295 = arith.index_cast %parallel_loop3A_294 : i32 to index
      %parallel_loop3A_296 = arith.index_cast %parallel_loop3A_293 : i32 to index
      %parallel_loop3A_297 = tpu.vector_load %arg7[%parallel_loop3A_295, %parallel_loop3A_296] {strides = array<i32>} : memref<2x5120xi32, #tpu.memory_space<vmem>>, vector<16xi32>,
      %parallel_loop3A_298 = arith.index_cast %parallel_loop3A_293 : i32 to index
      %parallel_loop3A_299 = tpu.vector_load %arg9[%parallel_loop3A_298] {strides = array<i32>} : memref<5120xi32, #tpu.memory_space<vmem>>, vector<16xi32>,
      tpu.vector_store %arg9[%parallel_loop3A_298], %parallel_loop3A_297 {strides = array<i32>} : memref<5120xi32, #tpu.memory_space<vmem>>, vector<16xi32>,
    } {sc.loop_unroll_factor = 4 : i64, sc.parallel_access}
    %dma_start3A_86 = arith.constant 0 : i32
    %dma_start3A_87 = tpu.memref_slice %arg14[%dma_start3A_86] : memref<50176xf32, #tpu.memory_space<vmem_shared>> -> memref<50176xf32, #tpu.memory_space<vmem_shared>>
    tpu.enqueue_indirect_dma source(%arg11 : memref<5120xf32, #tpu.memory_space<vmem>>) target(%dma_start3A_87 : memref<50176xf32, #tpu.memory_space<vmem_shared>>) offsets(%arg9 : memref<5120xi32, #tpu.memory_space<vmem>>) semaphore(%arg18 : memref<!tpu.dma_semaphore, #tpu.memory_space<semaphore_mem>>) {add = true}
    %dma_start3A_88 = arith.constant 0 : i32
    %dma_start3A_89 = arith.constant 0 : i32
    %dma_start3A_90 = tpu.memref_slice %arg7[%dma_start3A_88, %dma_start3A_89] : memref<2x5120xi32, #tpu.memory_space<vmem>> -> memref<1x5120xi32, #tpu.memory_space<vmem>>
    %dma_start3A_91 = tpu.memref_squeeze %dma_start3A_90 : memref<1x5120xi32, #tpu.memory_space<vmem>> -> memref<5120xi32, #tpu.memory_space<vmem>>
    %dma_start3A_92 = tpu.memref_slice %arg4[%add3A_53] : memref<800000xi32, #tpu.memory_space<hbm>> -> memref<5120xi32, #tpu.memory_space<hbm>>
    %dma_start3A_93 = tpu.memref_slice %arg4[%add3A_53] : memref<800000xi32, #tpu.memory_space<hbm>> -> memref<5120xi32, #tpu.memory_space<hbm>>
    %dma_start3A_94 = arith.constant 0 : i32
    %dma_start3A_95 = tpu.memref_slice %arg7[%dma_start3A_88, %dma_start3A_94] : memref<2x5120xi32, #tpu.memory_space<vmem>> -> memref<1x5120xi32, #tpu.memory_space<vmem>>
    %dma_start3A_96 = tpu.memref_squeeze %dma_start3A_95 : memref<1x5120xi32, #tpu.memory_space<vmem>> -> memref<5120xi32, #tpu.memory_space<vmem>>
    tpu.enqueue_dma source(%dma_start3A_96 : memref<5120xi32, #tpu.memory_space<vmem>>) target(%dma_start3A_93 : memref<5120xi32, #tpu.memory_space<hbm>>) target_semaphore(%arg19 : memref<!tpu.dma_semaphore, #tpu.memory_space<semaphore_mem>>)
    %dma_start3A_97 = arith.constant 0 : i32
    %dma_start3A_98 = tpu.memref_slice %arg9[%dma_start3A_97] : memref<5120xi32, #tpu.memory_space<vmem>> -> memref<5120xi32, #tpu.memory_space<vmem>>
    %dma_start3A_99 = tpu.memref_slice %arg5[%add3A_53] : memref<800000xi32, #tpu.memory_space<hbm>> -> memref<5120xi32, #tpu.memory_space<hbm>>
    %dma_start3A_100 = tpu.memref_slice %arg5[%add3A_53] : memref<800000xi32, #tpu.memory_space<hbm>> -> memref<5120xi32, #tpu.memory_space<hbm>>
    %dma_start3A_101 = arith.constant 0 : i32
    %dma_start3A_102 = tpu.memref_slice %arg9[%dma_start3A_101] : memref<5120xi32, #tpu.memory_space<vmem>> -> memref<5120xi32, #tpu.memory_space<vmem>>
    tpu.enqueue_dma source(%dma_start3A_102 : memref<5120xi32, #tpu.memory_space<vmem>>) target(%dma_start3A_100 : memref<5120xi32, #tpu.memory_space<hbm>>) target_semaphore(%arg19 : memref<!tpu.dma_semaphore, #tpu.memory_space<semaphore_mem>>)
    %mul3A_103 = arith.constant 24960 : i32
    %mul3A_104 = arith.muli %add3A, %mul3A_103 : i32
    %add3A_105 = arith.constant 10240 : i32
    %add3A_106 = arith.addi %mul3A_104, %add3A_105 : i32
    %dma_wait3A_107 = arith.constant 0 : i32
    %dma_wait3A_108 = tpu.memref_slice %arg2[%dma_wait3A_107, %add3A_78] : memref<2x800000xi32, #tpu.memory_space<hbm>> -> memref<2x5120xi32, #tpu.memory_space<hbm>>
    %dma_wait3A_109 = arith.constant 0 : i32
    %dma_wait3A_110 = tpu.memref_slice %arg2[%dma_wait3A_109, %add3A_78] : memref<2x800000xi32, #tpu.memory_space<hbm>> -> memref<2x5120xi32, #tpu.memory_space<hbm>>
    tpu.wait_dma2 semaphore(%arg15 : memref<!tpu.dma_semaphore, #tpu.memory_space<semaphore_mem>>) src(%dma_wait3A_110 : memref<2x5120xi32, #tpu.memory_space<hbm>>) dst(%arg6 : memref<2x5120xi32, #tpu.memory_space<vmem>>)
    %dma_wait3A_111 = arith.constant 0 : i32
    %dma_wait3A_112 = tpu.memref_slice %arg14[%dma_wait3A_111] : memref<50176xf32, #tpu.memory_space<vmem_shared>> -> memref<50176xf32, #tpu.memory_space<vmem_shared>>
    tpu.wait_indirect_dma semaphore(%arg18 : memref<!tpu.dma_semaphore, #tpu.memory_space<semaphore_mem>>) src(%arg11 : memref<5120xf32, #tpu.memory_space<vmem>>) dst(%dma_wait3A_112 : memref<50176xf32, #tpu.memory_space<vmem_shared>>)
    %dma_wait3A_113 = arith.constant 0 : i32
    %dma_wait3A_114 = arith.constant 0 : i32
    %dma_wait3A_115 = tpu.memref_slice %arg7[%dma_wait3A_113, %dma_wait3A_114] : memref<2x5120xi32, #tpu.memory_space<vmem>> -> memref<1x5120xi32, #tpu.memory_space<vmem>>
    %dma_wait3A_116 = tpu.memref_squeeze %dma_wait3A_115 : memref<1x5120xi32, #tpu.memory_space<vmem>> -> memref<5120xi32, #tpu.memory_space<vmem>>
    %dma_wait3A_117 = tpu.memref_slice %arg4[%add3A_53] : memref<800000xi32, #tpu.memory_space<hbm>> -> memref<5120xi32, #tpu.memory_space<hbm>>
    %dma_wait3A_118 = tpu.memref_slice %arg4[%add3A_53] : memref<800000xi32, #tpu.memory_space<hbm>> -> memref<5120xi32, #tpu.memory_space<hbm>>
    %dma_wait3A_119 = arith.constant 0 : i32
    %dma_wait3A_120 = tpu.memref_slice %arg7[%dma_wait3A_113, %dma_wait3A_119] : memref<2x5120xi32, #tpu.memory_space<vmem>> -> memref<1x5120xi32, #tpu.memory_space<vmem>>
    %dma_wait3A_121 = tpu.memref_squeeze %dma_wait3A_120 : memref<1x5120xi32, #tpu.memory_space<vmem>> -> memref<5120xi32, #tpu.memory_space<vmem>>
    tpu.wait_dma2 semaphore(%arg19 : memref<!tpu.dma_semaphore, #tpu.memory_space<semaphore_mem>>) src(%dma_wait3A_121 : memref<5120xi32, #tpu.memory_space<vmem>>) dst(%dma_wait3A_118 : memref<5120xi32, #tpu.memory_space<hbm>>)
    %dma_wait3A_122 = arith.constant 0 : i32
    %dma_wait3A_123 = tpu.memref_slice %arg9[%dma_wait3A_122] : memref<5120xi32, #tpu.memory_space<vmem>> -> memref<5120xi32, #tpu.memory_space<vmem>>
    %dma_wait3A_124 = tpu.memref_slice %arg5[%add3A_53] : memref<800000xi32, #tpu.memory_space<hbm>> -> memref<5120xi32, #tpu.memory_space<hbm>>
    %dma_wait3A_125 = tpu.memref_slice %arg5[%add3A_53] : memref<800000xi32, #tpu.memory_space<hbm>> -> memref<5120xi32, #tpu.memory_space<hbm>>
    %dma_wait3A_126 = arith.constant 0 : i32
    %dma_wait3A_127 = tpu.memref_slice %arg9[%dma_wait3A_126] : memref<5120xi32, #tpu.memory_space<vmem>> -> memref<5120xi32, #tpu.memory_space<vmem>>
    tpu.wait_dma2 semaphore(%arg19 : memref<!tpu.dma_semaphore, #tpu.memory_space<semaphore_mem>>) src(%dma_wait3A_127 : memref<5120xi32, #tpu.memory_space<vmem>>) dst(%dma_wait3A_125 : memref<5120xi32, #tpu.memory_space<hbm>>)
    %mul3A_128 = arith.constant 24960 : i32
    %mul3A_129 = arith.muli %add3A, %mul3A_128 : i32
    %add3A_130 = arith.constant 15360 : i32
    %add3A_131 = arith.addi %mul3A_129, %add3A_130 : i32
    %dma_start3A_132 = arith.constant 0 : i32
    %dma_start3A_133 = tpu.memref_slice %arg2[%dma_start3A_132, %add3A_131] : memref<2x800000xi32, #tpu.memory_space<hbm>> -> memref<2x5120xi32, #tpu.memory_space<hbm>>
    %dma_start3A_134 = arith.constant 0 : i32
    %dma_start3A_135 = tpu.memref_slice %arg2[%dma_start3A_134, %add3A_131] : memref<2x800000xi32, #tpu.memory_space<hbm>> -> memref<2x5120xi32, #tpu.memory_space<hbm>>
    tpu.enqueue_dma source(%dma_start3A_135 : memref<2x5120xi32, #tpu.memory_space<hbm>>) target(%arg7 : memref<2x5120xi32, #tpu.memory_space<vmem>>) target_semaphore(%arg16 : memref<!tpu.dma_semaphore, #tpu.memory_space<semaphore_mem>>)
    %parallel_loop3A_136 = arith.constant 0 : i32
    %parallel_loop3A_137 = arith.constant 5120 : i32
    %parallel_loop3A_138 = arith.constant 16 : i32
    scf.for %parallel_loop3A_293 = %parallel_loop3A_136 to %parallel_loop3A_137 step %parallel_loop3A_138  : i32 {
      %parallel_loop3A_294 = arith.constant 1 : i32
      %parallel_loop3A_295 = arith.index_cast %parallel_loop3A_294 : i32 to index
      %parallel_loop3A_296 = arith.index_cast %parallel_loop3A_293 : i32 to index
      %parallel_loop3A_297 = tpu.vector_load %arg6[%parallel_loop3A_295, %parallel_loop3A_296] {strides = array<i32>} : memref<2x5120xi32, #tpu.memory_space<vmem>>, vector<16xi32>,
      %parallel_loop3A_298 = arith.index_cast %parallel_loop3A_293 : i32 to index
      %parallel_loop3A_299 = tpu.vector_load %arg8[%parallel_loop3A_298] {strides = array<i32>} : memref<5120xi32, #tpu.memory_space<vmem>>, vector<16xi32>,
      tpu.vector_store %arg8[%parallel_loop3A_298], %parallel_loop3A_297 {strides = array<i32>} : memref<5120xi32, #tpu.memory_space<vmem>>, vector<16xi32>,
    } {sc.loop_unroll_factor = 4 : i64, sc.parallel_access}
    %dma_start3A_139 = arith.constant 0 : i32
    %dma_start3A_140 = tpu.memref_slice %arg14[%dma_start3A_139] : memref<50176xf32, #tpu.memory_space<vmem_shared>> -> memref<50176xf32, #tpu.memory_space<vmem_shared>>
    tpu.enqueue_indirect_dma source(%arg11 : memref<5120xf32, #tpu.memory_space<vmem>>) target(%dma_start3A_140 : memref<50176xf32, #tpu.memory_space<vmem_shared>>) offsets(%arg8 : memref<5120xi32, #tpu.memory_space<vmem>>) semaphore(%arg17 : memref<!tpu.dma_semaphore, #tpu.memory_space<semaphore_mem>>) {add = true}
    %dma_start3A_141 = arith.constant 0 : i32
    %dma_start3A_142 = arith.constant 0 : i32
    %dma_start3A_143 = tpu.memref_slice %arg6[%dma_start3A_141, %dma_start3A_142] : memref<2x5120xi32, #tpu.memory_space<vmem>> -> memref<1x5120xi32, #tpu.memory_space<vmem>>
    %dma_start3A_144 = tpu.memref_squeeze %dma_start3A_143 : memref<1x5120xi32, #tpu.memory_space<vmem>> -> memref<5120xi32, #tpu.memory_space<vmem>>
    %dma_start3A_145 = tpu.memref_slice %arg4[%add3A_106] : memref<800000xi32, #tpu.memory_space<hbm>> -> memref<5120xi32, #tpu.memory_space<hbm>>
    %dma_start3A_146 = tpu.memref_slice %arg4[%add3A_106] : memref<800000xi32, #tpu.memory_space<hbm>> -> memref<5120xi32, #tpu.memory_space<hbm>>
    %dma_start3A_147 = arith.constant 0 : i32
    %dma_start3A_148 = tpu.memref_slice %arg6[%dma_start3A_141, %dma_start3A_147] : memref<2x5120xi32, #tpu.memory_space<vmem>> -> memref<1x5120xi32, #tpu.memory_space<vmem>>
    %dma_start3A_149 = tpu.memref_squeeze %dma_start3A_148 : memref<1x5120xi32, #tpu.memory_space<vmem>> -> memref<5120xi32, #tpu.memory_space<vmem>>
    tpu.enqueue_dma source(%dma_start3A_149 : memref<5120xi32, #tpu.memory_space<vmem>>) target(%dma_start3A_146 : memref<5120xi32, #tpu.memory_space<hbm>>) target_semaphore(%arg19 : memref<!tpu.dma_semaphore, #tpu.memory_space<semaphore_mem>>)
    %dma_start3A_150 = arith.constant 0 : i32
    %dma_start3A_151 = tpu.memref_slice %arg8[%dma_start3A_150] : memref<5120xi32, #tpu.memory_space<vmem>> -> memref<5120xi32, #tpu.memory_space<vmem>>
    %dma_start3A_152 = tpu.memref_slice %arg5[%add3A_106] : memref<800000xi32, #tpu.memory_space<hbm>> -> memref<5120xi32, #tpu.memory_space<hbm>>
    %dma_start3A_153 = tpu.memref_slice %arg5[%add3A_106] : memref<800000xi32, #tpu.memory_space<hbm>> -> memref<5120xi32, #tpu.memory_space<hbm>>
    %dma_start3A_154 = arith.constant 0 : i32
    %dma_start3A_155 = tpu.memref_slice %arg8[%dma_start3A_154] : memref<5120xi32, #tpu.memory_space<vmem>> -> memref<5120xi32, #tpu.memory_space<vmem>>
    tpu.enqueue_dma source(%dma_start3A_155 : memref<5120xi32, #tpu.memory_space<vmem>>) target(%dma_start3A_153 : memref<5120xi32, #tpu.memory_space<hbm>>) target_semaphore(%arg19 : memref<!tpu.dma_semaphore, #tpu.memory_space<semaphore_mem>>)
    %mul3A_156 = arith.constant 24960 : i32
    %mul3A_157 = arith.muli %add3A, %mul3A_156 : i32
    %add3A_158 = arith.constant 15360 : i32
    %add3A_159 = arith.addi %mul3A_157, %add3A_158 : i32
    %dma_wait3A_160 = arith.constant 0 : i32
    %dma_wait3A_161 = tpu.memref_slice %arg2[%dma_wait3A_160, %add3A_131] : memref<2x800000xi32, #tpu.memory_space<hbm>> -> memref<2x5120xi32, #tpu.memory_space<hbm>>
    %dma_wait3A_162 = arith.constant 0 : i32
    %dma_wait3A_163 = tpu.memref_slice %arg2[%dma_wait3A_162, %add3A_131] : memref<2x800000xi32, #tpu.memory_space<hbm>> -> memref<2x5120xi32, #tpu.memory_space<hbm>>
    tpu.wait_dma2 semaphore(%arg16 : memref<!tpu.dma_semaphore, #tpu.memory_space<semaphore_mem>>) src(%dma_wait3A_163 : memref<2x5120xi32, #tpu.memory_space<hbm>>) dst(%arg7 : memref<2x5120xi32, #tpu.memory_space<vmem>>)
    %dma_wait3A_164 = arith.constant 0 : i32
    %dma_wait3A_165 = tpu.memref_slice %arg14[%dma_wait3A_164] : memref<50176xf32, #tpu.memory_space<vmem_shared>> -> memref<50176xf32, #tpu.memory_space<vmem_shared>>
    tpu.wait_indirect_dma semaphore(%arg17 : memref<!tpu.dma_semaphore, #tpu.memory_space<semaphore_mem>>) src(%arg11 : memref<5120xf32, #tpu.memory_space<vmem>>) dst(%dma_wait3A_165 : memref<50176xf32, #tpu.memory_space<vmem_shared>>)
    %dma_wait3A_166 = arith.constant 0 : i32
    %dma_wait3A_167 = arith.constant 0 : i32
    %dma_wait3A_168 = tpu.memref_slice %arg6[%dma_wait3A_166, %dma_wait3A_167] : memref<2x5120xi32, #tpu.memory_space<vmem>> -> memref<1x5120xi32, #tpu.memory_space<vmem>>
    %dma_wait3A_169 = tpu.memref_squeeze %dma_wait3A_168 : memref<1x5120xi32, #tpu.memory_space<vmem>> -> memref<5120xi32, #tpu.memory_space<vmem>>
    %dma_wait3A_170 = tpu.memref_slice %arg4[%add3A_106] : memref<800000xi32, #tpu.memory_space<hbm>> -> memref<5120xi32, #tpu.memory_space<hbm>>
    %dma_wait3A_171 = tpu.memref_slice %arg4[%add3A_106] : memref<800000xi32, #tpu.memory_space<hbm>> -> memref<5120xi32, #tpu.memory_space<hbm>>
    %dma_wait3A_172 = arith.constant 0 : i32
    %dma_wait3A_173 = tpu.memref_slice %arg6[%dma_wait3A_166, %dma_wait3A_172] : memref<2x5120xi32, #tpu.memory_space<vmem>> -> memref<1x5120xi32, #tpu.memory_space<vmem>>
    %dma_wait3A_174 = tpu.memref_squeeze %dma_wait3A_173 : memref<1x5120xi32, #tpu.memory_space<vmem>> -> memref<5120xi32, #tpu.memory_space<vmem>>
    tpu.wait_dma2 semaphore(%arg19 : memref<!tpu.dma_semaphore, #tpu.memory_space<semaphore_mem>>) src(%dma_wait3A_174 : memref<5120xi32, #tpu.memory_space<vmem>>) dst(%dma_wait3A_171 : memref<5120xi32, #tpu.memory_space<hbm>>)
    %dma_wait3A_175 = arith.constant 0 : i32
    %dma_wait3A_176 = tpu.memref_slice %arg8[%dma_wait3A_175] : memref<5120xi32, #tpu.memory_space<vmem>> -> memref<5120xi32, #tpu.memory_space<vmem>>
    %dma_wait3A_177 = tpu.memref_slice %arg5[%add3A_106] : memref<800000xi32, #tpu.memory_space<hbm>> -> memref<5120xi32, #tpu.memory_space<hbm>>
    %dma_wait3A_178 = tpu.memref_slice %arg5[%add3A_106] : memref<800000xi32, #tpu.memory_space<hbm>> -> memref<5120xi32, #tpu.memory_space<hbm>>
    %dma_wait3A_179 = arith.constant 0 : i32
    %dma_wait3A_180 = tpu.memref_slice %arg8[%dma_wait3A_179] : memref<5120xi32, #tpu.memory_space<vmem>> -> memref<5120xi32, #tpu.memory_space<vmem>>
    tpu.wait_dma2 semaphore(%arg19 : memref<!tpu.dma_semaphore, #tpu.memory_space<semaphore_mem>>) src(%dma_wait3A_180 : memref<5120xi32, #tpu.memory_space<vmem>>) dst(%dma_wait3A_178 : memref<5120xi32, #tpu.memory_space<hbm>>)
    %mul3A_181 = arith.constant 24960 : i32
    %mul3A_182 = arith.muli %add3A, %mul3A_181 : i32
    %add3A_183 = arith.constant 20480 : i32
    %add3A_184 = arith.addi %mul3A_182, %add3A_183 : i32
    %dma_start3A_185 = arith.constant 0 : i32
    %dma_start3A_186 = arith.constant 0 : i32
    %dma_start3A_187 = tpu.memref_slice %arg6[%dma_start3A_185, %dma_start3A_186] : memref<2x5120xi32, #tpu.memory_space<vmem>> -> memref<2x4480xi32, #tpu.memory_space<vmem>>
    %dma_start3A_188 = arith.constant 0 : i32
    %dma_start3A_189 = tpu.memref_slice %arg2[%dma_start3A_188, %add3A_184] : memref<2x800000xi32, #tpu.memory_space<hbm>> -> memref<2x4480xi32, #tpu.memory_space<hbm>>
    %dma_start3A_190 = arith.constant 0 : i32
    %dma_start3A_191 = arith.constant 0 : i32
    %dma_start3A_192 = tpu.memref_slice %arg6[%dma_start3A_190, %dma_start3A_191] : memref<2x5120xi32, #tpu.memory_space<vmem>> -> memref<2x4480xi32, #tpu.memory_space<vmem>>
    %dma_start3A_193 = arith.constant 0 : i32
    %dma_start3A_194 = tpu.memref_slice %arg2[%dma_start3A_193, %add3A_184] : memref<2x800000xi32, #tpu.memory_space<hbm>> -> memref<2x4480xi32, #tpu.memory_space<hbm>>
    tpu.enqueue_dma source(%dma_start3A_194 : memref<2x4480xi32, #tpu.memory_space<hbm>>) target(%dma_start3A_192 : memref<2x4480xi32, #tpu.memory_space<vmem>>) target_semaphore(%arg15 : memref<!tpu.dma_semaphore, #tpu.memory_space<semaphore_mem>>)
    %parallel_loop3A_195 = arith.constant 0 : i32
    %parallel_loop3A_196 = arith.constant 5120 : i32
    %parallel_loop3A_197 = arith.constant 16 : i32
    scf.for %parallel_loop3A_293 = %parallel_loop3A_195 to %parallel_loop3A_196 step %parallel_loop3A_197  : i32 {
      %parallel_loop3A_294 = arith.constant 1 : i32
      %parallel_loop3A_295 = arith.index_cast %parallel_loop3A_294 : i32 to index
      %parallel_loop3A_296 = arith.index_cast %parallel_loop3A_293 : i32 to index
      %parallel_loop3A_297 = tpu.vector_load %arg7[%parallel_loop3A_295, %parallel_loop3A_296] {strides = array<i32>} : memref<2x5120xi32, #tpu.memory_space<vmem>>, vector<16xi32>,
      %parallel_loop3A_298 = arith.index_cast %parallel_loop3A_293 : i32 to index
      %parallel_loop3A_299 = tpu.vector_load %arg9[%parallel_loop3A_298] {strides = array<i32>} : memref<5120xi32, #tpu.memory_space<vmem>>, vector<16xi32>,
      tpu.vector_store %arg9[%parallel_loop3A_298], %parallel_loop3A_297 {strides = array<i32>} : memref<5120xi32, #tpu.memory_space<vmem>>, vector<16xi32>,
    } {sc.loop_unroll_factor = 4 : i64, sc.parallel_access}
    %dma_start3A_198 = arith.constant 0 : i32
    %dma_start3A_199 = tpu.memref_slice %arg14[%dma_start3A_198] : memref<50176xf32, #tpu.memory_space<vmem_shared>> -> memref<50176xf32, #tpu.memory_space<vmem_shared>>
    tpu.enqueue_indirect_dma source(%arg11 : memref<5120xf32, #tpu.memory_space<vmem>>) target(%dma_start3A_199 : memref<50176xf32, #tpu.memory_space<vmem_shared>>) offsets(%arg9 : memref<5120xi32, #tpu.memory_space<vmem>>) semaphore(%arg18 : memref<!tpu.dma_semaphore, #tpu.memory_space<semaphore_mem>>) {add = true}
    %dma_start3A_200 = arith.constant 0 : i32
    %dma_start3A_201 = arith.constant 0 : i32
    %dma_start3A_202 = tpu.memref_slice %arg7[%dma_start3A_200, %dma_start3A_201] : memref<2x5120xi32, #tpu.memory_space<vmem>> -> memref<1x5120xi32, #tpu.memory_space<vmem>>
    %dma_start3A_203 = tpu.memref_squeeze %dma_start3A_202 : memref<1x5120xi32, #tpu.memory_space<vmem>> -> memref<5120xi32, #tpu.memory_space<vmem>>
    %dma_start3A_204 = tpu.memref_slice %arg4[%add3A_159] : memref<800000xi32, #tpu.memory_space<hbm>> -> memref<5120xi32, #tpu.memory_space<hbm>>
    %dma_start3A_205 = tpu.memref_slice %arg4[%add3A_159] : memref<800000xi32, #tpu.memory_space<hbm>> -> memref<5120xi32, #tpu.memory_space<hbm>>
    %dma_start3A_206 = arith.constant 0 : i32
    %dma_start3A_207 = tpu.memref_slice %arg7[%dma_start3A_200, %dma_start3A_206] : memref<2x5120xi32, #tpu.memory_space<vmem>> -> memref<1x5120xi32, #tpu.memory_space<vmem>>
    %dma_start3A_208 = tpu.memref_squeeze %dma_start3A_207 : memref<1x5120xi32, #tpu.memory_space<vmem>> -> memref<5120xi32, #tpu.memory_space<vmem>>
    tpu.enqueue_dma source(%dma_start3A_208 : memref<5120xi32, #tpu.memory_space<vmem>>) target(%dma_start3A_205 : memref<5120xi32, #tpu.memory_space<hbm>>) target_semaphore(%arg19 : memref<!tpu.dma_semaphore, #tpu.memory_space<semaphore_mem>>)
    %dma_start3A_209 = arith.constant 0 : i32
    %dma_start3A_210 = tpu.memref_slice %arg9[%dma_start3A_209] : memref<5120xi32, #tpu.memory_space<vmem>> -> memref<5120xi32, #tpu.memory_space<vmem>>
    %dma_start3A_211 = tpu.memref_slice %arg5[%add3A_159] : memref<800000xi32, #tpu.memory_space<hbm>> -> memref<5120xi32, #tpu.memory_space<hbm>>
    %dma_start3A_212 = tpu.memref_slice %arg5[%add3A_159] : memref<800000xi32, #tpu.memory_space<hbm>> -> memref<5120xi32, #tpu.memory_space<hbm>>
    %dma_start3A_213 = arith.constant 0 : i32
    %dma_start3A_214 = tpu.memref_slice %arg9[%dma_start3A_213] : memref<5120xi32, #tpu.memory_space<vmem>> -> memref<5120xi32, #tpu.memory_space<vmem>>
    tpu.enqueue_dma source(%dma_start3A_214 : memref<5120xi32, #tpu.memory_space<vmem>>) target(%dma_start3A_212 : memref<5120xi32, #tpu.memory_space<hbm>>) target_semaphore(%arg19 : memref<!tpu.dma_semaphore, #tpu.memory_space<semaphore_mem>>)
    %mul3A_215 = arith.constant 24960 : i32
    %mul3A_216 = arith.muli %add3A, %mul3A_215 : i32
    %add3A_217 = arith.constant 20480 : i32
    %add3A_218 = arith.addi %mul3A_216, %add3A_217 : i32
    %dma_wait3A_219 = arith.constant 0 : i32
    %dma_wait3A_220 = arith.constant 0 : i32
    %dma_wait3A_221 = tpu.memref_slice %arg6[%dma_wait3A_219, %dma_wait3A_220] : memref<2x5120xi32, #tpu.memory_space<vmem>> -> memref<2x4480xi32, #tpu.memory_space<vmem>>
    %dma_wait3A_222 = arith.constant 0 : i32
    %dma_wait3A_223 = tpu.memref_slice %arg2[%dma_wait3A_222, %add3A_184] : memref<2x800000xi32, #tpu.memory_space<hbm>> -> memref<2x4480xi32, #tpu.memory_space<hbm>>
    %dma_wait3A_224 = arith.constant 0 : i32
    %dma_wait3A_225 = arith.constant 0 : i32
    %dma_wait3A_226 = tpu.memref_slice %arg6[%dma_wait3A_224, %dma_wait3A_225] : memref<2x5120xi32, #tpu.memory_space<vmem>> -> memref<2x4480xi32, #tpu.memory_space<vmem>>
    %dma_wait3A_227 = arith.constant 0 : i32
    %dma_wait3A_228 = tpu.memref_slice %arg2[%dma_wait3A_227, %add3A_184] : memref<2x800000xi32, #tpu.memory_space<hbm>> -> memref<2x4480xi32, #tpu.memory_space<hbm>>
    tpu.wait_dma2 semaphore(%arg15 : memref<!tpu.dma_semaphore, #tpu.memory_space<semaphore_mem>>) src(%dma_wait3A_228 : memref<2x4480xi32, #tpu.memory_space<hbm>>) dst(%dma_wait3A_226 : memref<2x4480xi32, #tpu.memory_space<vmem>>)
    %dma_wait3A_229 = arith.constant 0 : i32
    %dma_wait3A_230 = tpu.memref_slice %arg14[%dma_wait3A_229] : memref<50176xf32, #tpu.memory_space<vmem_shared>> -> memref<50176xf32, #tpu.memory_space<vmem_shared>>
    tpu.wait_indirect_dma semaphore(%arg18 : memref<!tpu.dma_semaphore, #tpu.memory_space<semaphore_mem>>) src(%arg11 : memref<5120xf32, #tpu.memory_space<vmem>>) dst(%dma_wait3A_230 : memref<50176xf32, #tpu.memory_space<vmem_shared>>)
    %dma_wait3A_231 = arith.constant 0 : i32
    %dma_wait3A_232 = arith.constant 0 : i32
    %dma_wait3A_233 = tpu.memref_slice %arg7[%dma_wait3A_231, %dma_wait3A_232] : memref<2x5120xi32, #tpu.memory_space<vmem>> -> memref<1x5120xi32, #tpu.memory_space<vmem>>
    %dma_wait3A_234 = tpu.memref_squeeze %dma_wait3A_233 : memref<1x5120xi32, #tpu.memory_space<vmem>> -> memref<5120xi32, #tpu.memory_space<vmem>>
    %dma_wait3A_235 = tpu.memref_slice %arg4[%add3A_159] : memref<800000xi32, #tpu.memory_space<hbm>> -> memref<5120xi32, #tpu.memory_space<hbm>>
    %dma_wait3A_236 = tpu.memref_slice %arg4[%add3A_159] : memref<800000xi32, #tpu.memory_space<hbm>> -> memref<5120xi32, #tpu.memory_space<hbm>>
    %dma_wait3A_237 = arith.constant 0 : i32
    %dma_wait3A_238 = tpu.memref_slice %arg7[%dma_wait3A_231, %dma_wait3A_237] : memref<2x5120xi32, #tpu.memory_space<vmem>> -> memref<1x5120xi32, #tpu.memory_space<vmem>>
    %dma_wait3A_239 = tpu.memref_squeeze %dma_wait3A_238 : memref<1x5120xi32, #tpu.memory_space<vmem>> -> memref<5120xi32, #tpu.memory_space<vmem>>
    tpu.wait_dma2 semaphore(%arg19 : memref<!tpu.dma_semaphore, #tpu.memory_space<semaphore_mem>>) src(%dma_wait3A_239 : memref<5120xi32, #tpu.memory_space<vmem>>) dst(%dma_wait3A_236 : memref<5120xi32, #tpu.memory_space<hbm>>)
    %dma_wait3A_240 = arith.constant 0 : i32
    %dma_wait3A_241 = tpu.memref_slice %arg9[%dma_wait3A_240] : memref<5120xi32, #tpu.memory_space<vmem>> -> memref<5120xi32, #tpu.memory_space<vmem>>
    %dma_wait3A_242 = tpu.memref_slice %arg5[%add3A_159] : memref<800000xi32, #tpu.memory_space<hbm>> -> memref<5120xi32, #tpu.memory_space<hbm>>
    %dma_wait3A_243 = tpu.memref_slice %arg5[%add3A_159] : memref<800000xi32, #tpu.memory_space<hbm>> -> memref<5120xi32, #tpu.memory_space<hbm>>
    %dma_wait3A_244 = arith.constant 0 : i32
    %dma_wait3A_245 = tpu.memref_slice %arg9[%dma_wait3A_244] : memref<5120xi32, #tpu.memory_space<vmem>> -> memref<5120xi32, #tpu.memory_space<vmem>>
    tpu.wait_dma2 semaphore(%arg19 : memref<!tpu.dma_semaphore, #tpu.memory_space<semaphore_mem>>) src(%dma_wait3A_245 : memref<5120xi32, #tpu.memory_space<vmem>>) dst(%dma_wait3A_243 : memref<5120xi32, #tpu.memory_space<hbm>>)
    %parallel_loop3A_246 = arith.constant 0 : i32
    %parallel_loop3A_247 = arith.constant 5120 : i32
    %parallel_loop3A_248 = arith.constant 16 : i32
    scf.for %parallel_loop3A_293 = %parallel_loop3A_246 to %parallel_loop3A_247 step %parallel_loop3A_248  : i32 {
      %parallel_loop3A_294 = arith.constant 1 : i32
      %parallel_loop3A_295 = arith.index_cast %parallel_loop3A_294 : i32 to index
      %parallel_loop3A_296 = arith.index_cast %parallel_loop3A_293 : i32 to index
      %parallel_loop3A_297 = tpu.vector_load %arg6[%parallel_loop3A_295, %parallel_loop3A_296] {strides = array<i32>} : memref<2x5120xi32, #tpu.memory_space<vmem>>, vector<16xi32>,
      %parallel_loop3A_298 = arith.index_cast %parallel_loop3A_293 : i32 to index
      %parallel_loop3A_299 = tpu.vector_load %arg8[%parallel_loop3A_298] {strides = array<i32>} : memref<5120xi32, #tpu.memory_space<vmem>>, vector<16xi32>,
      tpu.vector_store %arg8[%parallel_loop3A_298], %parallel_loop3A_297 {strides = array<i32>} : memref<5120xi32, #tpu.memory_space<vmem>>, vector<16xi32>,
    } {sc.loop_unroll_factor = 4 : i64, sc.parallel_access}
    %dma_start3A_249 = arith.constant 0 : i32
    %dma_start3A_250 = tpu.memref_slice %arg14[%dma_start3A_249] : memref<50176xf32, #tpu.memory_space<vmem_shared>> -> memref<50176xf32, #tpu.memory_space<vmem_shared>>
    tpu.enqueue_indirect_dma source(%arg12 : memref<5120xf32, #tpu.memory_space<vmem>>) target(%dma_start3A_250 : memref<50176xf32, #tpu.memory_space<vmem_shared>>) offsets(%arg8 : memref<5120xi32, #tpu.memory_space<vmem>>) semaphore(%arg17 : memref<!tpu.dma_semaphore, #tpu.memory_space<semaphore_mem>>) {add = true}
    %dma_start3A_251 = arith.constant 0 : i32
    %dma_start3A_252 = arith.constant 0 : i32
    %dma_start3A_253 = tpu.memref_slice %arg6[%dma_start3A_251, %dma_start3A_252] : memref<2x5120xi32, #tpu.memory_space<vmem>> -> memref<1x4480xi32, #tpu.memory_space<vmem>>
    %dma_start3A_254 = tpu.memref_squeeze %dma_start3A_253 : memref<1x4480xi32, #tpu.memory_space<vmem>> -> memref<4480xi32, #tpu.memory_space<vmem>>
    %dma_start3A_255 = tpu.memref_slice %arg4[%add3A_218] : memref<800000xi32, #tpu.memory_space<hbm>> -> memref<4480xi32, #tpu.memory_space<hbm>>
    %dma_start3A_256 = tpu.memref_slice %arg4[%add3A_218] : memref<800000xi32, #tpu.memory_space<hbm>> -> memref<4480xi32, #tpu.memory_space<hbm>>
    %dma_start3A_257 = arith.constant 0 : i32
    %dma_start3A_258 = tpu.memref_slice %arg6[%dma_start3A_251, %dma_start3A_257] : memref<2x5120xi32, #tpu.memory_space<vmem>> -> memref<1x4480xi32, #tpu.memory_space<vmem>>
    %dma_start3A_259 = tpu.memref_squeeze %dma_start3A_258 : memref<1x4480xi32, #tpu.memory_space<vmem>> -> memref<4480xi32, #tpu.memory_space<vmem>>
    tpu.enqueue_dma source(%dma_start3A_259 : memref<4480xi32, #tpu.memory_space<vmem>>) target(%dma_start3A_256 : memref<4480xi32, #tpu.memory_space<hbm>>) target_semaphore(%arg19 : memref<!tpu.dma_semaphore, #tpu.memory_space<semaphore_mem>>)
    %dma_start3A_260 = arith.constant 0 : i32
    %dma_start3A_261 = tpu.memref_slice %arg8[%dma_start3A_260] : memref<5120xi32, #tpu.memory_space<vmem>> -> memref<4480xi32, #tpu.memory_space<vmem>>
    %dma_start3A_262 = tpu.memref_slice %arg5[%add3A_218] : memref<800000xi32, #tpu.memory_space<hbm>> -> memref<4480xi32, #tpu.memory_space<hbm>>
    %dma_start3A_263 = tpu.memref_slice %arg5[%add3A_218] : memref<800000xi32, #tpu.memory_space<hbm>> -> memref<4480xi32, #tpu.memory_space<hbm>>
    %dma_start3A_264 = arith.constant 0 : i32
    %dma_start3A_265 = tpu.memref_slice %arg8[%dma_start3A_264] : memref<5120xi32, #tpu.memory_space<vmem>> -> memref<4480xi32, #tpu.memory_space<vmem>>
    tpu.enqueue_dma source(%dma_start3A_265 : memref<4480xi32, #tpu.memory_space<vmem>>) target(%dma_start3A_263 : memref<4480xi32, #tpu.memory_space<hbm>>) target_semaphore(%arg19 : memref<!tpu.dma_semaphore, #tpu.memory_space<semaphore_mem>>)
    %dma_wait3A_266 = arith.constant 0 : i32
    %dma_wait3A_267 = tpu.memref_slice %arg14[%dma_wait3A_266] : memref<50176xf32, #tpu.memory_space<vmem_shared>> -> memref<50176xf32, #tpu.memory_space<vmem_shared>>
    tpu.wait_indirect_dma semaphore(%arg17 : memref<!tpu.dma_semaphore, #tpu.memory_space<semaphore_mem>>) src(%arg12 : memref<5120xf32, #tpu.memory_space<vmem>>) dst(%dma_wait3A_267 : memref<50176xf32, #tpu.memory_space<vmem_shared>>)
    %dma_wait3A_268 = arith.constant 0 : i32
    %dma_wait3A_269 = arith.constant 0 : i32
    %dma_wait3A_270 = tpu.memref_slice %arg6[%dma_wait3A_268, %dma_wait3A_269] : memref<2x5120xi32, #tpu.memory_space<vmem>> -> memref<1x4480xi32, #tpu.memory_space<vmem>>
    %dma_wait3A_271 = tpu.memref_squeeze %dma_wait3A_270 : memref<1x4480xi32, #tpu.memory_space<vmem>> -> memref<4480xi32, #tpu.memory_space<vmem>>
    %dma_wait3A_272 = tpu.memref_slice %arg4[%add3A_218] : memref<800000xi32, #tpu.memory_space<hbm>> -> memref<4480xi32, #tpu.memory_space<hbm>>
    %dma_wait3A_273 = tpu.memref_slice %arg4[%add3A_218] : memref<800000xi32, #tpu.memory_space<hbm>> -> memref<4480xi32, #tpu.memory_space<hbm>>
    %dma_wait3A_274 = arith.constant 0 : i32
    %dma_wait3A_275 = tpu.memref_slice %arg6[%dma_wait3A_268, %dma_wait3A_274] : memref<2x5120xi32, #tpu.memory_space<vmem>> -> memref<1x4480xi32, #tpu.memory_space<vmem>>
    %dma_wait3A_276 = tpu.memref_squeeze %dma_wait3A_275 : memref<1x4480xi32, #tpu.memory_space<vmem>> -> memref<4480xi32, #tpu.memory_space<vmem>>
    tpu.wait_dma2 semaphore(%arg19 : memref<!tpu.dma_semaphore, #tpu.memory_space<semaphore_mem>>) src(%dma_wait3A_276 : memref<4480xi32, #tpu.memory_space<vmem>>) dst(%dma_wait3A_273 : memref<4480xi32, #tpu.memory_space<hbm>>)
    %dma_wait3A_277 = arith.constant 0 : i32
    %dma_wait3A_278 = tpu.memref_slice %arg8[%dma_wait3A_277] : memref<5120xi32, #tpu.memory_space<vmem>> -> memref<4480xi32, #tpu.memory_space<vmem>>
    %dma_wait3A_279 = tpu.memref_slice %arg5[%add3A_218] : memref<800000xi32, #tpu.memory_space<hbm>> -> memref<4480xi32, #tpu.memory_space<hbm>>
    %dma_wait3A_280 = tpu.memref_slice %arg5[%add3A_218] : memref<800000xi32, #tpu.memory_space<hbm>> -> memref<4480xi32, #tpu.memory_space<hbm>>
    %dma_wait3A_281 = arith.constant 0 : i32
    %dma_wait3A_282 = tpu.memref_slice %arg8[%dma_wait3A_281] : memref<5120xi32, #tpu.memory_space<vmem>> -> memref<4480xi32, #tpu.memory_space<vmem>>
    tpu.wait_dma2 semaphore(%arg19 : memref<!tpu.dma_semaphore, #tpu.memory_space<semaphore_mem>>) src(%dma_wait3A_282 : memref<4480xi32, #tpu.memory_space<vmem>>) dst(%dma_wait3A_280 : memref<4480xi32, #tpu.memory_space<hbm>>)
    %lt3A = arith.constant 10 : i32
    %lt3A_283 = arith.cmpi slt, %add3A, %lt3A : i32
    %convert_element_type3A = arith.extui %lt3A_283 : i1 to i32
    %cond3A = arith.constant 0 : i32
    %cond3A_284 = arith.cmpi ne, %convert_element_type3A, %cond3A : i32
    scf.if %cond3A_284 {
      %mul3A_293 = arith.constant 128 : i32
      %mul3A_294 = arith.muli %add3A, %mul3A_293 : i32
      %add3A_295 = arith.constant 798720 : i32
      %add3A_296 = arith.addi %add3A_295, %mul3A_294 : i32
      "tpu.region"() ({
        %run_scoped3A_300 = tpu.sem_alloc : memref<!tpu.dma_semaphore, #tpu.memory_space<semaphore_mem>>
        %dma_start3A_301 = arith.constant 0 : i32
        %dma_start3A_302 = arith.constant 0 : i32
        %dma_start3A_303 = tpu.memref_slice %arg6[%dma_start3A_301, %dma_start3A_302] : memref<2x5120xi32, #tpu.memory_space<vmem>> -> memref<2x128xi32, #tpu.memory_space<vmem>>
        %dma_start3A_304 = arith.constant 0 : i32
        %dma_start3A_305 = tpu.memref_slice %arg2[%dma_start3A_304, %add3A_296] : memref<2x800000xi32, #tpu.memory_space<hbm>> -> memref<2x128xi32, #tpu.memory_space<hbm>>
        %dma_start3A_306 = arith.constant 0 : i32
        %dma_start3A_307 = arith.constant 0 : i32
        %dma_start3A_308 = tpu.memref_slice %arg6[%dma_start3A_306, %dma_start3A_307] : memref<2x5120xi32, #tpu.memory_space<vmem>> -> memref<2x128xi32, #tpu.memory_space<vmem>>
        %dma_start3A_309 = arith.constant 0 : i32
        %dma_start3A_310 = tpu.memref_slice %arg2[%dma_start3A_309, %add3A_296] : memref<2x800000xi32, #tpu.memory_space<hbm>> -> memref<2x128xi32, #tpu.memory_space<hbm>>
        tpu.enqueue_dma source(%dma_start3A_310 : memref<2x128xi32, #tpu.memory_space<hbm>>) target(%dma_start3A_308 : memref<2x128xi32, #tpu.memory_space<vmem>>) target_semaphore(%run_scoped3A_300 : memref<!tpu.dma_semaphore, #tpu.memory_space<semaphore_mem>>)
        %dma_wait3A_311 = arith.constant 0 : i32
        %dma_wait3A_312 = arith.constant 0 : i32
        %dma_wait3A_313 = tpu.memref_slice %arg6[%dma_wait3A_311, %dma_wait3A_312] : memref<2x5120xi32, #tpu.memory_space<vmem>> -> memref<2x128xi32, #tpu.memory_space<vmem>>
        %dma_wait3A_314 = arith.constant 0 : i32
        %dma_wait3A_315 = tpu.memref_slice %arg2[%dma_wait3A_314, %add3A_296] : memref<2x800000xi32, #tpu.memory_space<hbm>> -> memref<2x128xi32, #tpu.memory_space<hbm>>
        %dma_wait3A_316 = arith.constant 0 : i32
        %dma_wait3A_317 = arith.constant 0 : i32
        %dma_wait3A_318 = tpu.memref_slice %arg6[%dma_wait3A_316, %dma_wait3A_317] : memref<2x5120xi32, #tpu.memory_space<vmem>> -> memref<2x128xi32, #tpu.memory_space<vmem>>
        %dma_wait3A_319 = arith.constant 0 : i32
        %dma_wait3A_320 = tpu.memref_slice %arg2[%dma_wait3A_319, %add3A_296] : memref<2x800000xi32, #tpu.memory_space<hbm>> -> memref<2x128xi32, #tpu.memory_space<hbm>>
        tpu.wait_dma2 semaphore(%run_scoped3A_300 : memref<!tpu.dma_semaphore, #tpu.memory_space<semaphore_mem>>) src(%dma_wait3A_320 : memref<2x128xi32, #tpu.memory_space<hbm>>) dst(%dma_wait3A_318 : memref<2x128xi32, #tpu.memory_space<vmem>>)
        tpu.yield
      }) : () -> ()
      %parallel_loop3A_297 = arith.constant 0 : i32
      %parallel_loop3A_298 = arith.constant 128 : i32
      %parallel_loop3A_299 = arith.constant 16 : i32
      scf.for %parallel_loop3A_300 = %parallel_loop3A_297 to %parallel_loop3A_298 step %parallel_loop3A_299  : i32 {
        %parallel_loop3A_301 = arith.constant 1 : i32
        %parallel_loop3A_302 = arith.index_cast %parallel_loop3A_301 : i32 to index
        %parallel_loop3A_303 = arith.index_cast %parallel_loop3A_300 : i32 to index
        %parallel_loop3A_304 = tpu.vector_load %arg6[%parallel_loop3A_302, %parallel_loop3A_303] {strides = array<i32>} : memref<2x5120xi32, #tpu.memory_space<vmem>>, vector<16xi32>,
        %parallel_loop3A_305 = arith.index_cast %parallel_loop3A_300 : i32 to index
        %parallel_loop3A_306 = tpu.vector_load %arg10[%parallel_loop3A_305] {strides = array<i32>} : memref<128xi32, #tpu.memory_space<vmem>>, vector<16xi32>,
        tpu.vector_store %arg10[%parallel_loop3A_305], %parallel_loop3A_304 {strides = array<i32>} : memref<128xi32, #tpu.memory_space<vmem>>, vector<16xi32>,
      } {sc.loop_unroll_factor = 1 : i64, sc.parallel_access}
      "tpu.region"() ({
        %run_scoped3A_300 = tpu.sem_alloc : memref<!tpu.dma_semaphore, #tpu.memory_space<semaphore_mem>>
        %dma_start3A_301 = arith.constant 0 : i32
        %dma_start3A_302 = tpu.memref_slice %arg11[%dma_start3A_301] : memref<5120xf32, #tpu.memory_space<vmem>> -> memref<128xf32, #tpu.memory_space<vmem>>
        %dma_start3A_303 = arith.constant 0 : i32
        %dma_start3A_304 = tpu.memref_slice %arg14[%dma_start3A_303] : memref<50176xf32, #tpu.memory_space<vmem_shared>> -> memref<50176xf32, #tpu.memory_space<vmem_shared>>
        tpu.enqueue_indirect_dma source(%dma_start3A_302 : memref<128xf32, #tpu.memory_space<vmem>>) target(%dma_start3A_304 : memref<50176xf32, #tpu.memory_space<vmem_shared>>) offsets(%arg10 : memref<128xi32, #tpu.memory_space<vmem>>) semaphore(%run_scoped3A_300 : memref<!tpu.dma_semaphore, #tpu.memory_space<semaphore_mem>>) {add = true}
        %dma_wait3A_305 = arith.constant 0 : i32
        %dma_wait3A_306 = tpu.memref_slice %arg11[%dma_wait3A_305] : memref<5120xf32, #tpu.memory_space<vmem>> -> memref<128xf32, #tpu.memory_space<vmem>>
        %dma_wait3A_307 = arith.constant 0 : i32
        %dma_wait3A_308 = tpu.memref_slice %arg14[%dma_wait3A_307] : memref<50176xf32, #tpu.memory_space<vmem_shared>> -> memref<50176xf32, #tpu.memory_space<vmem_shared>>
        tpu.wait_indirect_dma semaphore(%run_scoped3A_300 : memref<!tpu.dma_semaphore, #tpu.memory_space<semaphore_mem>>) src(%dma_wait3A_306 : memref<128xf32, #tpu.memory_space<vmem>>) dst(%dma_wait3A_308 : memref<50176xf32, #tpu.memory_space<vmem_shared>>)
        tpu.yield
      }) : () -> ()
      %run_scoped3A = arith.constant 0 : i32
      "tpu.region"() ({
        %run_scoped3A_300 = tpu.sem_alloc : memref<!tpu.dma_semaphore, #tpu.memory_space<semaphore_mem>>
        %dma_start3A_301 = arith.constant 0 : i32
        %dma_start3A_302 = tpu.memref_slice %arg6[%run_scoped3A, %dma_start3A_301] : memref<2x5120xi32, #tpu.memory_space<vmem>> -> memref<1x128xi32, #tpu.memory_space<vmem>>
        %dma_start3A_303 = tpu.memref_squeeze %dma_start3A_302 : memref<1x128xi32, #tpu.memory_space<vmem>> -> memref<128xi32, #tpu.memory_space<vmem>>
        %dma_start3A_304 = tpu.memref_slice %arg4[%add3A_296] : memref<800000xi32, #tpu.memory_space<hbm>> -> memref<128xi32, #tpu.memory_space<hbm>>
        %dma_start3A_305 = tpu.memref_slice %arg4[%add3A_296] : memref<800000xi32, #tpu.memory_space<hbm>> -> memref<128xi32, #tpu.memory_space<hbm>>
        %dma_start3A_306 = arith.constant 0 : i32
        %dma_start3A_307 = tpu.memref_slice %arg6[%run_scoped3A, %dma_start3A_306] : memref<2x5120xi32, #tpu.memory_space<vmem>> -> memref<1x128xi32, #tpu.memory_space<vmem>>
        %dma_start3A_308 = tpu.memref_squeeze %dma_start3A_307 : memref<1x128xi32, #tpu.memory_space<vmem>> -> memref<128xi32, #tpu.memory_space<vmem>>
        tpu.enqueue_dma source(%dma_start3A_308 : memref<128xi32, #tpu.memory_space<vmem>>) target(%dma_start3A_305 : memref<128xi32, #tpu.memory_space<hbm>>) target_semaphore(%run_scoped3A_300 : memref<!tpu.dma_semaphore, #tpu.memory_space<semaphore_mem>>)
        %dma_wait3A_309 = arith.constant 0 : i32
        %dma_wait3A_310 = tpu.memref_slice %arg6[%run_scoped3A, %dma_wait3A_309] : memref<2x5120xi32, #tpu.memory_space<vmem>> -> memref<1x128xi32, #tpu.memory_space<vmem>>
        %dma_wait3A_311 = tpu.memref_squeeze %dma_wait3A_310 : memref<1x128xi32, #tpu.memory_space<vmem>> -> memref<128xi32, #tpu.memory_space<vmem>>
        %dma_wait3A_312 = tpu.memref_slice %arg4[%add3A_296] : memref<800000xi32, #tpu.memory_space<hbm>> -> memref<128xi32, #tpu.memory_space<hbm>>
        %dma_wait3A_313 = tpu.memref_slice %arg4[%add3A_296] : memref<800000xi32, #tpu.memory_space<hbm>> -> memref<128xi32, #tpu.memory_space<hbm>>
        %dma_wait3A_314 = arith.constant 0 : i32
        %dma_wait3A_315 = tpu.memref_slice %arg6[%run_scoped3A, %dma_wait3A_314] : memref<2x5120xi32, #tpu.memory_space<vmem>> -> memref<1x128xi32, #tpu.memory_space<vmem>>
        %dma_wait3A_316 = tpu.memref_squeeze %dma_wait3A_315 : memref<1x128xi32, #tpu.memory_space<vmem>> -> memref<128xi32, #tpu.memory_space<vmem>>
        tpu.wait_dma2 semaphore(%run_scoped3A_300 : memref<!tpu.dma_semaphore, #tpu.memory_space<semaphore_mem>>) src(%dma_wait3A_316 : memref<128xi32, #tpu.memory_space<vmem>>) dst(%dma_wait3A_313 : memref<128xi32, #tpu.memory_space<hbm>>)
        tpu.yield
      }) : () -> ()
      "tpu.region"() ({
        %run_scoped3A_300 = tpu.sem_alloc : memref<!tpu.dma_semaphore, #tpu.memory_space<semaphore_mem>>
        %dma_start3A_301 = tpu.memref_slice %arg5[%add3A_296] : memref<800000xi32, #tpu.memory_space<hbm>> -> memref<128xi32, #tpu.memory_space<hbm>>
        %dma_start3A_302 = tpu.memref_slice %arg5[%add3A_296] : memref<800000xi32, #tpu.memory_space<hbm>> -> memref<128xi32, #tpu.memory_space<hbm>>
        tpu.enqueue_dma source(%arg10 : memref<128xi32, #tpu.memory_space<vmem>>) target(%dma_start3A_302 : memref<128xi32, #tpu.memory_space<hbm>>) target_semaphore(%run_scoped3A_300 : memref<!tpu.dma_semaphore, #tpu.memory_space<semaphore_mem>>)
        %dma_wait3A_303 = tpu.memref_slice %arg5[%add3A_296] : memref<800000xi32, #tpu.memory_space<hbm>> -> memref<128xi32, #tpu.memory_space<hbm>>
        %dma_wait3A_304 = tpu.memref_slice %arg5[%add3A_296] : memref<800000xi32, #tpu.memory_space<hbm>> -> memref<128xi32, #tpu.memory_space<hbm>>
        tpu.wait_dma2 semaphore(%run_scoped3A_300 : memref<!tpu.dma_semaphore, #tpu.memory_space<semaphore_mem>>) src(%arg10 : memref<128xi32, #tpu.memory_space<vmem>>) dst(%dma_wait3A_304 : memref<128xi32, #tpu.memory_space<hbm>>)
        tpu.yield
      }) : () -> ()
    } else {
    }
    %barrier3A_285 = arith.constant 0 : index
    tpu.barrier barrier_id(%barrier3A_285)
    %mul3A_286 = arith.constant 3136 : i32
    %mul3A_287 = arith.muli %arg1, %mul3A_286 : i32
    "tpu.region"() ({
      %run_scoped3A = tpu.sem_alloc : memref<!tpu.dma_semaphore, #tpu.memory_space<semaphore_mem>>
      %dma_start3A_293 = tpu.memref_slice %arg14[%mul3A_287] : memref<50176xf32, #tpu.memory_space<vmem_shared>> -> memref<3136xf32, #tpu.memory_space<vmem_shared>>
      %dma_start3A_294 = tpu.memref_slice %arg14[%mul3A_287] : memref<50176xf32, #tpu.memory_space<vmem_shared>> -> memref<3136xf32, #tpu.memory_space<vmem_shared>>
      tpu.enqueue_dma source(%dma_start3A_294 : memref<3136xf32, #tpu.memory_space<vmem_shared>>) target(%arg13 : memref<3136xf32, #tpu.memory_space<vmem>>) target_semaphore(%run_scoped3A : memref<!tpu.dma_semaphore, #tpu.memory_space<semaphore_mem>>)
      %dma_wait3A_295 = tpu.memref_slice %arg14[%mul3A_287] : memref<50176xf32, #tpu.memory_space<vmem_shared>> -> memref<3136xf32, #tpu.memory_space<vmem_shared>>
      %dma_wait3A_296 = tpu.memref_slice %arg14[%mul3A_287] : memref<50176xf32, #tpu.memory_space<vmem_shared>> -> memref<3136xf32, #tpu.memory_space<vmem_shared>>
      tpu.wait_dma2 semaphore(%run_scoped3A : memref<!tpu.dma_semaphore, #tpu.memory_space<semaphore_mem>>) src(%dma_wait3A_296 : memref<3136xf32, #tpu.memory_space<vmem_shared>>) dst(%arg13 : memref<3136xf32, #tpu.memory_space<vmem>>)
      tpu.yield
    }) : () -> ()
    %mul3A_288 = arith.constant 50176 : i32
    %mul3A_289 = arith.muli %arg0, %mul3A_288 : i32
    %mul3A_290 = arith.constant 3136 : i32
    %mul3A_291 = arith.muli %arg1, %mul3A_290 : i32
    %add3A_292 = arith.addi %mul3A_289, %mul3A_291 : i32
    "tpu.region"() ({
      %run_scoped3A = tpu.sem_alloc : memref<!tpu.dma_semaphore, #tpu.memory_space<semaphore_mem>>
      %dma_start3A_293 = tpu.memref_slice %arg3[%add3A_292] : memref<100352xf32, #tpu.memory_space<hbm>> -> memref<3136xf32, #tpu.memory_space<hbm>>
      %dma_start3A_294 = tpu.memref_slice %arg3[%add3A_292] : memref<100352xf32, #tpu.memory_space<hbm>> -> memref<3136xf32, #tpu.memory_space<hbm>>
      tpu.enqueue_dma source(%arg13 : memref<3136xf32, #tpu.memory_space<vmem>>) target(%dma_start3A_294 : memref<3136xf32, #tpu.memory_space<hbm>>) target_semaphore(%run_scoped3A : memref<!tpu.dma_semaphore, #tpu.memory_space<semaphore_mem>>)
      %dma_wait3A_295 = tpu.memref_slice %arg3[%add3A_292] : memref<100352xf32, #tpu.memory_space<hbm>> -> memref<3136xf32, #tpu.memory_space<hbm>>
      %dma_wait3A_296 = tpu.memref_slice %arg3[%add3A_292] : memref<100352xf32, #tpu.memory_space<hbm>> -> memref<3136xf32, #tpu.memory_space<hbm>>
      tpu.wait_dma2 semaphore(%run_scoped3A : memref<!tpu.dma_semaphore, #tpu.memory_space<semaphore_mem>>) src(%arg13 : memref<3136xf32, #tpu.memory_space<vmem>>) dst(%dma_wait3A_296 : memref<3136xf32, #tpu.memory_space<hbm>>)
      tpu.yield
    }) : () -> ()
    return
  }
}

#map = affine_map<(d0, d1) -> (0)>
module attributes {stable_mosaic.version = 14 : i64} {
  func.func @k(%arg0: i32, %arg1: i32, %arg2: memref<800000xi32, #tpu.memory_space<hbm>>, %arg3: memref<800000xi32, #tpu.memory_space<hbm>>, %arg4: memref<50176xf32, #tpu.memory_space<hbm>>, %arg5: memref<100352xf32, #tpu.memory_space<hbm>>, %arg6: memref<50176xf32, #tpu.memory_space<vmem>>, %arg7: memref<5120xi32, #tpu.memory_space<vmem>>, %arg8: memref<5120xi32, #tpu.memory_space<vmem>>, %arg9: memref<5120xi32, #tpu.memory_space<vmem>>, %arg10: memref<5120xi32, #tpu.memory_space<vmem>>, %arg11: memref<5120xf32, #tpu.memory_space<vmem>>, %arg12: memref<5120xf32, #tpu.memory_space<vmem>>, %arg13: memref<3136xf32, #tpu.memory_space<vmem>>, %arg14: memref<50176xf32, #tpu.memory_space<vmem_shared>>, %arg15: memref<!tpu.dma_semaphore, #tpu.memory_space<semaphore_mem>>, %arg16: memref<!tpu.dma_semaphore, #tpu.memory_space<semaphore_mem>>, %arg17: memref<!tpu.dma_semaphore, #tpu.memory_space<semaphore_mem>>, %arg18: memref<!tpu.dma_semaphore, #tpu.memory_space<semaphore_mem>>, %arg19: memref<!tpu.dma_semaphore, #tpu.memory_space<semaphore_mem>>) attributes {dimension_semantics = [#tpu.dimension_semantics<core_parallel>, #tpu.dimension_semantics<subcore_parallel>], iteration_bounds = array<i64: 2, 16>, scalar_prefetch = 0 : i64, scratch_operands = 14 : i64, tpu.core_type = #tpu.core_type<sc_vector_subcore>, window_params = [{transform_indices = #map}, {transform_indices = #map}, {transform_indices = #map}, {transform_indices = #map}]} {
    %mul3A = arith.constant 2 : i32
    %mul3A_0 = arith.muli %arg1, %mul3A : i32
    %add3A = arith.addi %mul3A_0, %arg0 : i32
    tpu.enqueue_dma source(%arg4 : memref<50176xf32, #tpu.memory_space<hbm>>) target(%arg6 : memref<50176xf32, #tpu.memory_space<vmem>>) target_semaphore(%arg19 : memref<!tpu.dma_semaphore, #tpu.memory_space<semaphore_mem>>)
    %parallel_loop3A = arith.constant 0 : i32
    %parallel_loop3A_1 = arith.constant 3136 : i32
    %parallel_loop3A_2 = arith.constant 16 : i32
    scf.for %parallel_loop3A_122 = %parallel_loop3A to %parallel_loop3A_1 step %parallel_loop3A_2  : i32 {
      %parallel_loop3A_123 = arith.constant 0.000000e+00 : f32
      %parallel_loop3A_124 = vector.broadcast %parallel_loop3A_123 : f32 to vector<16xf32>
      %parallel_loop3A_125 = arith.index_cast %parallel_loop3A_122 : i32 to index
      %parallel_loop3A_126 = tpu.vector_load %arg13[%parallel_loop3A_125] {strides = array<i32>} : memref<3136xf32, #tpu.memory_space<vmem>>, vector<16xf32>,
      tpu.vector_store %arg13[%parallel_loop3A_125], %parallel_loop3A_124 {strides = array<i32>} : memref<3136xf32, #tpu.memory_space<vmem>>, vector<16xf32>,
    } {sc.loop_unroll_factor = 4 : i64, sc.parallel_access}
    %mul3A_3 = arith.constant 3136 : i32
    %mul3A_4 = arith.muli %arg1, %mul3A_3 : i32
    "tpu.region"() ({
      %run_scoped3A = tpu.sem_alloc : memref<!tpu.dma_semaphore, #tpu.memory_space<semaphore_mem>>
      %dma_start3A_122 = tpu.memref_slice %arg14[%mul3A_4] : memref<50176xf32, #tpu.memory_space<vmem_shared>> -> memref<3136xf32, #tpu.memory_space<vmem_shared>>
      %dma_start3A_123 = tpu.memref_slice %arg14[%mul3A_4] : memref<50176xf32, #tpu.memory_space<vmem_shared>> -> memref<3136xf32, #tpu.memory_space<vmem_shared>>
      tpu.enqueue_dma source(%arg13 : memref<3136xf32, #tpu.memory_space<vmem>>) target(%dma_start3A_123 : memref<3136xf32, #tpu.memory_space<vmem_shared>>) target_semaphore(%run_scoped3A : memref<!tpu.dma_semaphore, #tpu.memory_space<semaphore_mem>>)
      %dma_wait3A_124 = tpu.memref_slice %arg14[%mul3A_4] : memref<50176xf32, #tpu.memory_space<vmem_shared>> -> memref<3136xf32, #tpu.memory_space<vmem_shared>>
      %dma_wait3A_125 = tpu.memref_slice %arg14[%mul3A_4] : memref<50176xf32, #tpu.memory_space<vmem_shared>> -> memref<3136xf32, #tpu.memory_space<vmem_shared>>
      tpu.wait_dma2 semaphore(%run_scoped3A : memref<!tpu.dma_semaphore, #tpu.memory_space<semaphore_mem>>) src(%arg13 : memref<3136xf32, #tpu.memory_space<vmem>>) dst(%dma_wait3A_125 : memref<3136xf32, #tpu.memory_space<vmem_shared>>)
      tpu.yield
    }) : () -> ()
    %iota3A = tpu.iota {dimensions = array<i32: 0>} : vector<16xi32>
    %mul3A_5 = arith.constant 25000 : i32
    %mul3A_6 = arith.muli %add3A, %mul3A_5 : i32
    %add3A_7 = arith.constant 0 : i32
    %add3A_8 = arith.addi %mul3A_6, %add3A_7 : i32
    %dma_start3A = tpu.memref_slice %arg2[%add3A_8] : memref<800000xi32, #tpu.memory_space<hbm>> -> memref<5120xi32, #tpu.memory_space<hbm>>
    %dma_start3A_9 = tpu.memref_slice %arg2[%add3A_8] : memref<800000xi32, #tpu.memory_space<hbm>> -> memref<5120xi32, #tpu.memory_space<hbm>>
    tpu.enqueue_dma source(%dma_start3A_9 : memref<5120xi32, #tpu.memory_space<hbm>>) target(%arg7 : memref<5120xi32, #tpu.memory_space<vmem>>) target_semaphore(%arg15 : memref<!tpu.dma_semaphore, #tpu.memory_space<semaphore_mem>>)
    %dma_start3A_10 = tpu.memref_slice %arg3[%add3A_8] : memref<800000xi32, #tpu.memory_space<hbm>> -> memref<5120xi32, #tpu.memory_space<hbm>>
    %dma_start3A_11 = tpu.memref_slice %arg3[%add3A_8] : memref<800000xi32, #tpu.memory_space<hbm>> -> memref<5120xi32, #tpu.memory_space<hbm>>
    tpu.enqueue_dma source(%dma_start3A_11 : memref<5120xi32, #tpu.memory_space<hbm>>) target(%arg9 : memref<5120xi32, #tpu.memory_space<vmem>>) target_semaphore(%arg15 : memref<!tpu.dma_semaphore, #tpu.memory_space<semaphore_mem>>)
    tpu.wait_dma2 semaphore(%arg19 : memref<!tpu.dma_semaphore, #tpu.memory_space<semaphore_mem>>) src(%arg4 : memref<50176xf32, #tpu.memory_space<hbm>>) dst(%arg6 : memref<50176xf32, #tpu.memory_space<vmem>>)
    %barrier3A = arith.constant 0 : index
    tpu.barrier barrier_id(%barrier3A)
    %dma_wait3A = tpu.memref_slice %arg2[%add3A_8] : memref<800000xi32, #tpu.memory_space<hbm>> -> memref<5120xi32, #tpu.memory_space<hbm>>
    %dma_wait3A_12 = tpu.memref_slice %arg2[%add3A_8] : memref<800000xi32, #tpu.memory_space<hbm>> -> memref<5120xi32, #tpu.memory_space<hbm>>
    tpu.wait_dma2 semaphore(%arg15 : memref<!tpu.dma_semaphore, #tpu.memory_space<semaphore_mem>>) src(%dma_wait3A_12 : memref<5120xi32, #tpu.memory_space<hbm>>) dst(%arg7 : memref<5120xi32, #tpu.memory_space<vmem>>)
    %dma_wait3A_13 = tpu.memref_slice %arg3[%add3A_8] : memref<800000xi32, #tpu.memory_space<hbm>> -> memref<5120xi32, #tpu.memory_space<hbm>>
    %dma_wait3A_14 = tpu.memref_slice %arg3[%add3A_8] : memref<800000xi32, #tpu.memory_space<hbm>> -> memref<5120xi32, #tpu.memory_space<hbm>>
    tpu.wait_dma2 semaphore(%arg15 : memref<!tpu.dma_semaphore, #tpu.memory_space<semaphore_mem>>) src(%dma_wait3A_14 : memref<5120xi32, #tpu.memory_space<hbm>>) dst(%arg9 : memref<5120xi32, #tpu.memory_space<vmem>>)
    %mul3A_15 = arith.constant 25000 : i32
    %mul3A_16 = arith.muli %add3A, %mul3A_15 : i32
    %add3A_17 = arith.constant 5120 : i32
    %add3A_18 = arith.addi %mul3A_16, %add3A_17 : i32
    %dma_start3A_19 = tpu.memref_slice %arg2[%add3A_18] : memref<800000xi32, #tpu.memory_space<hbm>> -> memref<5120xi32, #tpu.memory_space<hbm>>
    %dma_start3A_20 = tpu.memref_slice %arg2[%add3A_18] : memref<800000xi32, #tpu.memory_space<hbm>> -> memref<5120xi32, #tpu.memory_space<hbm>>
    tpu.enqueue_dma source(%dma_start3A_20 : memref<5120xi32, #tpu.memory_space<hbm>>) target(%arg8 : memref<5120xi32, #tpu.memory_space<vmem>>) target_semaphore(%arg16 : memref<!tpu.dma_semaphore, #tpu.memory_space<semaphore_mem>>)
    %dma_start3A_21 = tpu.memref_slice %arg3[%add3A_18] : memref<800000xi32, #tpu.memory_space<hbm>> -> memref<5120xi32, #tpu.memory_space<hbm>>
    %dma_start3A_22 = tpu.memref_slice %arg3[%add3A_18] : memref<800000xi32, #tpu.memory_space<hbm>> -> memref<5120xi32, #tpu.memory_space<hbm>>
    tpu.enqueue_dma source(%dma_start3A_22 : memref<5120xi32, #tpu.memory_space<hbm>>) target(%arg10 : memref<5120xi32, #tpu.memory_space<vmem>>) target_semaphore(%arg16 : memref<!tpu.dma_semaphore, #tpu.memory_space<semaphore_mem>>)
    %parallel_loop3A_23 = arith.constant 0 : i32
    %parallel_loop3A_24 = arith.constant 5120 : i32
    %parallel_loop3A_25 = arith.constant 16 : i32
    scf.for %parallel_loop3A_122 = %parallel_loop3A_23 to %parallel_loop3A_24 step %parallel_loop3A_25  : i32 {
      %parallel_loop3A_123 = arith.index_cast %parallel_loop3A_122 : i32 to index
      %parallel_loop3A_124 = tpu.vector_load %arg7[%parallel_loop3A_123] {strides = array<i32>} : memref<5120xi32, #tpu.memory_space<vmem>>, vector<16xi32>,
      %parallel_loop3A_125 = tpu.vector_load_idx %arg6[%parallel_loop3A_124] : memref<50176xf32, #tpu.memory_space<vmem>>[vector<16xi32>], vector<16xf32>,
      %parallel_loop3A_126 = arith.index_cast %parallel_loop3A_122 : i32 to index
      %parallel_loop3A_127 = tpu.vector_load %arg11[%parallel_loop3A_126] {strides = array<i32>} : memref<5120xf32, #tpu.memory_space<vmem>>, vector<16xf32>,
      tpu.vector_store %arg11[%parallel_loop3A_126], %parallel_loop3A_125 {strides = array<i32>} : memref<5120xf32, #tpu.memory_space<vmem>>, vector<16xf32>,
    } {sc.loop_unroll_factor = 4 : i64, sc.parallel_access}
    %dma_start3A_26 = arith.constant 0 : i32
    %dma_start3A_27 = tpu.memref_slice %arg14[%dma_start3A_26] : memref<50176xf32, #tpu.memory_space<vmem_shared>> -> memref<50176xf32, #tpu.memory_space<vmem_shared>>
    tpu.enqueue_indirect_dma source(%arg11 : memref<5120xf32, #tpu.memory_space<vmem>>) target(%dma_start3A_27 : memref<50176xf32, #tpu.memory_space<vmem_shared>>) offsets(%arg9 : memref<5120xi32, #tpu.memory_space<vmem>>) semaphore(%arg17 : memref<!tpu.dma_semaphore, #tpu.memory_space<semaphore_mem>>) {add = true}
    %dma_wait3A_28 = tpu.memref_slice %arg2[%add3A_18] : memref<800000xi32, #tpu.memory_space<hbm>> -> memref<5120xi32, #tpu.memory_space<hbm>>
    %dma_wait3A_29 = tpu.memref_slice %arg2[%add3A_18] : memref<800000xi32, #tpu.memory_space<hbm>> -> memref<5120xi32, #tpu.memory_space<hbm>>
    tpu.wait_dma2 semaphore(%arg16 : memref<!tpu.dma_semaphore, #tpu.memory_space<semaphore_mem>>) src(%dma_wait3A_29 : memref<5120xi32, #tpu.memory_space<hbm>>) dst(%arg8 : memref<5120xi32, #tpu.memory_space<vmem>>)
    %dma_wait3A_30 = tpu.memref_slice %arg3[%add3A_18] : memref<800000xi32, #tpu.memory_space<hbm>> -> memref<5120xi32, #tpu.memory_space<hbm>>
    %dma_wait3A_31 = tpu.memref_slice %arg3[%add3A_18] : memref<800000xi32, #tpu.memory_space<hbm>> -> memref<5120xi32, #tpu.memory_space<hbm>>
    tpu.wait_dma2 semaphore(%arg16 : memref<!tpu.dma_semaphore, #tpu.memory_space<semaphore_mem>>) src(%dma_wait3A_31 : memref<5120xi32, #tpu.memory_space<hbm>>) dst(%arg10 : memref<5120xi32, #tpu.memory_space<vmem>>)
    %dma_wait3A_32 = arith.constant 0 : i32
    %dma_wait3A_33 = tpu.memref_slice %arg14[%dma_wait3A_32] : memref<50176xf32, #tpu.memory_space<vmem_shared>> -> memref<50176xf32, #tpu.memory_space<vmem_shared>>
    tpu.wait_indirect_dma semaphore(%arg17 : memref<!tpu.dma_semaphore, #tpu.memory_space<semaphore_mem>>) src(%arg11 : memref<5120xf32, #tpu.memory_space<vmem>>) dst(%dma_wait3A_33 : memref<50176xf32, #tpu.memory_space<vmem_shared>>)
    %mul3A_34 = arith.constant 25000 : i32
    %mul3A_35 = arith.muli %add3A, %mul3A_34 : i32
    %add3A_36 = arith.constant 10240 : i32
    %add3A_37 = arith.addi %mul3A_35, %add3A_36 : i32
    %dma_start3A_38 = tpu.memref_slice %arg2[%add3A_37] : memref<800000xi32, #tpu.memory_space<hbm>> -> memref<5120xi32, #tpu.memory_space<hbm>>
    %dma_start3A_39 = tpu.memref_slice %arg2[%add3A_37] : memref<800000xi32, #tpu.memory_space<hbm>> -> memref<5120xi32, #tpu.memory_space<hbm>>
    tpu.enqueue_dma source(%dma_start3A_39 : memref<5120xi32, #tpu.memory_space<hbm>>) target(%arg7 : memref<5120xi32, #tpu.memory_space<vmem>>) target_semaphore(%arg15 : memref<!tpu.dma_semaphore, #tpu.memory_space<semaphore_mem>>)
    %dma_start3A_40 = tpu.memref_slice %arg3[%add3A_37] : memref<800000xi32, #tpu.memory_space<hbm>> -> memref<5120xi32, #tpu.memory_space<hbm>>
    %dma_start3A_41 = tpu.memref_slice %arg3[%add3A_37] : memref<800000xi32, #tpu.memory_space<hbm>> -> memref<5120xi32, #tpu.memory_space<hbm>>
    tpu.enqueue_dma source(%dma_start3A_41 : memref<5120xi32, #tpu.memory_space<hbm>>) target(%arg9 : memref<5120xi32, #tpu.memory_space<vmem>>) target_semaphore(%arg15 : memref<!tpu.dma_semaphore, #tpu.memory_space<semaphore_mem>>)
    %parallel_loop3A_42 = arith.constant 0 : i32
    %parallel_loop3A_43 = arith.constant 5120 : i32
    %parallel_loop3A_44 = arith.constant 16 : i32
    scf.for %parallel_loop3A_122 = %parallel_loop3A_42 to %parallel_loop3A_43 step %parallel_loop3A_44  : i32 {
      %parallel_loop3A_123 = arith.index_cast %parallel_loop3A_122 : i32 to index
      %parallel_loop3A_124 = tpu.vector_load %arg8[%parallel_loop3A_123] {strides = array<i32>} : memref<5120xi32, #tpu.memory_space<vmem>>, vector<16xi32>,
      %parallel_loop3A_125 = tpu.vector_load_idx %arg6[%parallel_loop3A_124] : memref<50176xf32, #tpu.memory_space<vmem>>[vector<16xi32>], vector<16xf32>,
      %parallel_loop3A_126 = arith.index_cast %parallel_loop3A_122 : i32 to index
      %parallel_loop3A_127 = tpu.vector_load %arg12[%parallel_loop3A_126] {strides = array<i32>} : memref<5120xf32, #tpu.memory_space<vmem>>, vector<16xf32>,
      tpu.vector_store %arg12[%parallel_loop3A_126], %parallel_loop3A_125 {strides = array<i32>} : memref<5120xf32, #tpu.memory_space<vmem>>, vector<16xf32>,
    } {sc.loop_unroll_factor = 4 : i64, sc.parallel_access}
    %dma_start3A_45 = arith.constant 0 : i32
    %dma_start3A_46 = tpu.memref_slice %arg14[%dma_start3A_45] : memref<50176xf32, #tpu.memory_space<vmem_shared>> -> memref<50176xf32, #tpu.memory_space<vmem_shared>>
    tpu.enqueue_indirect_dma source(%arg12 : memref<5120xf32, #tpu.memory_space<vmem>>) target(%dma_start3A_46 : memref<50176xf32, #tpu.memory_space<vmem_shared>>) offsets(%arg10 : memref<5120xi32, #tpu.memory_space<vmem>>) semaphore(%arg18 : memref<!tpu.dma_semaphore, #tpu.memory_space<semaphore_mem>>) {add = true}
    %dma_wait3A_47 = tpu.memref_slice %arg2[%add3A_37] : memref<800000xi32, #tpu.memory_space<hbm>> -> memref<5120xi32, #tpu.memory_space<hbm>>
    %dma_wait3A_48 = tpu.memref_slice %arg2[%add3A_37] : memref<800000xi32, #tpu.memory_space<hbm>> -> memref<5120xi32, #tpu.memory_space<hbm>>
    tpu.wait_dma2 semaphore(%arg15 : memref<!tpu.dma_semaphore, #tpu.memory_space<semaphore_mem>>) src(%dma_wait3A_48 : memref<5120xi32, #tpu.memory_space<hbm>>) dst(%arg7 : memref<5120xi32, #tpu.memory_space<vmem>>)
    %dma_wait3A_49 = tpu.memref_slice %arg3[%add3A_37] : memref<800000xi32, #tpu.memory_space<hbm>> -> memref<5120xi32, #tpu.memory_space<hbm>>
    %dma_wait3A_50 = tpu.memref_slice %arg3[%add3A_37] : memref<800000xi32, #tpu.memory_space<hbm>> -> memref<5120xi32, #tpu.memory_space<hbm>>
    tpu.wait_dma2 semaphore(%arg15 : memref<!tpu.dma_semaphore, #tpu.memory_space<semaphore_mem>>) src(%dma_wait3A_50 : memref<5120xi32, #tpu.memory_space<hbm>>) dst(%arg9 : memref<5120xi32, #tpu.memory_space<vmem>>)
    %dma_wait3A_51 = arith.constant 0 : i32
    %dma_wait3A_52 = tpu.memref_slice %arg14[%dma_wait3A_51] : memref<50176xf32, #tpu.memory_space<vmem_shared>> -> memref<50176xf32, #tpu.memory_space<vmem_shared>>
    tpu.wait_indirect_dma semaphore(%arg18 : memref<!tpu.dma_semaphore, #tpu.memory_space<semaphore_mem>>) src(%arg12 : memref<5120xf32, #tpu.memory_space<vmem>>) dst(%dma_wait3A_52 : memref<50176xf32, #tpu.memory_space<vmem_shared>>)
    %mul3A_53 = arith.constant 25000 : i32
    %mul3A_54 = arith.muli %add3A, %mul3A_53 : i32
    %add3A_55 = arith.constant 15360 : i32
    %add3A_56 = arith.addi %mul3A_54, %add3A_55 : i32
    %dma_start3A_57 = tpu.memref_slice %arg2[%add3A_56] : memref<800000xi32, #tpu.memory_space<hbm>> -> memref<5120xi32, #tpu.memory_space<hbm>>
    %dma_start3A_58 = tpu.memref_slice %arg2[%add3A_56] : memref<800000xi32, #tpu.memory_space<hbm>> -> memref<5120xi32, #tpu.memory_space<hbm>>
    tpu.enqueue_dma source(%dma_start3A_58 : memref<5120xi32, #tpu.memory_space<hbm>>) target(%arg8 : memref<5120xi32, #tpu.memory_space<vmem>>) target_semaphore(%arg16 : memref<!tpu.dma_semaphore, #tpu.memory_space<semaphore_mem>>)
    %dma_start3A_59 = tpu.memref_slice %arg3[%add3A_56] : memref<800000xi32, #tpu.memory_space<hbm>> -> memref<5120xi32, #tpu.memory_space<hbm>>
    %dma_start3A_60 = tpu.memref_slice %arg3[%add3A_56] : memref<800000xi32, #tpu.memory_space<hbm>> -> memref<5120xi32, #tpu.memory_space<hbm>>
    tpu.enqueue_dma source(%dma_start3A_60 : memref<5120xi32, #tpu.memory_space<hbm>>) target(%arg10 : memref<5120xi32, #tpu.memory_space<vmem>>) target_semaphore(%arg16 : memref<!tpu.dma_semaphore, #tpu.memory_space<semaphore_mem>>)
    %parallel_loop3A_61 = arith.constant 0 : i32
    %parallel_loop3A_62 = arith.constant 5120 : i32
    %parallel_loop3A_63 = arith.constant 16 : i32
    scf.for %parallel_loop3A_122 = %parallel_loop3A_61 to %parallel_loop3A_62 step %parallel_loop3A_63  : i32 {
      %parallel_loop3A_123 = arith.index_cast %parallel_loop3A_122 : i32 to index
      %parallel_loop3A_124 = tpu.vector_load %arg7[%parallel_loop3A_123] {strides = array<i32>} : memref<5120xi32, #tpu.memory_space<vmem>>, vector<16xi32>,
      %parallel_loop3A_125 = tpu.vector_load_idx %arg6[%parallel_loop3A_124] : memref<50176xf32, #tpu.memory_space<vmem>>[vector<16xi32>], vector<16xf32>,
      %parallel_loop3A_126 = arith.index_cast %parallel_loop3A_122 : i32 to index
      %parallel_loop3A_127 = tpu.vector_load %arg11[%parallel_loop3A_126] {strides = array<i32>} : memref<5120xf32, #tpu.memory_space<vmem>>, vector<16xf32>,
      tpu.vector_store %arg11[%parallel_loop3A_126], %parallel_loop3A_125 {strides = array<i32>} : memref<5120xf32, #tpu.memory_space<vmem>>, vector<16xf32>,
    } {sc.loop_unroll_factor = 4 : i64, sc.parallel_access}
    %dma_start3A_64 = arith.constant 0 : i32
    %dma_start3A_65 = tpu.memref_slice %arg14[%dma_start3A_64] : memref<50176xf32, #tpu.memory_space<vmem_shared>> -> memref<50176xf32, #tpu.memory_space<vmem_shared>>
    tpu.enqueue_indirect_dma source(%arg11 : memref<5120xf32, #tpu.memory_space<vmem>>) target(%dma_start3A_65 : memref<50176xf32, #tpu.memory_space<vmem_shared>>) offsets(%arg9 : memref<5120xi32, #tpu.memory_space<vmem>>) semaphore(%arg17 : memref<!tpu.dma_semaphore, #tpu.memory_space<semaphore_mem>>) {add = true}
    %dma_wait3A_66 = tpu.memref_slice %arg2[%add3A_56] : memref<800000xi32, #tpu.memory_space<hbm>> -> memref<5120xi32, #tpu.memory_space<hbm>>
    %dma_wait3A_67 = tpu.memref_slice %arg2[%add3A_56] : memref<800000xi32, #tpu.memory_space<hbm>> -> memref<5120xi32, #tpu.memory_space<hbm>>
    tpu.wait_dma2 semaphore(%arg16 : memref<!tpu.dma_semaphore, #tpu.memory_space<semaphore_mem>>) src(%dma_wait3A_67 : memref<5120xi32, #tpu.memory_space<hbm>>) dst(%arg8 : memref<5120xi32, #tpu.memory_space<vmem>>)
    %dma_wait3A_68 = tpu.memref_slice %arg3[%add3A_56] : memref<800000xi32, #tpu.memory_space<hbm>> -> memref<5120xi32, #tpu.memory_space<hbm>>
    %dma_wait3A_69 = tpu.memref_slice %arg3[%add3A_56] : memref<800000xi32, #tpu.memory_space<hbm>> -> memref<5120xi32, #tpu.memory_space<hbm>>
    tpu.wait_dma2 semaphore(%arg16 : memref<!tpu.dma_semaphore, #tpu.memory_space<semaphore_mem>>) src(%dma_wait3A_69 : memref<5120xi32, #tpu.memory_space<hbm>>) dst(%arg10 : memref<5120xi32, #tpu.memory_space<vmem>>)
    %dma_wait3A_70 = arith.constant 0 : i32
    %dma_wait3A_71 = tpu.memref_slice %arg14[%dma_wait3A_70] : memref<50176xf32, #tpu.memory_space<vmem_shared>> -> memref<50176xf32, #tpu.memory_space<vmem_shared>>
    tpu.wait_indirect_dma semaphore(%arg17 : memref<!tpu.dma_semaphore, #tpu.memory_space<semaphore_mem>>) src(%arg11 : memref<5120xf32, #tpu.memory_space<vmem>>) dst(%dma_wait3A_71 : memref<50176xf32, #tpu.memory_space<vmem_shared>>)
    %mul3A_72 = arith.constant 25000 : i32
    %mul3A_73 = arith.muli %add3A, %mul3A_72 : i32
    %add3A_74 = arith.constant 20480 : i32
    %add3A_75 = arith.addi %mul3A_73, %add3A_74 : i32
    %dma_start3A_76 = arith.constant 0 : i32
    %dma_start3A_77 = tpu.memref_slice %arg7[%dma_start3A_76] : memref<5120xi32, #tpu.memory_space<vmem>> -> memref<4520xi32, #tpu.memory_space<vmem>>
    %dma_start3A_78 = tpu.memref_slice %arg2[%add3A_75] : memref<800000xi32, #tpu.memory_space<hbm>> -> memref<4520xi32, #tpu.memory_space<hbm>>
    %dma_start3A_79 = arith.constant 0 : i32
    %dma_start3A_80 = tpu.memref_slice %arg7[%dma_start3A_79] : memref<5120xi32, #tpu.memory_space<vmem>> -> memref<4520xi32, #tpu.memory_space<vmem>>
    %dma_start3A_81 = tpu.memref_slice %arg2[%add3A_75] : memref<800000xi32, #tpu.memory_space<hbm>> -> memref<4520xi32, #tpu.memory_space<hbm>>
    tpu.enqueue_dma source(%dma_start3A_81 : memref<4520xi32, #tpu.memory_space<hbm>>) target(%dma_start3A_80 : memref<4520xi32, #tpu.memory_space<vmem>>) target_semaphore(%arg15 : memref<!tpu.dma_semaphore, #tpu.memory_space<semaphore_mem>>)
    %dma_start3A_82 = arith.constant 0 : i32
    %dma_start3A_83 = tpu.memref_slice %arg9[%dma_start3A_82] : memref<5120xi32, #tpu.memory_space<vmem>> -> memref<4520xi32, #tpu.memory_space<vmem>>
    %dma_start3A_84 = tpu.memref_slice %arg3[%add3A_75] : memref<800000xi32, #tpu.memory_space<hbm>> -> memref<4520xi32, #tpu.memory_space<hbm>>
    %dma_start3A_85 = arith.constant 0 : i32
    %dma_start3A_86 = tpu.memref_slice %arg9[%dma_start3A_85] : memref<5120xi32, #tpu.memory_space<vmem>> -> memref<4520xi32, #tpu.memory_space<vmem>>
    %dma_start3A_87 = tpu.memref_slice %arg3[%add3A_75] : memref<800000xi32, #tpu.memory_space<hbm>> -> memref<4520xi32, #tpu.memory_space<hbm>>
    tpu.enqueue_dma source(%dma_start3A_87 : memref<4520xi32, #tpu.memory_space<hbm>>) target(%dma_start3A_86 : memref<4520xi32, #tpu.memory_space<vmem>>) target_semaphore(%arg15 : memref<!tpu.dma_semaphore, #tpu.memory_space<semaphore_mem>>)
    %parallel_loop3A_88 = arith.constant 0 : i32
    %parallel_loop3A_89 = arith.constant 5120 : i32
    %parallel_loop3A_90 = arith.constant 16 : i32
    scf.for %parallel_loop3A_122 = %parallel_loop3A_88 to %parallel_loop3A_89 step %parallel_loop3A_90  : i32 {
      %parallel_loop3A_123 = arith.index_cast %parallel_loop3A_122 : i32 to index
      %parallel_loop3A_124 = tpu.vector_load %arg8[%parallel_loop3A_123] {strides = array<i32>} : memref<5120xi32, #tpu.memory_space<vmem>>, vector<16xi32>,
      %parallel_loop3A_125 = tpu.vector_load_idx %arg6[%parallel_loop3A_124] : memref<50176xf32, #tpu.memory_space<vmem>>[vector<16xi32>], vector<16xf32>,
      %parallel_loop3A_126 = arith.index_cast %parallel_loop3A_122 : i32 to index
      %parallel_loop3A_127 = tpu.vector_load %arg12[%parallel_loop3A_126] {strides = array<i32>} : memref<5120xf32, #tpu.memory_space<vmem>>, vector<16xf32>,
      tpu.vector_store %arg12[%parallel_loop3A_126], %parallel_loop3A_125 {strides = array<i32>} : memref<5120xf32, #tpu.memory_space<vmem>>, vector<16xf32>,
    } {sc.loop_unroll_factor = 4 : i64, sc.parallel_access}
    %dma_start3A_91 = arith.constant 0 : i32
    %dma_start3A_92 = tpu.memref_slice %arg14[%dma_start3A_91] : memref<50176xf32, #tpu.memory_space<vmem_shared>> -> memref<50176xf32, #tpu.memory_space<vmem_shared>>
    tpu.enqueue_indirect_dma source(%arg12 : memref<5120xf32, #tpu.memory_space<vmem>>) target(%dma_start3A_92 : memref<50176xf32, #tpu.memory_space<vmem_shared>>) offsets(%arg10 : memref<5120xi32, #tpu.memory_space<vmem>>) semaphore(%arg18 : memref<!tpu.dma_semaphore, #tpu.memory_space<semaphore_mem>>) {add = true}
    %dma_wait3A_93 = arith.constant 0 : i32
    %dma_wait3A_94 = tpu.memref_slice %arg7[%dma_wait3A_93] : memref<5120xi32, #tpu.memory_space<vmem>> -> memref<4520xi32, #tpu.memory_space<vmem>>
    %dma_wait3A_95 = tpu.memref_slice %arg2[%add3A_75] : memref<800000xi32, #tpu.memory_space<hbm>> -> memref<4520xi32, #tpu.memory_space<hbm>>
    %dma_wait3A_96 = arith.constant 0 : i32
    %dma_wait3A_97 = tpu.memref_slice %arg7[%dma_wait3A_96] : memref<5120xi32, #tpu.memory_space<vmem>> -> memref<4520xi32, #tpu.memory_space<vmem>>
    %dma_wait3A_98 = tpu.memref_slice %arg2[%add3A_75] : memref<800000xi32, #tpu.memory_space<hbm>> -> memref<4520xi32, #tpu.memory_space<hbm>>
    tpu.wait_dma2 semaphore(%arg15 : memref<!tpu.dma_semaphore, #tpu.memory_space<semaphore_mem>>) src(%dma_wait3A_98 : memref<4520xi32, #tpu.memory_space<hbm>>) dst(%dma_wait3A_97 : memref<4520xi32, #tpu.memory_space<vmem>>)
    %dma_wait3A_99 = arith.constant 0 : i32
    %dma_wait3A_100 = tpu.memref_slice %arg9[%dma_wait3A_99] : memref<5120xi32, #tpu.memory_space<vmem>> -> memref<4520xi32, #tpu.memory_space<vmem>>
    %dma_wait3A_101 = tpu.memref_slice %arg3[%add3A_75] : memref<800000xi32, #tpu.memory_space<hbm>> -> memref<4520xi32, #tpu.memory_space<hbm>>
    %dma_wait3A_102 = arith.constant 0 : i32
    %dma_wait3A_103 = tpu.memref_slice %arg9[%dma_wait3A_102] : memref<5120xi32, #tpu.memory_space<vmem>> -> memref<4520xi32, #tpu.memory_space<vmem>>
    %dma_wait3A_104 = tpu.memref_slice %arg3[%add3A_75] : memref<800000xi32, #tpu.memory_space<hbm>> -> memref<4520xi32, #tpu.memory_space<hbm>>
    tpu.wait_dma2 semaphore(%arg15 : memref<!tpu.dma_semaphore, #tpu.memory_space<semaphore_mem>>) src(%dma_wait3A_104 : memref<4520xi32, #tpu.memory_space<hbm>>) dst(%dma_wait3A_103 : memref<4520xi32, #tpu.memory_space<vmem>>)
    %dma_wait3A_105 = arith.constant 0 : i32
    %dma_wait3A_106 = tpu.memref_slice %arg14[%dma_wait3A_105] : memref<50176xf32, #tpu.memory_space<vmem_shared>> -> memref<50176xf32, #tpu.memory_space<vmem_shared>>
    tpu.wait_indirect_dma semaphore(%arg18 : memref<!tpu.dma_semaphore, #tpu.memory_space<semaphore_mem>>) src(%arg12 : memref<5120xf32, #tpu.memory_space<vmem>>) dst(%dma_wait3A_106 : memref<50176xf32, #tpu.memory_space<vmem_shared>>)
    %parallel_loop3A_107 = arith.constant 0 : i32
    %parallel_loop3A_108 = arith.constant 5120 : i32
    %parallel_loop3A_109 = arith.constant 16 : i32
    scf.for %parallel_loop3A_122 = %parallel_loop3A_107 to %parallel_loop3A_108 step %parallel_loop3A_109  : i32 {
      %parallel_loop3A_123 = arith.index_cast %parallel_loop3A_122 : i32 to index
      %parallel_loop3A_124 = tpu.vector_load %arg7[%parallel_loop3A_123] {strides = array<i32>} : memref<5120xi32, #tpu.memory_space<vmem>>, vector<16xi32>,
      %parallel_loop3A_125 = tpu.vector_load_idx %arg6[%parallel_loop3A_124] : memref<50176xf32, #tpu.memory_space<vmem>>[vector<16xi32>], vector<16xf32>,
      %parallel_loop3A_126 = vector.broadcast %parallel_loop3A_122 : i32 to vector<16xi32>
      %parallel_loop3A_127 = arith.addi %parallel_loop3A_126, %iota3A : vector<16xi32>
      %parallel_loop3A_128 = arith.constant 4520 : i32
      %parallel_loop3A_129 = vector.broadcast %parallel_loop3A_128 : i32 to vector<16xi32>
      %parallel_loop3A_130 = arith.cmpi slt, %parallel_loop3A_127, %parallel_loop3A_129 : vector<16xi32>
      %parallel_loop3A_131 = arith.constant 0.000000e+00 : f32
      %parallel_loop3A_132 = vector.broadcast %parallel_loop3A_131 : f32 to vector<16xf32>
      %parallel_loop3A_133 = arith.select %parallel_loop3A_130, %parallel_loop3A_125, %parallel_loop3A_132 : vector<16xi1>, vector<16xf32>
      %parallel_loop3A_134 = arith.index_cast %parallel_loop3A_122 : i32 to index
      %parallel_loop3A_135 = tpu.vector_load %arg11[%parallel_loop3A_134] {strides = array<i32>} : memref<5120xf32, #tpu.memory_space<vmem>>, vector<16xf32>,
      tpu.vector_store %arg11[%parallel_loop3A_134], %parallel_loop3A_133 {strides = array<i32>} : memref<5120xf32, #tpu.memory_space<vmem>>, vector<16xf32>,
    } {sc.loop_unroll_factor = 4 : i64, sc.parallel_access}
    %dma_start3A_110 = arith.constant 0 : i32
    %dma_start3A_111 = tpu.memref_slice %arg14[%dma_start3A_110] : memref<50176xf32, #tpu.memory_space<vmem_shared>> -> memref<50176xf32, #tpu.memory_space<vmem_shared>>
    tpu.enqueue_indirect_dma source(%arg11 : memref<5120xf32, #tpu.memory_space<vmem>>) target(%dma_start3A_111 : memref<50176xf32, #tpu.memory_space<vmem_shared>>) offsets(%arg9 : memref<5120xi32, #tpu.memory_space<vmem>>) semaphore(%arg17 : memref<!tpu.dma_semaphore, #tpu.memory_space<semaphore_mem>>) {add = true}
    %dma_wait3A_112 = arith.constant 0 : i32
    %dma_wait3A_113 = tpu.memref_slice %arg14[%dma_wait3A_112] : memref<50176xf32, #tpu.memory_space<vmem_shared>> -> memref<50176xf32, #tpu.memory_space<vmem_shared>>
    tpu.wait_indirect_dma semaphore(%arg17 : memref<!tpu.dma_semaphore, #tpu.memory_space<semaphore_mem>>) src(%arg11 : memref<5120xf32, #tpu.memory_space<vmem>>) dst(%dma_wait3A_113 : memref<50176xf32, #tpu.memory_space<vmem_shared>>)
    %barrier3A_114 = arith.constant 0 : index
    tpu.barrier barrier_id(%barrier3A_114)
    %mul3A_115 = arith.constant 3136 : i32
    %mul3A_116 = arith.muli %arg1, %mul3A_115 : i32
    "tpu.region"() ({
      %run_scoped3A = tpu.sem_alloc : memref<!tpu.dma_semaphore, #tpu.memory_space<semaphore_mem>>
      %dma_start3A_122 = tpu.memref_slice %arg14[%mul3A_116] : memref<50176xf32, #tpu.memory_space<vmem_shared>> -> memref<3136xf32, #tpu.memory_space<vmem_shared>>
      %dma_start3A_123 = tpu.memref_slice %arg14[%mul3A_116] : memref<50176xf32, #tpu.memory_space<vmem_shared>> -> memref<3136xf32, #tpu.memory_space<vmem_shared>>
      tpu.enqueue_dma source(%dma_start3A_123 : memref<3136xf32, #tpu.memory_space<vmem_shared>>) target(%arg13 : memref<3136xf32, #tpu.memory_space<vmem>>) target_semaphore(%run_scoped3A : memref<!tpu.dma_semaphore, #tpu.memory_space<semaphore_mem>>)
      %dma_wait3A_124 = tpu.memref_slice %arg14[%mul3A_116] : memref<50176xf32, #tpu.memory_space<vmem_shared>> -> memref<3136xf32, #tpu.memory_space<vmem_shared>>
      %dma_wait3A_125 = tpu.memref_slice %arg14[%mul3A_116] : memref<50176xf32, #tpu.memory_space<vmem_shared>> -> memref<3136xf32, #tpu.memory_space<vmem_shared>>
      tpu.wait_dma2 semaphore(%run_scoped3A : memref<!tpu.dma_semaphore, #tpu.memory_space<semaphore_mem>>) src(%dma_wait3A_125 : memref<3136xf32, #tpu.memory_space<vmem_shared>>) dst(%arg13 : memref<3136xf32, #tpu.memory_space<vmem>>)
      tpu.yield
    }) : () -> ()
    %mul3A_117 = arith.constant 50176 : i32
    %mul3A_118 = arith.muli %arg0, %mul3A_117 : i32
    %mul3A_119 = arith.constant 3136 : i32
    %mul3A_120 = arith.muli %arg1, %mul3A_119 : i32
    %add3A_121 = arith.addi %mul3A_118, %mul3A_120 : i32
    "tpu.region"() ({
      %run_scoped3A = tpu.sem_alloc : memref<!tpu.dma_semaphore, #tpu.memory_space<semaphore_mem>>
      %dma_start3A_122 = tpu.memref_slice %arg5[%add3A_121] : memref<100352xf32, #tpu.memory_space<hbm>> -> memref<3136xf32, #tpu.memory_space<hbm>>
      %dma_start3A_123 = tpu.memref_slice %arg5[%add3A_121] : memref<100352xf32, #tpu.memory_space<hbm>> -> memref<3136xf32, #tpu.memory_space<hbm>>
      tpu.enqueue_dma source(%arg13 : memref<3136xf32, #tpu.memory_space<vmem>>) target(%dma_start3A_123 : memref<3136xf32, #tpu.memory_space<hbm>>) target_semaphore(%run_scoped3A : memref<!tpu.dma_semaphore, #tpu.memory_space<semaphore_mem>>)
      %dma_wait3A_124 = tpu.memref_slice %arg5[%add3A_121] : memref<100352xf32, #tpu.memory_space<hbm>> -> memref<3136xf32, #tpu.memory_space<hbm>>
      %dma_wait3A_125 = tpu.memref_slice %arg5[%add3A_121] : memref<100352xf32, #tpu.memory_space<hbm>> -> memref<3136xf32, #tpu.memory_space<hbm>>
      tpu.wait_dma2 semaphore(%run_scoped3A : memref<!tpu.dma_semaphore, #tpu.memory_space<semaphore_mem>>) src(%arg13 : memref<3136xf32, #tpu.memory_space<vmem>>) dst(%dma_wait3A_125 : memref<3136xf32, #tpu.memory_space<hbm>>)
      tpu.yield
    }) : () -> ()
    return
  }
}

#map = affine_map<(d0, d1) -> (0)>
module attributes {stable_mosaic.version = 14 : i64} {
  func.func @k(%arg0: i32, %arg1: i32, %arg2: memref<800000xi32, #tpu.memory_space<hbm>>, %arg3: memref<800000xi32, #tpu.memory_space<hbm>>, %arg4: memref<50176xf32, #tpu.memory_space<hbm>>, %arg5: memref<200704xf32, #tpu.memory_space<hbm>>, %arg6: memref<50176xf32, #tpu.memory_space<vmem>>, %arg7: memref<5120xi32, #tpu.memory_space<vmem>>, %arg8: memref<5120xi32, #tpu.memory_space<vmem>>, %arg9: memref<5120xi32, #tpu.memory_space<vmem>>, %arg10: memref<5120xi32, #tpu.memory_space<vmem>>, %arg11: memref<5120xf32, #tpu.memory_space<vmem>>, %arg12: memref<5120xf32, #tpu.memory_space<vmem>>, %arg13: memref<5120xf32, #tpu.memory_space<vmem>>, %arg14: memref<5120xf32, #tpu.memory_space<vmem>>, %arg15: memref<3136xf32, #tpu.memory_space<vmem>>, %arg16: memref<50176xf32, #tpu.memory_space<vmem_shared>>, %arg17: memref<50176xf32, #tpu.memory_space<vmem_shared>>, %arg18: memref<!tpu.dma_semaphore, #tpu.memory_space<semaphore_mem>>, %arg19: memref<!tpu.dma_semaphore, #tpu.memory_space<semaphore_mem>>, %arg20: memref<!tpu.dma_semaphore, #tpu.memory_space<semaphore_mem>>, %arg21: memref<!tpu.dma_semaphore, #tpu.memory_space<semaphore_mem>>, %arg22: memref<!tpu.dma_semaphore, #tpu.memory_space<semaphore_mem>>) attributes {dimension_semantics = [#tpu.dimension_semantics<core_parallel>, #tpu.dimension_semantics<subcore_parallel>], iteration_bounds = array<i64: 2, 16>, scalar_prefetch = 0 : i64, scratch_operands = 17 : i64, tpu.core_type = #tpu.core_type<sc_vector_subcore>, window_params = [{transform_indices = #map}, {transform_indices = #map}, {transform_indices = #map}, {transform_indices = #map}]} {
    %mul3A = arith.constant 2 : i32
    %mul3A_0 = arith.muli %arg1, %mul3A : i32
    %add3A = arith.addi %mul3A_0, %arg0 : i32
    tpu.enqueue_dma source(%arg4 : memref<50176xf32, #tpu.memory_space<hbm>>) target(%arg6 : memref<50176xf32, #tpu.memory_space<vmem>>) target_semaphore(%arg22 : memref<!tpu.dma_semaphore, #tpu.memory_space<semaphore_mem>>)
    %parallel_loop3A = arith.constant 0 : i32
    %parallel_loop3A_1 = arith.constant 3136 : i32
    %parallel_loop3A_2 = arith.constant 16 : i32
    scf.for %parallel_loop3A_153 = %parallel_loop3A to %parallel_loop3A_1 step %parallel_loop3A_2  : i32 {
      %parallel_loop3A_154 = arith.constant 0.000000e+00 : f32
      %parallel_loop3A_155 = vector.broadcast %parallel_loop3A_154 : f32 to vector<16xf32>
      %parallel_loop3A_156 = arith.index_cast %parallel_loop3A_153 : i32 to index
      %parallel_loop3A_157 = tpu.vector_load %arg15[%parallel_loop3A_156] {strides = array<i32>} : memref<3136xf32, #tpu.memory_space<vmem>>, vector<16xf32>,
      tpu.vector_store %arg15[%parallel_loop3A_156], %parallel_loop3A_155 {strides = array<i32>} : memref<3136xf32, #tpu.memory_space<vmem>>, vector<16xf32>,
    } {sc.loop_unroll_factor = 4 : i64, sc.parallel_access}
    %mul3A_3 = arith.constant 3136 : i32
    %mul3A_4 = arith.muli %arg1, %mul3A_3 : i32
    "tpu.region"() ({
      %run_scoped3A = tpu.sem_alloc : memref<!tpu.dma_semaphore, #tpu.memory_space<semaphore_mem>>
      %dma_start3A_153 = tpu.memref_slice %arg16[%mul3A_4] : memref<50176xf32, #tpu.memory_space<vmem_shared>> -> memref<3136xf32, #tpu.memory_space<vmem_shared>>
      %dma_start3A_154 = tpu.memref_slice %arg16[%mul3A_4] : memref<50176xf32, #tpu.memory_space<vmem_shared>> -> memref<3136xf32, #tpu.memory_space<vmem_shared>>
      tpu.enqueue_dma source(%arg15 : memref<3136xf32, #tpu.memory_space<vmem>>) target(%dma_start3A_154 : memref<3136xf32, #tpu.memory_space<vmem_shared>>) target_semaphore(%run_scoped3A : memref<!tpu.dma_semaphore, #tpu.memory_space<semaphore_mem>>)
      %dma_wait3A_155 = tpu.memref_slice %arg16[%mul3A_4] : memref<50176xf32, #tpu.memory_space<vmem_shared>> -> memref<3136xf32, #tpu.memory_space<vmem_shared>>
      %dma_wait3A_156 = tpu.memref_slice %arg16[%mul3A_4] : memref<50176xf32, #tpu.memory_space<vmem_shared>> -> memref<3136xf32, #tpu.memory_space<vmem_shared>>
      tpu.wait_dma2 semaphore(%run_scoped3A : memref<!tpu.dma_semaphore, #tpu.memory_space<semaphore_mem>>) src(%arg15 : memref<3136xf32, #tpu.memory_space<vmem>>) dst(%dma_wait3A_156 : memref<3136xf32, #tpu.memory_space<vmem_shared>>)
      tpu.yield
    }) : () -> ()
    %mul3A_5 = arith.constant 3136 : i32
    %mul3A_6 = arith.muli %arg1, %mul3A_5 : i32
    "tpu.region"() ({
      %run_scoped3A = tpu.sem_alloc : memref<!tpu.dma_semaphore, #tpu.memory_space<semaphore_mem>>
      %dma_start3A_153 = tpu.memref_slice %arg17[%mul3A_6] : memref<50176xf32, #tpu.memory_space<vmem_shared>> -> memref<3136xf32, #tpu.memory_space<vmem_shared>>
      %dma_start3A_154 = tpu.memref_slice %arg17[%mul3A_6] : memref<50176xf32, #tpu.memory_space<vmem_shared>> -> memref<3136xf32, #tpu.memory_space<vmem_shared>>
      tpu.enqueue_dma source(%arg15 : memref<3136xf32, #tpu.memory_space<vmem>>) target(%dma_start3A_154 : memref<3136xf32, #tpu.memory_space<vmem_shared>>) target_semaphore(%run_scoped3A : memref<!tpu.dma_semaphore, #tpu.memory_space<semaphore_mem>>)
      %dma_wait3A_155 = tpu.memref_slice %arg17[%mul3A_6] : memref<50176xf32, #tpu.memory_space<vmem_shared>> -> memref<3136xf32, #tpu.memory_space<vmem_shared>>
      %dma_wait3A_156 = tpu.memref_slice %arg17[%mul3A_6] : memref<50176xf32, #tpu.memory_space<vmem_shared>> -> memref<3136xf32, #tpu.memory_space<vmem_shared>>
      tpu.wait_dma2 semaphore(%run_scoped3A : memref<!tpu.dma_semaphore, #tpu.memory_space<semaphore_mem>>) src(%arg15 : memref<3136xf32, #tpu.memory_space<vmem>>) dst(%dma_wait3A_156 : memref<3136xf32, #tpu.memory_space<vmem_shared>>)
      tpu.yield
    }) : () -> ()
    %iota3A = tpu.iota {dimensions = array<i32: 0>} : vector<16xi32>
    %mul3A_7 = arith.constant 25000 : i32
    %mul3A_8 = arith.muli %add3A, %mul3A_7 : i32
    %add3A_9 = arith.constant 0 : i32
    %add3A_10 = arith.addi %mul3A_8, %add3A_9 : i32
    %dma_start3A = tpu.memref_slice %arg2[%add3A_10] : memref<800000xi32, #tpu.memory_space<hbm>> -> memref<5120xi32, #tpu.memory_space<hbm>>
    %dma_start3A_11 = tpu.memref_slice %arg2[%add3A_10] : memref<800000xi32, #tpu.memory_space<hbm>> -> memref<5120xi32, #tpu.memory_space<hbm>>
    tpu.enqueue_dma source(%dma_start3A_11 : memref<5120xi32, #tpu.memory_space<hbm>>) target(%arg7 : memref<5120xi32, #tpu.memory_space<vmem>>) target_semaphore(%arg18 : memref<!tpu.dma_semaphore, #tpu.memory_space<semaphore_mem>>)
    %dma_start3A_12 = tpu.memref_slice %arg3[%add3A_10] : memref<800000xi32, #tpu.memory_space<hbm>> -> memref<5120xi32, #tpu.memory_space<hbm>>
    %dma_start3A_13 = tpu.memref_slice %arg3[%add3A_10] : memref<800000xi32, #tpu.memory_space<hbm>> -> memref<5120xi32, #tpu.memory_space<hbm>>
    tpu.enqueue_dma source(%dma_start3A_13 : memref<5120xi32, #tpu.memory_space<hbm>>) target(%arg9 : memref<5120xi32, #tpu.memory_space<vmem>>) target_semaphore(%arg18 : memref<!tpu.dma_semaphore, #tpu.memory_space<semaphore_mem>>)
    tpu.wait_dma2 semaphore(%arg22 : memref<!tpu.dma_semaphore, #tpu.memory_space<semaphore_mem>>) src(%arg4 : memref<50176xf32, #tpu.memory_space<hbm>>) dst(%arg6 : memref<50176xf32, #tpu.memory_space<vmem>>)
    %barrier3A = arith.constant 0 : index
    tpu.barrier barrier_id(%barrier3A)
    %dma_wait3A = tpu.memref_slice %arg2[%add3A_10] : memref<800000xi32, #tpu.memory_space<hbm>> -> memref<5120xi32, #tpu.memory_space<hbm>>
    %dma_wait3A_14 = tpu.memref_slice %arg2[%add3A_10] : memref<800000xi32, #tpu.memory_space<hbm>> -> memref<5120xi32, #tpu.memory_space<hbm>>
    tpu.wait_dma2 semaphore(%arg18 : memref<!tpu.dma_semaphore, #tpu.memory_space<semaphore_mem>>) src(%dma_wait3A_14 : memref<5120xi32, #tpu.memory_space<hbm>>) dst(%arg7 : memref<5120xi32, #tpu.memory_space<vmem>>)
    %dma_wait3A_15 = tpu.memref_slice %arg3[%add3A_10] : memref<800000xi32, #tpu.memory_space<hbm>> -> memref<5120xi32, #tpu.memory_space<hbm>>
    %dma_wait3A_16 = tpu.memref_slice %arg3[%add3A_10] : memref<800000xi32, #tpu.memory_space<hbm>> -> memref<5120xi32, #tpu.memory_space<hbm>>
    tpu.wait_dma2 semaphore(%arg18 : memref<!tpu.dma_semaphore, #tpu.memory_space<semaphore_mem>>) src(%dma_wait3A_16 : memref<5120xi32, #tpu.memory_space<hbm>>) dst(%arg9 : memref<5120xi32, #tpu.memory_space<vmem>>)
    %mul3A_17 = arith.constant 25000 : i32
    %mul3A_18 = arith.muli %add3A, %mul3A_17 : i32
    %add3A_19 = arith.constant 5120 : i32
    %add3A_20 = arith.addi %mul3A_18, %add3A_19 : i32
    %dma_start3A_21 = tpu.memref_slice %arg2[%add3A_20] : memref<800000xi32, #tpu.memory_space<hbm>> -> memref<5120xi32, #tpu.memory_space<hbm>>
    %dma_start3A_22 = tpu.memref_slice %arg2[%add3A_20] : memref<800000xi32, #tpu.memory_space<hbm>> -> memref<5120xi32, #tpu.memory_space<hbm>>
    tpu.enqueue_dma source(%dma_start3A_22 : memref<5120xi32, #tpu.memory_space<hbm>>) target(%arg8 : memref<5120xi32, #tpu.memory_space<vmem>>) target_semaphore(%arg19 : memref<!tpu.dma_semaphore, #tpu.memory_space<semaphore_mem>>)
    %dma_start3A_23 = tpu.memref_slice %arg3[%add3A_20] : memref<800000xi32, #tpu.memory_space<hbm>> -> memref<5120xi32, #tpu.memory_space<hbm>>
    %dma_start3A_24 = tpu.memref_slice %arg3[%add3A_20] : memref<800000xi32, #tpu.memory_space<hbm>> -> memref<5120xi32, #tpu.memory_space<hbm>>
    tpu.enqueue_dma source(%dma_start3A_24 : memref<5120xi32, #tpu.memory_space<hbm>>) target(%arg10 : memref<5120xi32, #tpu.memory_space<vmem>>) target_semaphore(%arg19 : memref<!tpu.dma_semaphore, #tpu.memory_space<semaphore_mem>>)
    %parallel_loop3A_25 = arith.constant 0 : i32
    %parallel_loop3A_26 = arith.constant 5120 : i32
    %parallel_loop3A_27 = arith.constant 16 : i32
    scf.for %parallel_loop3A_153 = %parallel_loop3A_25 to %parallel_loop3A_26 step %parallel_loop3A_27  : i32 {
      %parallel_loop3A_154 = arith.index_cast %parallel_loop3A_153 : i32 to index
      %parallel_loop3A_155 = tpu.vector_load %arg7[%parallel_loop3A_154] {strides = array<i32>} : memref<5120xi32, #tpu.memory_space<vmem>>, vector<16xi32>,
      %parallel_loop3A_156 = tpu.vector_load_idx %arg6[%parallel_loop3A_155] : memref<50176xf32, #tpu.memory_space<vmem>>[vector<16xi32>], vector<16xf32>,
      %parallel_loop3A_157 = arith.constant 0.000000e+00 : f32
      %parallel_loop3A_158 = vector.broadcast %parallel_loop3A_157 : f32 to vector<16xf32>
      %parallel_loop3A_159 = arith.maximumf %parallel_loop3A_156, %parallel_loop3A_158 : vector<16xf32>
      %parallel_loop3A_160 = arith.index_cast %parallel_loop3A_153 : i32 to index
      %parallel_loop3A_161 = tpu.vector_load %arg11[%parallel_loop3A_160] {strides = array<i32>} : memref<5120xf32, #tpu.memory_space<vmem>>, vector<16xf32>,
      tpu.vector_store %arg11[%parallel_loop3A_160], %parallel_loop3A_159 {strides = array<i32>} : memref<5120xf32, #tpu.memory_space<vmem>>, vector<16xf32>,
      %parallel_loop3A_162 = arith.constant 0.000000e+00 : f32
      %parallel_loop3A_163 = vector.broadcast %parallel_loop3A_162 : f32 to vector<16xf32>
      %parallel_loop3A_164 = arith.minimumf %parallel_loop3A_156, %parallel_loop3A_163 : vector<16xf32>
      %parallel_loop3A_165 = arith.index_cast %parallel_loop3A_153 : i32 to index
      %parallel_loop3A_166 = tpu.vector_load %arg13[%parallel_loop3A_165] {strides = array<i32>} : memref<5120xf32, #tpu.memory_space<vmem>>, vector<16xf32>,
      tpu.vector_store %arg13[%parallel_loop3A_165], %parallel_loop3A_164 {strides = array<i32>} : memref<5120xf32, #tpu.memory_space<vmem>>, vector<16xf32>,
    } {sc.loop_unroll_factor = 4 : i64, sc.parallel_access}
    %dma_start3A_28 = arith.constant 0 : i32
    %dma_start3A_29 = tpu.memref_slice %arg16[%dma_start3A_28] : memref<50176xf32, #tpu.memory_space<vmem_shared>> -> memref<50176xf32, #tpu.memory_space<vmem_shared>>
    tpu.enqueue_indirect_dma source(%arg11 : memref<5120xf32, #tpu.memory_space<vmem>>) target(%dma_start3A_29 : memref<50176xf32, #tpu.memory_space<vmem_shared>>) offsets(%arg9 : memref<5120xi32, #tpu.memory_space<vmem>>) semaphore(%arg20 : memref<!tpu.dma_semaphore, #tpu.memory_space<semaphore_mem>>) {add = true}
    %dma_start3A_30 = arith.constant 0 : i32
    %dma_start3A_31 = tpu.memref_slice %arg17[%dma_start3A_30] : memref<50176xf32, #tpu.memory_space<vmem_shared>> -> memref<50176xf32, #tpu.memory_space<vmem_shared>>
    tpu.enqueue_indirect_dma source(%arg13 : memref<5120xf32, #tpu.memory_space<vmem>>) target(%dma_start3A_31 : memref<50176xf32, #tpu.memory_space<vmem_shared>>) offsets(%arg9 : memref<5120xi32, #tpu.memory_space<vmem>>) semaphore(%arg20 : memref<!tpu.dma_semaphore, #tpu.memory_space<semaphore_mem>>) {add = true}
    %dma_wait3A_32 = tpu.memref_slice %arg2[%add3A_20] : memref<800000xi32, #tpu.memory_space<hbm>> -> memref<5120xi32, #tpu.memory_space<hbm>>
    %dma_wait3A_33 = tpu.memref_slice %arg2[%add3A_20] : memref<800000xi32, #tpu.memory_space<hbm>> -> memref<5120xi32, #tpu.memory_space<hbm>>
    tpu.wait_dma2 semaphore(%arg19 : memref<!tpu.dma_semaphore, #tpu.memory_space<semaphore_mem>>) src(%dma_wait3A_33 : memref<5120xi32, #tpu.memory_space<hbm>>) dst(%arg8 : memref<5120xi32, #tpu.memory_space<vmem>>)
    %dma_wait3A_34 = tpu.memref_slice %arg3[%add3A_20] : memref<800000xi32, #tpu.memory_space<hbm>> -> memref<5120xi32, #tpu.memory_space<hbm>>
    %dma_wait3A_35 = tpu.memref_slice %arg3[%add3A_20] : memref<800000xi32, #tpu.memory_space<hbm>> -> memref<5120xi32, #tpu.memory_space<hbm>>
    tpu.wait_dma2 semaphore(%arg19 : memref<!tpu.dma_semaphore, #tpu.memory_space<semaphore_mem>>) src(%dma_wait3A_35 : memref<5120xi32, #tpu.memory_space<hbm>>) dst(%arg10 : memref<5120xi32, #tpu.memory_space<vmem>>)
    %dma_wait3A_36 = arith.constant 0 : i32
    %dma_wait3A_37 = tpu.memref_slice %arg16[%dma_wait3A_36] : memref<50176xf32, #tpu.memory_space<vmem_shared>> -> memref<50176xf32, #tpu.memory_space<vmem_shared>>
    tpu.wait_indirect_dma semaphore(%arg20 : memref<!tpu.dma_semaphore, #tpu.memory_space<semaphore_mem>>) src(%arg11 : memref<5120xf32, #tpu.memory_space<vmem>>) dst(%dma_wait3A_37 : memref<50176xf32, #tpu.memory_space<vmem_shared>>)
    %dma_wait3A_38 = arith.constant 0 : i32
    %dma_wait3A_39 = tpu.memref_slice %arg17[%dma_wait3A_38] : memref<50176xf32, #tpu.memory_space<vmem_shared>> -> memref<50176xf32, #tpu.memory_space<vmem_shared>>
    tpu.wait_indirect_dma semaphore(%arg20 : memref<!tpu.dma_semaphore, #tpu.memory_space<semaphore_mem>>) src(%arg13 : memref<5120xf32, #tpu.memory_space<vmem>>) dst(%dma_wait3A_39 : memref<50176xf32, #tpu.memory_space<vmem_shared>>)
    %mul3A_40 = arith.constant 25000 : i32
    %mul3A_41 = arith.muli %add3A, %mul3A_40 : i32
    %add3A_42 = arith.constant 10240 : i32
    %add3A_43 = arith.addi %mul3A_41, %add3A_42 : i32
    %dma_start3A_44 = tpu.memref_slice %arg2[%add3A_43] : memref<800000xi32, #tpu.memory_space<hbm>> -> memref<5120xi32, #tpu.memory_space<hbm>>
    %dma_start3A_45 = tpu.memref_slice %arg2[%add3A_43] : memref<800000xi32, #tpu.memory_space<hbm>> -> memref<5120xi32, #tpu.memory_space<hbm>>
    tpu.enqueue_dma source(%dma_start3A_45 : memref<5120xi32, #tpu.memory_space<hbm>>) target(%arg7 : memref<5120xi32, #tpu.memory_space<vmem>>) target_semaphore(%arg18 : memref<!tpu.dma_semaphore, #tpu.memory_space<semaphore_mem>>)
    %dma_start3A_46 = tpu.memref_slice %arg3[%add3A_43] : memref<800000xi32, #tpu.memory_space<hbm>> -> memref<5120xi32, #tpu.memory_space<hbm>>
    %dma_start3A_47 = tpu.memref_slice %arg3[%add3A_43] : memref<800000xi32, #tpu.memory_space<hbm>> -> memref<5120xi32, #tpu.memory_space<hbm>>
    tpu.enqueue_dma source(%dma_start3A_47 : memref<5120xi32, #tpu.memory_space<hbm>>) target(%arg9 : memref<5120xi32, #tpu.memory_space<vmem>>) target_semaphore(%arg18 : memref<!tpu.dma_semaphore, #tpu.memory_space<semaphore_mem>>)
    %parallel_loop3A_48 = arith.constant 0 : i32
    %parallel_loop3A_49 = arith.constant 5120 : i32
    %parallel_loop3A_50 = arith.constant 16 : i32
    scf.for %parallel_loop3A_153 = %parallel_loop3A_48 to %parallel_loop3A_49 step %parallel_loop3A_50  : i32 {
      %parallel_loop3A_154 = arith.index_cast %parallel_loop3A_153 : i32 to index
      %parallel_loop3A_155 = tpu.vector_load %arg8[%parallel_loop3A_154] {strides = array<i32>} : memref<5120xi32, #tpu.memory_space<vmem>>, vector<16xi32>,
      %parallel_loop3A_156 = tpu.vector_load_idx %arg6[%parallel_loop3A_155] : memref<50176xf32, #tpu.memory_space<vmem>>[vector<16xi32>], vector<16xf32>,
      %parallel_loop3A_157 = arith.constant 0.000000e+00 : f32
      %parallel_loop3A_158 = vector.broadcast %parallel_loop3A_157 : f32 to vector<16xf32>
      %parallel_loop3A_159 = arith.maximumf %parallel_loop3A_156, %parallel_loop3A_158 : vector<16xf32>
      %parallel_loop3A_160 = arith.index_cast %parallel_loop3A_153 : i32 to index
      %parallel_loop3A_161 = tpu.vector_load %arg12[%parallel_loop3A_160] {strides = array<i32>} : memref<5120xf32, #tpu.memory_space<vmem>>, vector<16xf32>,
      tpu.vector_store %arg12[%parallel_loop3A_160], %parallel_loop3A_159 {strides = array<i32>} : memref<5120xf32, #tpu.memory_space<vmem>>, vector<16xf32>,
      %parallel_loop3A_162 = arith.constant 0.000000e+00 : f32
      %parallel_loop3A_163 = vector.broadcast %parallel_loop3A_162 : f32 to vector<16xf32>
      %parallel_loop3A_164 = arith.minimumf %parallel_loop3A_156, %parallel_loop3A_163 : vector<16xf32>
      %parallel_loop3A_165 = arith.index_cast %parallel_loop3A_153 : i32 to index
      %parallel_loop3A_166 = tpu.vector_load %arg14[%parallel_loop3A_165] {strides = array<i32>} : memref<5120xf32, #tpu.memory_space<vmem>>, vector<16xf32>,
      tpu.vector_store %arg14[%parallel_loop3A_165], %parallel_loop3A_164 {strides = array<i32>} : memref<5120xf32, #tpu.memory_space<vmem>>, vector<16xf32>,
    } {sc.loop_unroll_factor = 4 : i64, sc.parallel_access}
    %dma_start3A_51 = arith.constant 0 : i32
    %dma_start3A_52 = tpu.memref_slice %arg16[%dma_start3A_51] : memref<50176xf32, #tpu.memory_space<vmem_shared>> -> memref<50176xf32, #tpu.memory_space<vmem_shared>>
    tpu.enqueue_indirect_dma source(%arg12 : memref<5120xf32, #tpu.memory_space<vmem>>) target(%dma_start3A_52 : memref<50176xf32, #tpu.memory_space<vmem_shared>>) offsets(%arg10 : memref<5120xi32, #tpu.memory_space<vmem>>) semaphore(%arg21 : memref<!tpu.dma_semaphore, #tpu.memory_space<semaphore_mem>>) {add = true}
    %dma_start3A_53 = arith.constant 0 : i32
    %dma_start3A_54 = tpu.memref_slice %arg17[%dma_start3A_53] : memref<50176xf32, #tpu.memory_space<vmem_shared>> -> memref<50176xf32, #tpu.memory_space<vmem_shared>>
    tpu.enqueue_indirect_dma source(%arg14 : memref<5120xf32, #tpu.memory_space<vmem>>) target(%dma_start3A_54 : memref<50176xf32, #tpu.memory_space<vmem_shared>>) offsets(%arg10 : memref<5120xi32, #tpu.memory_space<vmem>>) semaphore(%arg21 : memref<!tpu.dma_semaphore, #tpu.memory_space<semaphore_mem>>) {add = true}
    %dma_wait3A_55 = tpu.memref_slice %arg2[%add3A_43] : memref<800000xi32, #tpu.memory_space<hbm>> -> memref<5120xi32, #tpu.memory_space<hbm>>
    %dma_wait3A_56 = tpu.memref_slice %arg2[%add3A_43] : memref<800000xi32, #tpu.memory_space<hbm>> -> memref<5120xi32, #tpu.memory_space<hbm>>
    tpu.wait_dma2 semaphore(%arg18 : memref<!tpu.dma_semaphore, #tpu.memory_space<semaphore_mem>>) src(%dma_wait3A_56 : memref<5120xi32, #tpu.memory_space<hbm>>) dst(%arg7 : memref<5120xi32, #tpu.memory_space<vmem>>)
    %dma_wait3A_57 = tpu.memref_slice %arg3[%add3A_43] : memref<800000xi32, #tpu.memory_space<hbm>> -> memref<5120xi32, #tpu.memory_space<hbm>>
    %dma_wait3A_58 = tpu.memref_slice %arg3[%add3A_43] : memref<800000xi32, #tpu.memory_space<hbm>> -> memref<5120xi32, #tpu.memory_space<hbm>>
    tpu.wait_dma2 semaphore(%arg18 : memref<!tpu.dma_semaphore, #tpu.memory_space<semaphore_mem>>) src(%dma_wait3A_58 : memref<5120xi32, #tpu.memory_space<hbm>>) dst(%arg9 : memref<5120xi32, #tpu.memory_space<vmem>>)
    %dma_wait3A_59 = arith.constant 0 : i32
    %dma_wait3A_60 = tpu.memref_slice %arg16[%dma_wait3A_59] : memref<50176xf32, #tpu.memory_space<vmem_shared>> -> memref<50176xf32, #tpu.memory_space<vmem_shared>>
    tpu.wait_indirect_dma semaphore(%arg21 : memref<!tpu.dma_semaphore, #tpu.memory_space<semaphore_mem>>) src(%arg12 : memref<5120xf32, #tpu.memory_space<vmem>>) dst(%dma_wait3A_60 : memref<50176xf32, #tpu.memory_space<vmem_shared>>)
    %dma_wait3A_61 = arith.constant 0 : i32
    %dma_wait3A_62 = tpu.memref_slice %arg17[%dma_wait3A_61] : memref<50176xf32, #tpu.memory_space<vmem_shared>> -> memref<50176xf32, #tpu.memory_space<vmem_shared>>
    tpu.wait_indirect_dma semaphore(%arg21 : memref<!tpu.dma_semaphore, #tpu.memory_space<semaphore_mem>>) src(%arg14 : memref<5120xf32, #tpu.memory_space<vmem>>) dst(%dma_wait3A_62 : memref<50176xf32, #tpu.memory_space<vmem_shared>>)
    %mul3A_63 = arith.constant 25000 : i32
    %mul3A_64 = arith.muli %add3A, %mul3A_63 : i32
    %add3A_65 = arith.constant 15360 : i32
    %add3A_66 = arith.addi %mul3A_64, %add3A_65 : i32
    %dma_start3A_67 = tpu.memref_slice %arg2[%add3A_66] : memref<800000xi32, #tpu.memory_space<hbm>> -> memref<5120xi32, #tpu.memory_space<hbm>>
    %dma_start3A_68 = tpu.memref_slice %arg2[%add3A_66] : memref<800000xi32, #tpu.memory_space<hbm>> -> memref<5120xi32, #tpu.memory_space<hbm>>
    tpu.enqueue_dma source(%dma_start3A_68 : memref<5120xi32, #tpu.memory_space<hbm>>) target(%arg8 : memref<5120xi32, #tpu.memory_space<vmem>>) target_semaphore(%arg19 : memref<!tpu.dma_semaphore, #tpu.memory_space<semaphore_mem>>)
    %dma_start3A_69 = tpu.memref_slice %arg3[%add3A_66] : memref<800000xi32, #tpu.memory_space<hbm>> -> memref<5120xi32, #tpu.memory_space<hbm>>
    %dma_start3A_70 = tpu.memref_slice %arg3[%add3A_66] : memref<800000xi32, #tpu.memory_space<hbm>> -> memref<5120xi32, #tpu.memory_space<hbm>>
    tpu.enqueue_dma source(%dma_start3A_70 : memref<5120xi32, #tpu.memory_space<hbm>>) target(%arg10 : memref<5120xi32, #tpu.memory_space<vmem>>) target_semaphore(%arg19 : memref<!tpu.dma_semaphore, #tpu.memory_space<semaphore_mem>>)
    %parallel_loop3A_71 = arith.constant 0 : i32
    %parallel_loop3A_72 = arith.constant 5120 : i32
    %parallel_loop3A_73 = arith.constant 16 : i32
    scf.for %parallel_loop3A_153 = %parallel_loop3A_71 to %parallel_loop3A_72 step %parallel_loop3A_73  : i32 {
      %parallel_loop3A_154 = arith.index_cast %parallel_loop3A_153 : i32 to index
      %parallel_loop3A_155 = tpu.vector_load %arg7[%parallel_loop3A_154] {strides = array<i32>} : memref<5120xi32, #tpu.memory_space<vmem>>, vector<16xi32>,
      %parallel_loop3A_156 = tpu.vector_load_idx %arg6[%parallel_loop3A_155] : memref<50176xf32, #tpu.memory_space<vmem>>[vector<16xi32>], vector<16xf32>,
      %parallel_loop3A_157 = arith.constant 0.000000e+00 : f32
      %parallel_loop3A_158 = vector.broadcast %parallel_loop3A_157 : f32 to vector<16xf32>
      %parallel_loop3A_159 = arith.maximumf %parallel_loop3A_156, %parallel_loop3A_158 : vector<16xf32>
      %parallel_loop3A_160 = arith.index_cast %parallel_loop3A_153 : i32 to index
      %parallel_loop3A_161 = tpu.vector_load %arg11[%parallel_loop3A_160] {strides = array<i32>} : memref<5120xf32, #tpu.memory_space<vmem>>, vector<16xf32>,
      tpu.vector_store %arg11[%parallel_loop3A_160], %parallel_loop3A_159 {strides = array<i32>} : memref<5120xf32, #tpu.memory_space<vmem>>, vector<16xf32>,
      %parallel_loop3A_162 = arith.constant 0.000000e+00 : f32
      %parallel_loop3A_163 = vector.broadcast %parallel_loop3A_162 : f32 to vector<16xf32>
      %parallel_loop3A_164 = arith.minimumf %parallel_loop3A_156, %parallel_loop3A_163 : vector<16xf32>
      %parallel_loop3A_165 = arith.index_cast %parallel_loop3A_153 : i32 to index
      %parallel_loop3A_166 = tpu.vector_load %arg13[%parallel_loop3A_165] {strides = array<i32>} : memref<5120xf32, #tpu.memory_space<vmem>>, vector<16xf32>,
      tpu.vector_store %arg13[%parallel_loop3A_165], %parallel_loop3A_164 {strides = array<i32>} : memref<5120xf32, #tpu.memory_space<vmem>>, vector<16xf32>,
    } {sc.loop_unroll_factor = 4 : i64, sc.parallel_access}
    %dma_start3A_74 = arith.constant 0 : i32
    %dma_start3A_75 = tpu.memref_slice %arg16[%dma_start3A_74] : memref<50176xf32, #tpu.memory_space<vmem_shared>> -> memref<50176xf32, #tpu.memory_space<vmem_shared>>
    tpu.enqueue_indirect_dma source(%arg11 : memref<5120xf32, #tpu.memory_space<vmem>>) target(%dma_start3A_75 : memref<50176xf32, #tpu.memory_space<vmem_shared>>) offsets(%arg9 : memref<5120xi32, #tpu.memory_space<vmem>>) semaphore(%arg20 : memref<!tpu.dma_semaphore, #tpu.memory_space<semaphore_mem>>) {add = true}
    %dma_start3A_76 = arith.constant 0 : i32
    %dma_start3A_77 = tpu.memref_slice %arg17[%dma_start3A_76] : memref<50176xf32, #tpu.memory_space<vmem_shared>> -> memref<50176xf32, #tpu.memory_space<vmem_shared>>
    tpu.enqueue_indirect_dma source(%arg13 : memref<5120xf32, #tpu.memory_space<vmem>>) target(%dma_start3A_77 : memref<50176xf32, #tpu.memory_space<vmem_shared>>) offsets(%arg9 : memref<5120xi32, #tpu.memory_space<vmem>>) semaphore(%arg20 : memref<!tpu.dma_semaphore, #tpu.memory_space<semaphore_mem>>) {add = true}
    %dma_wait3A_78 = tpu.memref_slice %arg2[%add3A_66] : memref<800000xi32, #tpu.memory_space<hbm>> -> memref<5120xi32, #tpu.memory_space<hbm>>
    %dma_wait3A_79 = tpu.memref_slice %arg2[%add3A_66] : memref<800000xi32, #tpu.memory_space<hbm>> -> memref<5120xi32, #tpu.memory_space<hbm>>
    tpu.wait_dma2 semaphore(%arg19 : memref<!tpu.dma_semaphore, #tpu.memory_space<semaphore_mem>>) src(%dma_wait3A_79 : memref<5120xi32, #tpu.memory_space<hbm>>) dst(%arg8 : memref<5120xi32, #tpu.memory_space<vmem>>)
    %dma_wait3A_80 = tpu.memref_slice %arg3[%add3A_66] : memref<800000xi32, #tpu.memory_space<hbm>> -> memref<5120xi32, #tpu.memory_space<hbm>>
    %dma_wait3A_81 = tpu.memref_slice %arg3[%add3A_66] : memref<800000xi32, #tpu.memory_space<hbm>> -> memref<5120xi32, #tpu.memory_space<hbm>>
    tpu.wait_dma2 semaphore(%arg19 : memref<!tpu.dma_semaphore, #tpu.memory_space<semaphore_mem>>) src(%dma_wait3A_81 : memref<5120xi32, #tpu.memory_space<hbm>>) dst(%arg10 : memref<5120xi32, #tpu.memory_space<vmem>>)
    %dma_wait3A_82 = arith.constant 0 : i32
    %dma_wait3A_83 = tpu.memref_slice %arg16[%dma_wait3A_82] : memref<50176xf32, #tpu.memory_space<vmem_shared>> -> memref<50176xf32, #tpu.memory_space<vmem_shared>>
    tpu.wait_indirect_dma semaphore(%arg20 : memref<!tpu.dma_semaphore, #tpu.memory_space<semaphore_mem>>) src(%arg11 : memref<5120xf32, #tpu.memory_space<vmem>>) dst(%dma_wait3A_83 : memref<50176xf32, #tpu.memory_space<vmem_shared>>)
    %dma_wait3A_84 = arith.constant 0 : i32
    %dma_wait3A_85 = tpu.memref_slice %arg17[%dma_wait3A_84] : memref<50176xf32, #tpu.memory_space<vmem_shared>> -> memref<50176xf32, #tpu.memory_space<vmem_shared>>
    tpu.wait_indirect_dma semaphore(%arg20 : memref<!tpu.dma_semaphore, #tpu.memory_space<semaphore_mem>>) src(%arg13 : memref<5120xf32, #tpu.memory_space<vmem>>) dst(%dma_wait3A_85 : memref<50176xf32, #tpu.memory_space<vmem_shared>>)
    %mul3A_86 = arith.constant 25000 : i32
    %mul3A_87 = arith.muli %add3A, %mul3A_86 : i32
    %add3A_88 = arith.constant 20480 : i32
    %add3A_89 = arith.addi %mul3A_87, %add3A_88 : i32
    %dma_start3A_90 = arith.constant 0 : i32
    %dma_start3A_91 = tpu.memref_slice %arg7[%dma_start3A_90] : memref<5120xi32, #tpu.memory_space<vmem>> -> memref<4520xi32, #tpu.memory_space<vmem>>
    %dma_start3A_92 = tpu.memref_slice %arg2[%add3A_89] : memref<800000xi32, #tpu.memory_space<hbm>> -> memref<4520xi32, #tpu.memory_space<hbm>>
    %dma_start3A_93 = arith.constant 0 : i32
    %dma_start3A_94 = tpu.memref_slice %arg7[%dma_start3A_93] : memref<5120xi32, #tpu.memory_space<vmem>> -> memref<4520xi32, #tpu.memory_space<vmem>>
    %dma_start3A_95 = tpu.memref_slice %arg2[%add3A_89] : memref<800000xi32, #tpu.memory_space<hbm>> -> memref<4520xi32, #tpu.memory_space<hbm>>
    tpu.enqueue_dma source(%dma_start3A_95 : memref<4520xi32, #tpu.memory_space<hbm>>) target(%dma_start3A_94 : memref<4520xi32, #tpu.memory_space<vmem>>) target_semaphore(%arg18 : memref<!tpu.dma_semaphore, #tpu.memory_space<semaphore_mem>>)
    %dma_start3A_96 = arith.constant 0 : i32
    %dma_start3A_97 = tpu.memref_slice %arg9[%dma_start3A_96] : memref<5120xi32, #tpu.memory_space<vmem>> -> memref<4520xi32, #tpu.memory_space<vmem>>
    %dma_start3A_98 = tpu.memref_slice %arg3[%add3A_89] : memref<800000xi32, #tpu.memory_space<hbm>> -> memref<4520xi32, #tpu.memory_space<hbm>>
    %dma_start3A_99 = arith.constant 0 : i32
    %dma_start3A_100 = tpu.memref_slice %arg9[%dma_start3A_99] : memref<5120xi32, #tpu.memory_space<vmem>> -> memref<4520xi32, #tpu.memory_space<vmem>>
    %dma_start3A_101 = tpu.memref_slice %arg3[%add3A_89] : memref<800000xi32, #tpu.memory_space<hbm>> -> memref<4520xi32, #tpu.memory_space<hbm>>
    tpu.enqueue_dma source(%dma_start3A_101 : memref<4520xi32, #tpu.memory_space<hbm>>) target(%dma_start3A_100 : memref<4520xi32, #tpu.memory_space<vmem>>) target_semaphore(%arg18 : memref<!tpu.dma_semaphore, #tpu.memory_space<semaphore_mem>>)
    %parallel_loop3A_102 = arith.constant 0 : i32
    %parallel_loop3A_103 = arith.constant 5120 : i32
    %parallel_loop3A_104 = arith.constant 16 : i32
    scf.for %parallel_loop3A_153 = %parallel_loop3A_102 to %parallel_loop3A_103 step %parallel_loop3A_104  : i32 {
      %parallel_loop3A_154 = arith.index_cast %parallel_loop3A_153 : i32 to index
      %parallel_loop3A_155 = tpu.vector_load %arg8[%parallel_loop3A_154] {strides = array<i32>} : memref<5120xi32, #tpu.memory_space<vmem>>, vector<16xi32>,
      %parallel_loop3A_156 = tpu.vector_load_idx %arg6[%parallel_loop3A_155] : memref<50176xf32, #tpu.memory_space<vmem>>[vector<16xi32>], vector<16xf32>,
      %parallel_loop3A_157 = arith.constant 0.000000e+00 : f32
      %parallel_loop3A_158 = vector.broadcast %parallel_loop3A_157 : f32 to vector<16xf32>
      %parallel_loop3A_159 = arith.maximumf %parallel_loop3A_156, %parallel_loop3A_158 : vector<16xf32>
      %parallel_loop3A_160 = arith.index_cast %parallel_loop3A_153 : i32 to index
      %parallel_loop3A_161 = tpu.vector_load %arg12[%parallel_loop3A_160] {strides = array<i32>} : memref<5120xf32, #tpu.memory_space<vmem>>, vector<16xf32>,
      tpu.vector_store %arg12[%parallel_loop3A_160], %parallel_loop3A_159 {strides = array<i32>} : memref<5120xf32, #tpu.memory_space<vmem>>, vector<16xf32>,
      %parallel_loop3A_162 = arith.constant 0.000000e+00 : f32
      %parallel_loop3A_163 = vector.broadcast %parallel_loop3A_162 : f32 to vector<16xf32>
      %parallel_loop3A_164 = arith.minimumf %parallel_loop3A_156, %parallel_loop3A_163 : vector<16xf32>
      %parallel_loop3A_165 = arith.index_cast %parallel_loop3A_153 : i32 to index
      %parallel_loop3A_166 = tpu.vector_load %arg14[%parallel_loop3A_165] {strides = array<i32>} : memref<5120xf32, #tpu.memory_space<vmem>>, vector<16xf32>,
      tpu.vector_store %arg14[%parallel_loop3A_165], %parallel_loop3A_164 {strides = array<i32>} : memref<5120xf32, #tpu.memory_space<vmem>>, vector<16xf32>,
    } {sc.loop_unroll_factor = 4 : i64, sc.parallel_access}
    %dma_start3A_105 = arith.constant 0 : i32
    %dma_start3A_106 = tpu.memref_slice %arg16[%dma_start3A_105] : memref<50176xf32, #tpu.memory_space<vmem_shared>> -> memref<50176xf32, #tpu.memory_space<vmem_shared>>
    tpu.enqueue_indirect_dma source(%arg12 : memref<5120xf32, #tpu.memory_space<vmem>>) target(%dma_start3A_106 : memref<50176xf32, #tpu.memory_space<vmem_shared>>) offsets(%arg10 : memref<5120xi32, #tpu.memory_space<vmem>>) semaphore(%arg21 : memref<!tpu.dma_semaphore, #tpu.memory_space<semaphore_mem>>) {add = true}
    %dma_start3A_107 = arith.constant 0 : i32
    %dma_start3A_108 = tpu.memref_slice %arg17[%dma_start3A_107] : memref<50176xf32, #tpu.memory_space<vmem_shared>> -> memref<50176xf32, #tpu.memory_space<vmem_shared>>
    tpu.enqueue_indirect_dma source(%arg14 : memref<5120xf32, #tpu.memory_space<vmem>>) target(%dma_start3A_108 : memref<50176xf32, #tpu.memory_space<vmem_shared>>) offsets(%arg10 : memref<5120xi32, #tpu.memory_space<vmem>>) semaphore(%arg21 : memref<!tpu.dma_semaphore, #tpu.memory_space<semaphore_mem>>) {add = true}
    %dma_wait3A_109 = arith.constant 0 : i32
    %dma_wait3A_110 = tpu.memref_slice %arg7[%dma_wait3A_109] : memref<5120xi32, #tpu.memory_space<vmem>> -> memref<4520xi32, #tpu.memory_space<vmem>>
    %dma_wait3A_111 = tpu.memref_slice %arg2[%add3A_89] : memref<800000xi32, #tpu.memory_space<hbm>> -> memref<4520xi32, #tpu.memory_space<hbm>>
    %dma_wait3A_112 = arith.constant 0 : i32
    %dma_wait3A_113 = tpu.memref_slice %arg7[%dma_wait3A_112] : memref<5120xi32, #tpu.memory_space<vmem>> -> memref<4520xi32, #tpu.memory_space<vmem>>
    %dma_wait3A_114 = tpu.memref_slice %arg2[%add3A_89] : memref<800000xi32, #tpu.memory_space<hbm>> -> memref<4520xi32, #tpu.memory_space<hbm>>
    tpu.wait_dma2 semaphore(%arg18 : memref<!tpu.dma_semaphore, #tpu.memory_space<semaphore_mem>>) src(%dma_wait3A_114 : memref<4520xi32, #tpu.memory_space<hbm>>) dst(%dma_wait3A_113 : memref<4520xi32, #tpu.memory_space<vmem>>)
    %dma_wait3A_115 = arith.constant 0 : i32
    %dma_wait3A_116 = tpu.memref_slice %arg9[%dma_wait3A_115] : memref<5120xi32, #tpu.memory_space<vmem>> -> memref<4520xi32, #tpu.memory_space<vmem>>
    %dma_wait3A_117 = tpu.memref_slice %arg3[%add3A_89] : memref<800000xi32, #tpu.memory_space<hbm>> -> memref<4520xi32, #tpu.memory_space<hbm>>
    %dma_wait3A_118 = arith.constant 0 : i32
    %dma_wait3A_119 = tpu.memref_slice %arg9[%dma_wait3A_118] : memref<5120xi32, #tpu.memory_space<vmem>> -> memref<4520xi32, #tpu.memory_space<vmem>>
    %dma_wait3A_120 = tpu.memref_slice %arg3[%add3A_89] : memref<800000xi32, #tpu.memory_space<hbm>> -> memref<4520xi32, #tpu.memory_space<hbm>>
    tpu.wait_dma2 semaphore(%arg18 : memref<!tpu.dma_semaphore, #tpu.memory_space<semaphore_mem>>) src(%dma_wait3A_120 : memref<4520xi32, #tpu.memory_space<hbm>>) dst(%dma_wait3A_119 : memref<4520xi32, #tpu.memory_space<vmem>>)
    %dma_wait3A_121 = arith.constant 0 : i32
    %dma_wait3A_122 = tpu.memref_slice %arg16[%dma_wait3A_121] : memref<50176xf32, #tpu.memory_space<vmem_shared>> -> memref<50176xf32, #tpu.memory_space<vmem_shared>>
    tpu.wait_indirect_dma semaphore(%arg21 : memref<!tpu.dma_semaphore, #tpu.memory_space<semaphore_mem>>) src(%arg12 : memref<5120xf32, #tpu.memory_space<vmem>>) dst(%dma_wait3A_122 : memref<50176xf32, #tpu.memory_space<vmem_shared>>)
    %dma_wait3A_123 = arith.constant 0 : i32
    %dma_wait3A_124 = tpu.memref_slice %arg17[%dma_wait3A_123] : memref<50176xf32, #tpu.memory_space<vmem_shared>> -> memref<50176xf32, #tpu.memory_space<vmem_shared>>
    tpu.wait_indirect_dma semaphore(%arg21 : memref<!tpu.dma_semaphore, #tpu.memory_space<semaphore_mem>>) src(%arg14 : memref<5120xf32, #tpu.memory_space<vmem>>) dst(%dma_wait3A_124 : memref<50176xf32, #tpu.memory_space<vmem_shared>>)
    %parallel_loop3A_125 = arith.constant 0 : i32
    %parallel_loop3A_126 = arith.constant 5120 : i32
    %parallel_loop3A_127 = arith.constant 16 : i32
    scf.for %parallel_loop3A_153 = %parallel_loop3A_125 to %parallel_loop3A_126 step %parallel_loop3A_127  : i32 {
      %parallel_loop3A_154 = arith.index_cast %parallel_loop3A_153 : i32 to index
      %parallel_loop3A_155 = tpu.vector_load %arg7[%parallel_loop3A_154] {strides = array<i32>} : memref<5120xi32, #tpu.memory_space<vmem>>, vector<16xi32>,
      %parallel_loop3A_156 = tpu.vector_load_idx %arg6[%parallel_loop3A_155] : memref<50176xf32, #tpu.memory_space<vmem>>[vector<16xi32>], vector<16xf32>,
      %parallel_loop3A_157 = vector.broadcast %parallel_loop3A_153 : i32 to vector<16xi32>
      %parallel_loop3A_158 = arith.addi %parallel_loop3A_157, %iota3A : vector<16xi32>
      %parallel_loop3A_159 = arith.constant 4520 : i32
      %parallel_loop3A_160 = vector.broadcast %parallel_loop3A_159 : i32 to vector<16xi32>
      %parallel_loop3A_161 = arith.cmpi slt, %parallel_loop3A_158, %parallel_loop3A_160 : vector<16xi32>
      %parallel_loop3A_162 = arith.constant 0.000000e+00 : f32
      %parallel_loop3A_163 = vector.broadcast %parallel_loop3A_162 : f32 to vector<16xf32>
      %parallel_loop3A_164 = arith.select %parallel_loop3A_161, %parallel_loop3A_156, %parallel_loop3A_163 : vector<16xi1>, vector<16xf32>
      %parallel_loop3A_165 = arith.constant 0.000000e+00 : f32
      %parallel_loop3A_166 = vector.broadcast %parallel_loop3A_165 : f32 to vector<16xf32>
      %parallel_loop3A_167 = arith.maximumf %parallel_loop3A_164, %parallel_loop3A_166 : vector<16xf32>
      %parallel_loop3A_168 = arith.index_cast %parallel_loop3A_153 : i32 to index
      %parallel_loop3A_169 = tpu.vector_load %arg11[%parallel_loop3A_168] {strides = array<i32>} : memref<5120xf32, #tpu.memory_space<vmem>>, vector<16xf32>,
      tpu.vector_store %arg11[%parallel_loop3A_168], %parallel_loop3A_167 {strides = array<i32>} : memref<5120xf32, #tpu.memory_space<vmem>>, vector<16xf32>,
      %parallel_loop3A_170 = arith.constant 0.000000e+00 : f32
      %parallel_loop3A_171 = vector.broadcast %parallel_loop3A_170 : f32 to vector<16xf32>
      %parallel_loop3A_172 = arith.minimumf %parallel_loop3A_164, %parallel_loop3A_171 : vector<16xf32>
      %parallel_loop3A_173 = arith.index_cast %parallel_loop3A_153 : i32 to index
      %parallel_loop3A_174 = tpu.vector_load %arg13[%parallel_loop3A_173] {strides = array<i32>} : memref<5120xf32, #tpu.memory_space<vmem>>, vector<16xf32>,
      tpu.vector_store %arg13[%parallel_loop3A_173], %parallel_loop3A_172 {strides = array<i32>} : memref<5120xf32, #tpu.memory_space<vmem>>, vector<16xf32>,
    } {sc.loop_unroll_factor = 4 : i64, sc.parallel_access}
    %dma_start3A_128 = arith.constant 0 : i32
    %dma_start3A_129 = tpu.memref_slice %arg16[%dma_start3A_128] : memref<50176xf32, #tpu.memory_space<vmem_shared>> -> memref<50176xf32, #tpu.memory_space<vmem_shared>>
    tpu.enqueue_indirect_dma source(%arg11 : memref<5120xf32, #tpu.memory_space<vmem>>) target(%dma_start3A_129 : memref<50176xf32, #tpu.memory_space<vmem_shared>>) offsets(%arg9 : memref<5120xi32, #tpu.memory_space<vmem>>) semaphore(%arg20 : memref<!tpu.dma_semaphore, #tpu.memory_space<semaphore_mem>>) {add = true}
    %dma_start3A_130 = arith.constant 0 : i32
    %dma_start3A_131 = tpu.memref_slice %arg17[%dma_start3A_130] : memref<50176xf32, #tpu.memory_space<vmem_shared>> -> memref<50176xf32, #tpu.memory_space<vmem_shared>>
    tpu.enqueue_indirect_dma source(%arg13 : memref<5120xf32, #tpu.memory_space<vmem>>) target(%dma_start3A_131 : memref<50176xf32, #tpu.memory_space<vmem_shared>>) offsets(%arg9 : memref<5120xi32, #tpu.memory_space<vmem>>) semaphore(%arg20 : memref<!tpu.dma_semaphore, #tpu.memory_space<semaphore_mem>>) {add = true}
    %dma_wait3A_132 = arith.constant 0 : i32
    %dma_wait3A_133 = tpu.memref_slice %arg16[%dma_wait3A_132] : memref<50176xf32, #tpu.memory_space<vmem_shared>> -> memref<50176xf32, #tpu.memory_space<vmem_shared>>
    tpu.wait_indirect_dma semaphore(%arg20 : memref<!tpu.dma_semaphore, #tpu.memory_space<semaphore_mem>>) src(%arg11 : memref<5120xf32, #tpu.memory_space<vmem>>) dst(%dma_wait3A_133 : memref<50176xf32, #tpu.memory_space<vmem_shared>>)
    %dma_wait3A_134 = arith.constant 0 : i32
    %dma_wait3A_135 = tpu.memref_slice %arg17[%dma_wait3A_134] : memref<50176xf32, #tpu.memory_space<vmem_shared>> -> memref<50176xf32, #tpu.memory_space<vmem_shared>>
    tpu.wait_indirect_dma semaphore(%arg20 : memref<!tpu.dma_semaphore, #tpu.memory_space<semaphore_mem>>) src(%arg13 : memref<5120xf32, #tpu.memory_space<vmem>>) dst(%dma_wait3A_135 : memref<50176xf32, #tpu.memory_space<vmem_shared>>)
    %barrier3A_136 = arith.constant 0 : index
    tpu.barrier barrier_id(%barrier3A_136)
    %mul3A_137 = arith.constant 3136 : i32
    %mul3A_138 = arith.muli %arg1, %mul3A_137 : i32
    "tpu.region"() ({
      %run_scoped3A = tpu.sem_alloc : memref<!tpu.dma_semaphore, #tpu.memory_space<semaphore_mem>>
      %dma_start3A_153 = tpu.memref_slice %arg16[%mul3A_138] : memref<50176xf32, #tpu.memory_space<vmem_shared>> -> memref<3136xf32, #tpu.memory_space<vmem_shared>>
      %dma_start3A_154 = tpu.memref_slice %arg16[%mul3A_138] : memref<50176xf32, #tpu.memory_space<vmem_shared>> -> memref<3136xf32, #tpu.memory_space<vmem_shared>>
      tpu.enqueue_dma source(%dma_start3A_154 : memref<3136xf32, #tpu.memory_space<vmem_shared>>) target(%arg15 : memref<3136xf32, #tpu.memory_space<vmem>>) target_semaphore(%run_scoped3A : memref<!tpu.dma_semaphore, #tpu.memory_space<semaphore_mem>>)
      %dma_wait3A_155 = tpu.memref_slice %arg16[%mul3A_138] : memref<50176xf32, #tpu.memory_space<vmem_shared>> -> memref<3136xf32, #tpu.memory_space<vmem_shared>>
      %dma_wait3A_156 = tpu.memref_slice %arg16[%mul3A_138] : memref<50176xf32, #tpu.memory_space<vmem_shared>> -> memref<3136xf32, #tpu.memory_space<vmem_shared>>
      tpu.wait_dma2 semaphore(%run_scoped3A : memref<!tpu.dma_semaphore, #tpu.memory_space<semaphore_mem>>) src(%dma_wait3A_156 : memref<3136xf32, #tpu.memory_space<vmem_shared>>) dst(%arg15 : memref<3136xf32, #tpu.memory_space<vmem>>)
      tpu.yield
    }) : () -> ()
    %mul3A_139 = arith.constant 50176 : i32
    %mul3A_140 = arith.muli %arg0, %mul3A_139 : i32
    %mul3A_141 = arith.constant 3136 : i32
    %mul3A_142 = arith.muli %arg1, %mul3A_141 : i32
    %add3A_143 = arith.addi %mul3A_140, %mul3A_142 : i32
    "tpu.region"() ({
      %run_scoped3A = tpu.sem_alloc : memref<!tpu.dma_semaphore, #tpu.memory_space<semaphore_mem>>
      %dma_start3A_153 = tpu.memref_slice %arg5[%add3A_143] : memref<200704xf32, #tpu.memory_space<hbm>> -> memref<3136xf32, #tpu.memory_space<hbm>>
      %dma_start3A_154 = tpu.memref_slice %arg5[%add3A_143] : memref<200704xf32, #tpu.memory_space<hbm>> -> memref<3136xf32, #tpu.memory_space<hbm>>
      tpu.enqueue_dma source(%arg15 : memref<3136xf32, #tpu.memory_space<vmem>>) target(%dma_start3A_154 : memref<3136xf32, #tpu.memory_space<hbm>>) target_semaphore(%run_scoped3A : memref<!tpu.dma_semaphore, #tpu.memory_space<semaphore_mem>>)
      %dma_wait3A_155 = tpu.memref_slice %arg5[%add3A_143] : memref<200704xf32, #tpu.memory_space<hbm>> -> memref<3136xf32, #tpu.memory_space<hbm>>
      %dma_wait3A_156 = tpu.memref_slice %arg5[%add3A_143] : memref<200704xf32, #tpu.memory_space<hbm>> -> memref<3136xf32, #tpu.memory_space<hbm>>
      tpu.wait_dma2 semaphore(%run_scoped3A : memref<!tpu.dma_semaphore, #tpu.memory_space<semaphore_mem>>) src(%arg15 : memref<3136xf32, #tpu.memory_space<vmem>>) dst(%dma_wait3A_156 : memref<3136xf32, #tpu.memory_space<hbm>>)
      tpu.yield
    }) : () -> ()
    %mul3A_144 = arith.constant 3136 : i32
    %mul3A_145 = arith.muli %arg1, %mul3A_144 : i32
    "tpu.region"() ({
      %run_scoped3A = tpu.sem_alloc : memref<!tpu.dma_semaphore, #tpu.memory_space<semaphore_mem>>
      %dma_start3A_153 = tpu.memref_slice %arg17[%mul3A_145] : memref<50176xf32, #tpu.memory_space<vmem_shared>> -> memref<3136xf32, #tpu.memory_space<vmem_shared>>
      %dma_start3A_154 = tpu.memref_slice %arg17[%mul3A_145] : memref<50176xf32, #tpu.memory_space<vmem_shared>> -> memref<3136xf32, #tpu.memory_space<vmem_shared>>
      tpu.enqueue_dma source(%dma_start3A_154 : memref<3136xf32, #tpu.memory_space<vmem_shared>>) target(%arg15 : memref<3136xf32, #tpu.memory_space<vmem>>) target_semaphore(%run_scoped3A : memref<!tpu.dma_semaphore, #tpu.memory_space<semaphore_mem>>)
      %dma_wait3A_155 = tpu.memref_slice %arg17[%mul3A_145] : memref<50176xf32, #tpu.memory_space<vmem_shared>> -> memref<3136xf32, #tpu.memory_space<vmem_shared>>
      %dma_wait3A_156 = tpu.memref_slice %arg17[%mul3A_145] : memref<50176xf32, #tpu.memory_space<vmem_shared>> -> memref<3136xf32, #tpu.memory_space<vmem_shared>>
      tpu.wait_dma2 semaphore(%run_scoped3A : memref<!tpu.dma_semaphore, #tpu.memory_space<semaphore_mem>>) src(%dma_wait3A_156 : memref<3136xf32, #tpu.memory_space<vmem_shared>>) dst(%arg15 : memref<3136xf32, #tpu.memory_space<vmem>>)
      tpu.yield
    }) : () -> ()
    %add3A_146 = arith.constant 2 : i32
    %add3A_147 = arith.addi %add3A_146, %arg0 : i32
    %mul3A_148 = arith.constant 50176 : i32
    %mul3A_149 = arith.muli %add3A_147, %mul3A_148 : i32
    %mul3A_150 = arith.constant 3136 : i32
    %mul3A_151 = arith.muli %arg1, %mul3A_150 : i32
    %add3A_152 = arith.addi %mul3A_149, %mul3A_151 : i32
    "tpu.region"() ({
      %run_scoped3A = tpu.sem_alloc : memref<!tpu.dma_semaphore, #tpu.memory_space<semaphore_mem>>
      %dma_start3A_153 = tpu.memref_slice %arg5[%add3A_152] : memref<200704xf32, #tpu.memory_space<hbm>> -> memref<3136xf32, #tpu.memory_space<hbm>>
      %dma_start3A_154 = tpu.memref_slice %arg5[%add3A_152] : memref<200704xf32, #tpu.memory_space<hbm>> -> memref<3136xf32, #tpu.memory_space<hbm>>
      tpu.enqueue_dma source(%arg15 : memref<3136xf32, #tpu.memory_space<vmem>>) target(%dma_start3A_154 : memref<3136xf32, #tpu.memory_space<hbm>>) target_semaphore(%run_scoped3A : memref<!tpu.dma_semaphore, #tpu.memory_space<semaphore_mem>>)
      %dma_wait3A_155 = tpu.memref_slice %arg5[%add3A_152] : memref<200704xf32, #tpu.memory_space<hbm>> -> memref<3136xf32, #tpu.memory_space<hbm>>
      %dma_wait3A_156 = tpu.memref_slice %arg5[%add3A_152] : memref<200704xf32, #tpu.memory_space<hbm>> -> memref<3136xf32, #tpu.memory_space<hbm>>
      tpu.wait_dma2 semaphore(%run_scoped3A : memref<!tpu.dma_semaphore, #tpu.memory_space<semaphore_mem>>) src(%arg15 : memref<3136xf32, #tpu.memory_space<vmem>>) dst(%dma_wait3A_156 : memref<3136xf32, #tpu.memory_space<hbm>>)
      tpu.yield
    }) : () -> ()
    return
  }
}

module attributes {stable_mosaic.version = 14 : i64} {
  func.func @body(%arg0: memref<2x392x128xf32, #tpu.memory_space<vmem>>, %arg1: memref<392x128xf32, #tpu.memory_space<vmem>>, %arg2: memref<392x128xf32, #tpu.memory_space<vmem>>, %arg3: memref<392x128xf32, #tpu.memory_space<vmem>>, %arg4: memref<392x128xf32, #tpu.memory_space<vmem>>) attributes {dimension_semantics = [], scalar_prefetch = 0 : i64, scratch_operands = 0 : i64, tpu.core_type = #tpu.core_type<tc>} {
    %get3A = arith.constant 0 : index
    %get3A_0 = arith.constant 0 : index
    %get3A_1 = vector.load %arg2[%get3A, %get3A_0] : memref<392x128xf32, #tpu.memory_space<vmem>>, vector<392x128xf32>
    %get3A_2 = arith.constant 0 : index
    %get3A_3 = arith.constant 0 : index
    %get3A_4 = arith.constant 0 : index
    %get3A_5 = vector.load %arg0[%get3A_2, %get3A_3, %get3A_4] : memref<2x392x128xf32, #tpu.memory_space<vmem>>, vector<1x392x128xf32>
    %get3A_6 = vector.shape_cast %get3A_5 : vector<1x392x128xf32> to vector<392x128xf32>
    %get3A_7 = arith.constant 1 : index
    %get3A_8 = arith.constant 0 : index
    %get3A_9 = arith.constant 0 : index
    %get3A_10 = vector.load %arg0[%get3A_7, %get3A_8, %get3A_9] : memref<2x392x128xf32, #tpu.memory_space<vmem>>, vector<1x392x128xf32>
    %get3A_11 = vector.shape_cast %get3A_10 : vector<1x392x128xf32> to vector<392x128xf32>
    %add3A = arith.addf %get3A_6, %get3A_11 : vector<392x128xf32>
    %get3A_12 = arith.constant 0 : index
    %get3A_13 = arith.constant 0 : index
    %get3A_14 = vector.load %arg1[%get3A_12, %get3A_13] : memref<392x128xf32, #tpu.memory_space<vmem>>, vector<392x128xf32>
    %mul3A = arith.mulf %get3A_14, %get3A_1 : vector<392x128xf32>
    %add3A_15 = arith.addf %add3A, %mul3A : vector<392x128xf32>
    %mul3A_16 = arith.mulf %get3A_1, %add3A_15 : vector<392x128xf32>
    %swap3A = arith.constant 0 : index
    %swap3A_17 = arith.constant 0 : index
    %swap3A_18 = vector.load %arg3[%swap3A, %swap3A_17] : memref<392x128xf32, #tpu.memory_space<vmem>>, vector<392x128xf32>
    tpu.vector_store %arg3[%swap3A, %swap3A_17], %mul3A_16 {strides = array<i32>} : memref<392x128xf32, #tpu.memory_space<vmem>>, vector<392x128xf32>,
    %mul3A_19 = arith.mulf %get3A_1, %mul3A_16 : vector<392x128xf32>
    %swap3A_20 = arith.constant 0 : index
    %swap3A_21 = arith.constant 0 : index
    %swap3A_22 = vector.load %arg4[%swap3A_20, %swap3A_21] : memref<392x128xf32, #tpu.memory_space<vmem>>, vector<392x128xf32>
    tpu.vector_store %arg4[%swap3A_20, %swap3A_21], %mul3A_19 {strides = array<i32>} : memref<392x128xf32, #tpu.memory_space<vmem>>, vector<392x128xf32>,
    return
  }
}

module attributes {stable_mosaic.version = 14 : i64} {
  func.func @body(%arg0: memref<2x392x128xf32, #tpu.memory_space<vmem>>, %arg1: memref<392x128xf32, #tpu.memory_space<vmem>>, %arg2: memref<1x64xf32, #tpu.memory_space<vmem>>, %arg3: memref<64x64xf32, #tpu.memory_space<vmem>>, %arg4: memref<1x1xf32, #tpu.memory_space<vmem>>, %arg5: memref<392x128xf32, #tpu.memory_space<vmem>>, %arg6: memref<392x128xf32, #tpu.memory_space<vmem>>, %arg7: memref<64x2xf32, #tpu.memory_space<vmem>>) attributes {dimension_semantics = [], scalar_prefetch = 0 : i64, scratch_operands = 0 : i64, tpu.core_type = #tpu.core_type<tc>} {
    %get3A = arith.constant 0 : index
    %get3A_0 = arith.constant 0 : index
    %get3A_1 = arith.constant 0 : index
    %get3A_2 = vector.load %arg0[%get3A, %get3A_0, %get3A_1] : memref<2x392x128xf32, #tpu.memory_space<vmem>>, vector<1x392x128xf32>
    %get3A_3 = vector.shape_cast %get3A_2 : vector<1x392x128xf32> to vector<392x128xf32>
    %get3A_4 = arith.constant 1 : index
    %get3A_5 = arith.constant 0 : index
    %get3A_6 = arith.constant 0 : index
    %get3A_7 = vector.load %arg0[%get3A_4, %get3A_5, %get3A_6] : memref<2x392x128xf32, #tpu.memory_space<vmem>>, vector<1x392x128xf32>
    %get3A_8 = vector.shape_cast %get3A_7 : vector<1x392x128xf32> to vector<392x128xf32>
    %add3A = arith.addf %get3A_3, %get3A_8 : vector<392x128xf32>
    %add3A_9 = arith.constant 1.000000e+00 : f32
    %add3A_10 = vector.broadcast %add3A_9 : f32 to vector<392x128xf32>
    %add3A_11 = arith.addf %add3A, %add3A_10 : vector<392x128xf32>
    %rsqrt3A = math.rsqrt %add3A_11 : vector<392x128xf32>
    %swap3A = arith.constant 0 : index
    %swap3A_12 = arith.constant 0 : index
    %swap3A_13 = vector.load %arg5[%swap3A, %swap3A_12] : memref<392x128xf32, #tpu.memory_space<vmem>>, vector<392x128xf32>
    tpu.vector_store %arg5[%swap3A, %swap3A_12], %rsqrt3A {strides = array<i32>} : memref<392x128xf32, #tpu.memory_space<vmem>>, vector<392x128xf32>,
    %get3A_14 = arith.constant 0 : index
    %get3A_15 = arith.constant 0 : index
    %get3A_16 = vector.load %arg1[%get3A_14, %get3A_15] : memref<392x128xf32, #tpu.memory_space<vmem>>, vector<392x128xf32>
    %mul3A = arith.mulf %rsqrt3A, %get3A_16 : vector<392x128xf32>
    %swap3A_17 = arith.constant 0 : index
    %swap3A_18 = arith.constant 0 : index
    %swap3A_19 = vector.load %arg6[%swap3A_17, %swap3A_18] : memref<392x128xf32, #tpu.memory_space<vmem>>, vector<392x128xf32>
    tpu.vector_store %arg6[%swap3A_17, %swap3A_18], %mul3A {strides = array<i32>} : memref<392x128xf32, #tpu.memory_space<vmem>>, vector<392x128xf32>,
    %get3A_20 = arith.constant 0 : index
    %get3A_21 = arith.constant 0 : index
    %get3A_22 = vector.load %arg2[%get3A_20, %get3A_21] : memref<1x64xf32, #tpu.memory_space<vmem>>, vector<1x64xf32>
    %get3A_23 = arith.constant 0 : index
    %get3A_24 = arith.constant 0 : index
    %get3A_25 = vector.load %arg4[%get3A_23, %get3A_24] : memref<1x1xf32, #tpu.memory_space<vmem>>, vector<1x1xf32>
    %ge3A = arith.constant 0.000000e+00 : f32
    %ge3A_26 = vector.broadcast %ge3A : f32 to vector<1x64xf32>
    %ge3A_27 = arith.cmpf oge, %get3A_22, %ge3A_26 : vector<1x64xf32>
    %mul3A_28 = vector.broadcast %get3A_25 : vector<1x1xf32> to vector<1x64xf32>
    %mul3A_29 = arith.mulf %mul3A_28, %get3A_22 : vector<1x64xf32>
    %select_n3A = arith.select %ge3A_27, %get3A_22, %mul3A_29 : vector<1x64xi1>, vector<1x64xf32>
    %le3A = arith.constant 0.000000e+00 : f32
    %le3A_30 = vector.broadcast %le3A : f32 to vector<1x64xf32>
    %le3A_31 = arith.cmpf ole, %get3A_22, %le3A_30 : vector<1x64xf32>
    %mul3A_32 = vector.broadcast %get3A_25 : vector<1x1xf32> to vector<1x64xf32>
    %mul3A_33 = arith.mulf %mul3A_32, %get3A_22 : vector<1x64xf32>
    %select_n3A_34 = arith.select %le3A_31, %get3A_22, %mul3A_33 : vector<1x64xi1>, vector<1x64xf32>
    %concatenate3A = tpu.concatenate %select_n3A, %select_n3A_34 in 0 : vector<1x64xf32>, vector<1x64xf32> -> vector<2x64xf32>
    %get3A_35 = arith.constant 0 : index
    %get3A_36 = arith.constant 0 : index
    %get3A_37 = vector.load %arg3[%get3A_35, %get3A_36] : memref<64x64xf32, #tpu.memory_space<vmem>>, vector<64x64xf32>
    %dot_general3A = arith.constant dense<0.000000e+00> : vector<64x2xf32>
    %dot_general3A_38 = tpu.matmul %get3A_37, %concatenate3A, %dot_general3A {dimension_numbers = #tpu.dot_dimension_numbers<[0], [1], [1], [0], [0, 1, 1, 0], [], []>, transpose_lhs_hint = false} : vector<64x64xf32>, vector<2x64xf32>, vector<64x2xf32> -> vector<64x2xf32>
    %swap3A_39 = arith.constant 0 : index
    %swap3A_40 = arith.constant 0 : index
    %swap3A_41 = vector.load %arg7[%swap3A_39, %swap3A_40] : memref<64x2xf32, #tpu.memory_space<vmem>>, vector<64x2xf32>
    tpu.vector_store %arg7[%swap3A_39, %swap3A_40], %dot_general3A_38 {strides = array<i32>} : memref<64x2xf32, #tpu.memory_space<vmem>>, vector<64x2xf32>,
    return
  }
}

module attributes {stable_mosaic.version = 14 : i64} {
  func.func @body(%arg0: i32, %arg1: memref<1x4096xf32, #tpu.memory_space<vmem>>, %arg2: memref<1x4096xf32, #tpu.memory_space<vmem>>, %arg3: memref<1x4096xf32, #tpu.memory_space<vmem>>, %arg4: memref<1x4096xf32, #tpu.memory_space<vmem>>, %arg5: memref<1x4096xf32, #tpu.memory_space<vmem>>, %arg6: memref<1x4096xf32, #tpu.memory_space<vmem>>, %arg7: memref<64x2xf32, #tpu.memory_space<vmem>>, %arg8: memref<64x1xf32, #tpu.memory_space<vmem>>, %arg9: memref<64x4096xf32, #tpu.memory_space<vmem>>) attributes {dimension_semantics = [#tpu.dimension_semantics<arbitrary>], iteration_bounds = array<i64: 13>, scalar_prefetch = 0 : i64, scratch_operands = 0 : i64, tpu.core_type = #tpu.core_type<tc>, window_params = [{transform_indices = @transform_0, window_bounds = array<i64: 1, 4096>}, {transform_indices = @transform_1, window_bounds = array<i64: 1, 4096>}, {transform_indices = @transform_2, window_bounds = array<i64: 1, 4096>}, {transform_indices = @transform_3, window_bounds = array<i64: 1, 4096>}, {transform_indices = @transform_4, window_bounds = array<i64: 1, 4096>}, {transform_indices = @transform_5, window_bounds = array<i64: 1, 4096>}, {pipeline_mode = #tpu.pipeline_mode<synchronous>, transform_indices = @transform_6, window_bounds = array<i64: 64, 2>}, {pipeline_mode = #tpu.pipeline_mode<synchronous>, transform_indices = @transform_7, window_bounds = array<i64: 64, 1>}, {transform_indices = @transform_8, window_bounds = array<i64: 64, 4096>}]} {
    %get3A = arith.constant 0 : index
    %get3A_0 = arith.constant 0 : index
    %get3A_1 = vector.load %arg6[%get3A, %get3A_0] : memref<1x4096xf32, #tpu.memory_space<vmem>>, vector<1x4096xf32>
    %mul3A = arith.mulf %get3A_1, %get3A_1 : vector<1x4096xf32>
    %get3A_2 = arith.constant 0 : index
    %get3A_3 = arith.constant 0 : index
    %get3A_4 = vector.load %arg5[%get3A_2, %get3A_3] : memref<1x4096xf32, #tpu.memory_space<vmem>>, vector<1x4096xf32>
    %get3A_5 = arith.constant 0 : index
    %get3A_6 = arith.constant 0 : index
    %get3A_7 = vector.load %arg1[%get3A_5, %get3A_6] : memref<1x4096xf32, #tpu.memory_space<vmem>>, vector<1x4096xf32>
    %get3A_8 = arith.constant 0 : index
    %get3A_9 = arith.constant 0 : index
    %get3A_10 = vector.load %arg2[%get3A_8, %get3A_9] : memref<1x4096xf32, #tpu.memory_space<vmem>>, vector<1x4096xf32>
    %add3A = arith.addf %get3A_7, %get3A_10 : vector<1x4096xf32>
    %mul3A_11 = arith.mulf %get3A_1, %add3A : vector<1x4096xf32>
    %max3A = arith.constant 0.000000e+00 : f32
    %max3A_12 = vector.broadcast %max3A : f32 to vector<1x4096xf32>
    %max3A_13 = arith.maximumf %get3A_4, %max3A_12 : vector<1x4096xf32>
    %mul3A_14 = arith.mulf %max3A_13, %mul3A : vector<1x4096xf32>
    %add3A_15 = arith.addf %mul3A_11, %mul3A_14 : vector<1x4096xf32>
    %get3A_16 = arith.constant 0 : index
    %get3A_17 = arith.constant 0 : index
    %get3A_18 = vector.load %arg3[%get3A_16, %get3A_17] : memref<1x4096xf32, #tpu.memory_space<vmem>>, vector<1x4096xf32>
    %get3A_19 = arith.constant 0 : index
    %get3A_20 = arith.constant 0 : index
    %get3A_21 = vector.load %arg4[%get3A_19, %get3A_20] : memref<1x4096xf32, #tpu.memory_space<vmem>>, vector<1x4096xf32>
    %add3A_22 = arith.addf %get3A_18, %get3A_21 : vector<1x4096xf32>
    %mul3A_23 = arith.mulf %get3A_1, %add3A_22 : vector<1x4096xf32>
    %min3A = arith.constant 0.000000e+00 : f32
    %min3A_24 = vector.broadcast %min3A : f32 to vector<1x4096xf32>
    %min3A_25 = arith.minimumf %get3A_4, %min3A_24 : vector<1x4096xf32>
    %mul3A_26 = arith.mulf %min3A_25, %mul3A : vector<1x4096xf32>
    %add3A_27 = arith.addf %mul3A_23, %mul3A_26 : vector<1x4096xf32>
    %get3A_28 = arith.constant 0 : index
    %get3A_29 = arith.constant 0 : index
    %get3A_30 = vector.load %arg7[%get3A_28, %get3A_29] : memref<64x2xf32, #tpu.memory_space<vmem>>, vector<64x1xf32>
    %get3A_31 = arith.constant 0 : index
    %get3A_32 = arith.constant 1 : index
    %get3A_33 = vector.load %arg7[%get3A_31, %get3A_32] : memref<64x2xf32, #tpu.memory_space<vmem>>, vector<64x1xf32>
    %mul3A_34 = vector.broadcast %get3A_30 : vector<64x1xf32> to vector<64x4096xf32>
    %mul3A_35 = vector.broadcast %add3A_15 : vector<1x4096xf32> to vector<64x4096xf32>
    %mul3A_36 = arith.mulf %mul3A_34, %mul3A_35 : vector<64x4096xf32>
    %mul3A_37 = vector.broadcast %get3A_33 : vector<64x1xf32> to vector<64x4096xf32>
    %mul3A_38 = vector.broadcast %add3A_27 : vector<1x4096xf32> to vector<64x4096xf32>
    %mul3A_39 = arith.mulf %mul3A_37, %mul3A_38 : vector<64x4096xf32>
    %add3A_40 = arith.addf %mul3A_36, %mul3A_39 : vector<64x4096xf32>
    %get3A_41 = arith.constant 0 : index
    %get3A_42 = arith.constant 0 : index
    %get3A_43 = vector.load %arg8[%get3A_41, %get3A_42] : memref<64x1xf32, #tpu.memory_space<vmem>>, vector<64x1xf32>
    %add3A_44 = vector.broadcast %get3A_43 : vector<64x1xf32> to vector<64x4096xf32>
    %add3A_45 = arith.addf %add3A_40, %add3A_44 : vector<64x4096xf32>
    %swap3A = arith.constant 0 : index
    %swap3A_46 = arith.constant 0 : index
    %swap3A_47 = vector.load %arg9[%swap3A, %swap3A_46] : memref<64x4096xf32, #tpu.memory_space<vmem>>, vector<64x4096xf32>
    tpu.vector_store %arg9[%swap3A, %swap3A_46], %add3A_45 {strides = array<i32>} : memref<64x4096xf32, #tpu.memory_space<vmem>>, vector<64x4096xf32>,
    return
  }
  func.func @transform_0(%arg0: i32) -> (i32, i32) {
    %c0_i32 = arith.constant 0 : i32
    %c0_i32_0 = arith.constant 0 : i32
    return %c0_i32, %arg0 : i32, i32
  }
  func.func @transform_1(%arg0: i32) -> (i32, i32) {
    %c0_i32 = arith.constant 0 : i32
    %c0_i32_0 = arith.constant 0 : i32
    return %c0_i32, %arg0 : i32, i32
  }
  func.func @transform_2(%arg0: i32) -> (i32, i32) {
    %c0_i32 = arith.constant 0 : i32
    %c0_i32_0 = arith.constant 0 : i32
    return %c0_i32, %arg0 : i32, i32
  }
  func.func @transform_3(%arg0: i32) -> (i32, i32) {
    %c0_i32 = arith.constant 0 : i32
    %c0_i32_0 = arith.constant 0 : i32
    return %c0_i32, %arg0 : i32, i32
  }
  func.func @transform_4(%arg0: i32) -> (i32, i32) {
    %c0_i32 = arith.constant 0 : i32
    %c0_i32_0 = arith.constant 0 : i32
    return %c0_i32, %arg0 : i32, i32
  }
  func.func @transform_5(%arg0: i32) -> (i32, i32) {
    %c0_i32 = arith.constant 0 : i32
    %c0_i32_0 = arith.constant 0 : i32
    return %c0_i32, %arg0 : i32, i32
  }
  func.func @transform_6(%arg0: i32) -> (i32, i32) {
    %c0_i32 = arith.constant 0 : i32
    %c0_i32_0 = arith.constant 0 : i32
    %c0_i32_1 = arith.constant 0 : i32
    return %c0_i32, %c0_i32_0 : i32, i32
  }
  func.func @transform_7(%arg0: i32) -> (i32, i32) {
    %c0_i32 = arith.constant 0 : i32
    %c0_i32_0 = arith.constant 0 : i32
    %c0_i32_1 = arith.constant 0 : i32
    return %c0_i32, %c0_i32_0 : i32, i32
  }
  func.func @transform_8(%arg0: i32) -> (i32, i32) {
    %c0_i32 = arith.constant 0 : i32
    %c0_i32_0 = arith.constant 0 : i32
    return %c0_i32, %arg0 : i32, i32
  }
}

</mosaic_0001>

<sc_bundles>
// kernel: kernel.11.cloned.1.call-start
scs
__scs_entry_jumppad:
0x0: {  	(pc) =	sbr.rel $0x88, $3  }
0x1: {  	(tag) =	ssettag $0x0;
	lr =	simm.s32 $0x1  }
0x2: {  	[smem:$0x3F9B] =	sst lr;
	_ =	strace $0xD0000000  }
0x3: {  	_ = 	snop  }
0x4: {  	_ = 	snop  }
0x5: {  	_ = 	snop  }
0x6: {  	_ = 	snop  }
0x7: {  	_ = 	snop  }
__scs_overlays_trampoline_lowered:
0x8: {  	[smem:$0x3FAA] =	sst s0  }
0x9: {  	[smem:$0x3FAB] =	sst s1  }
0xa: {  	[smem:$0x3FAC] =	sst s2  }
0xb: {  	[smem:$0x3FAD] =	sst s3  }
0xc: {  	[smem:$0x3FAE] =	sst s4  }
0xd: {  	[smem:$0x3FAF] =	sst s5  }
0xe: {  	[smem:$0x3FB0] =	sst s6  }
0xf: {  	[smem:$0x3FB1] =	sst s7  }
0x10: {  	[smem:$0x3FB2] =	sst s8  }
0x11: {  	[smem:$0x3FB3] =	sst s9;
	s0 =	simm.s32 @!p0 $0x0  }
0x12: {  	s1 =	sld [smem:$0x3F99];
	s0 =	simm.s32 @p0 $0x1  }
0x13: {  	[smem:$0x3FB4] =	sst s0;
	s0 =	simm.s32 @!p1 $0x0  }
0x14: {  	s2 =	sld [smem:$0x3F98];
	s0 =	simm.s32 @p1 $0x1  }
0x15: {  	[smem:$0x3FB5] =	sst s0;
	s0 =	simm.s32 @!p2 $0x0  }
0x16: {  	s3 =	sld [smem:$0x3FDB];
	s0 =	simm.s32 @p2 $0x1  }
0x17: {  	s4 =	simm.s32 $0x1BF5;
	[smem:$0x3FB7] =	sst s0  }
0x18: {  	s0 =	sld [smem:$0x3F9A];
	_ =	swait.ge [sflag:s4], $0x0  }
0x19: {  	s7 =	sld [smem:$0x3F9B]  }
0x1a: {  	s8 =	sadd.s32 $0xFFFFE003, lr  }
0x1b: {  	s9 =	sadd.s32 $0xFFFFFEF7, lr;
	s5 =	simm.s32 $0xFFFFFFFF;
	p2 =	slt.u32 s8, $0xFFFFF086  }
0x1c: {  	p1 =	slt.u32 s9, $0xF7A;
	s5 =	simm.s32 @!p2 $0x0  }
0x1d: {  	s5 =	simm.s32 @p1 $0x1;
	p0 =	seq.s32 s7, s2  }
0x1e: {  	s7 =	smul.u32 @!p0 $0xF7A, s2;
	p2 =	seq.s32 @!p0 s5, $0x0  }
0x1f: {  	s9 =	smul.u32 $0xF7A, s1;
	s8 =	simm.s32 @!p0 $0x1BF5;
	p2 =	por !p2, p0  }
0x20: {  	[sflag:s8] =	ssyncset.s32 @!p0 $0xFFFFF086;
	s6 =	sadd.s32 @!p0 s3, s7;
	s7 =	simm.s32 @!p0 $0x108  }
0x21: {  	s3 =	sadd.s32 s3, s9;
	s6 =	sadd.s32 @!p0 $0x88, s6;
	s7 =	simm.s32 @p2 $0x1082  }
0x22: {  	[simem:s7], [sflag:s8] =	dma.local @!p0 [hbm:s6], $0xF7A  }
0x23: {  	s9 =	sor.u32 $0xD0000000, s2;
	s6 =	simm.s32 $0x108;
	_ =	swait.ge @!p0 [sflag:s8], $0x0  }
0x24: {  	s3 =	sadd.s32 $0x88, s3;
	s6 =	simm.s32 @!p1 $0x1082;
	[sflag:s4] =	ssyncset.s32 $0xFFFFF086  }
0x25: {  	[simem:s6], [sflag:s4] =	dma.local [hbm:s3], $0xF7A  }
0x26: {  	[smem:$0x3F9B] =	sst s1;
	(tag) =	ssettag s2;
	_ =	strace s9  }
0x27: {  	s1 =	sld [smem:$0x3FAB]  }
0x28: {  	s2 =	sld [smem:$0x3FAC]  }
0x29: {  	s4 =	sld [smem:$0x3FAE]  }
0x2a: {  	p0 =	seq.s32 s5, $0x0;
	s5 =	sld [smem:$0x3FAF]  }
0x2b: {  	s6 =	sld [smem:$0x3FB0]  }
0x2c: {  	s7 =	sld [smem:$0x3FB1]  }
0x2d: {  	s3 =	simm.s32 $0x108;
	s8 =	sld [smem:$0x3FB2]  }
0x2e: {  	s3 =	simm.s32 @!p0 $0x1082;
	s9 =	sld [smem:$0x3FB3]  }
0x2f: {  	lr =	sadd.s32 s0, s3;
	s0 =	sld [smem:$0x3FAA]  }
0x30: {  	s3 =	sld [smem:$0x3FAD]  }
0x31: {  	[smem:$0x3FB6] =	sst s10  }
0x32: {  	s10 =	sld [smem:$0x3FB4];
	_ =	sdelay $0x3  }
0x33: {  	p0 =	seq.s32 s10, $0x1;
	s10 =	sld [smem:$0x3FB6];
	_ =	sdelay $0x3  }
0x34: {  	[smem:$0x3FB6] =	sst s10  }
0x35: {  	s10 =	sld [smem:$0x3FB5];
	_ =	sdelay $0x3  }
0x36: {  	p1 =	seq.s32 s10, $0x1;
	s10 =	sld [smem:$0x3FB6];
	_ =	sdelay $0x3  }
0x37: {  	[smem:$0x3FB6] =	sst s10  }
0x38: {  	s10 =	sld [smem:$0x3FB7]  }
0x39: {  	_ = 	snop;
	(pc) =	sbr.ind lr, $3  }
0x3a: {  	_ = 	snop  }
0x3b: {  	_ = 	snop  }
0x3c: {  	p2 =	seq.s32 s10, $0x1;
	s10 =	sld [smem:$0x3FB6]  }
0x3d: {  	_ =	shalt  }
0x3e: {  	_ =	shalt  }
0x3f: {  	_ =	shalt  }
0x40: {  	_ =	shalt  }
0x41: {  	_ =	shalt  }
0x42: {  	_ =	shalt  }
0x43: {  	_ =	shalt  }
0x44: {  	_ =	shalt  }
0x45: {  	_ =	shalt  }
0x46: {  	_ =	shalt  }
0x47: {  	_ =	shalt  }
0x48: {  	_ =	shalt  }
0x49: {  	_ =	shalt  }
0x4a: {  	_ =	shalt  }
0x4b: {  	_ =	shalt  }
0x4c: {  	_ =	shalt  }
0x4d: {  	_ =	shalt  }
0x4e: {  	_ =	shalt  }
0x4f: {  	_ =	shalt  }
0x50: {  	_ =	shalt  }
0x51: {  	_ =	shalt  }
0x52: {  	_ =	shalt  }
0x53: {  	_ =	shalt  }
0x54: {  	_ =	shalt  }
0x55: {  	_ =	shalt  }
0x56: {  	_ =	shalt  }
0x57: {  	_ =	shalt  }
0x58: {  	_ =	shalt  }
0x59: {  	_ =	shalt  }
0x5a: {  	_ =	shalt  }
0x5b: {  	_ =	shalt  }
0x5c: {  	_ =	shalt  }
0x5d: {  	_ =	shalt  }
0x5e: {  	_ =	shalt  }
0x5f: {  	_ =	shalt  }
0x60: {  	_ =	shalt  }
0x61: {  	_ =	shalt  }
0x62: {  	_ =	shalt  }
0x63: {  	_ =	shalt  }
0x64: {  	_ =	shalt  }
0x65: {  	_ =	shalt  }
0x66: {  	_ =	shalt  }
0x67: {  	_ =	shalt  }
0x68: {  	_ =	shalt  }
0x69: {  	_ =	shalt  }
0x6a: {  	_ =	shalt  }
0x6b: {  	_ =	shalt  }
0x6c: {  	_ =	shalt  }
0x6d: {  	_ =	shalt  }
0x6e: {  	_ =	shalt  }
0x6f: {  	_ =	shalt  }
0x70: {  	_ =	shalt  }
0x71: {  	_ =	shalt  }
0x72: {  	_ =	shalt  }
0x73: {  	_ =	shalt  }
0x74: {  	_ =	shalt  }
0x75: {  	_ =	shalt  }
0x76: {  	_ =	shalt  }
0x77: {  	_ =	shalt  }
0x78: {  	_ =	shalt  }
0x79: {  	_ =	shalt  }
0x7a: {  	_ =	shalt  }
0x7b: {  	_ =	shalt  }
0x7c: {  	_ =	shalt  }
0x7d: {  	_ =	shalt  }
0x7e: {  	_ =	shalt  }
0x7f: {  	_ =	shalt  }
0x80: {  	_ =	shalt  }
0x81: {  	_ =	shalt  }
0x82: {  	_ =	shalt  }
0x83: {  	_ =	shalt  }
0x84: {  	_ =	shalt  }
0x85: {  	_ =	shalt  }
0x86: {  	_ =	shalt  }
0x87: {  	_ =	shalt  }
.Lfunc_end0:
.L_simem_size_0:
called_computation.1_lowered:
.L_overlay_start_0:
0x88: {  	s2 =	sld [smem:$0x3FD9]  }
0x89: {  	s3 =	sld [smem:$0x3FFE];
	_ =	sdelay $0x1  }
0x8a: {  	s1 =	srdreg.scid  }
0x8b: {  	s0 =	sand.u32 $0x1, s1  }
0x8c: {  	s17 =	sshll.u32 s0, $0xA;
	s2 =	sadd.s32 s3, s2  }
0x8d: {  	s2 =	sadd.s32 s2, s17  }
0x8e: {  	[smem:$0x3FC2] =	sst s2  }
0x8f: {  	_ = 	snop  }
0x90: {  	s2 =	sld [smem:$0x3FD0];
	(tm) =	ssettm $0x1  }
0x91: {  	s18 =	sld [smem:$0x3FFB];
	_ =	sdelay $0x3  }
0x92: {  	_ =	strace s18  }
0x93: {  	s3 =	sld [smem:$0x3FFC];
	_ =	sdelay $0x3  }
0x94: {  	_ =	strace s3  }
0x95: {  	s3 =	sld [smem:$0x3FFD];
	_ =	sdelay $0x3  }
0x96: {  	_ =	strace s3  }
0x97: {  	_ =	strace $0x8FFFFFFF  }
0x98: {  	s19 =	sld [smem:$0x3FDB];
	_ =	sdelay $0x1  }
0x99: {  	s4 =	simm.s32 $_scs_section_size  }
0x9a: {  	s5 =	simm.s32 $_size__tile_overlayer_lowered;
	s6 =	simm.s32 $_tile_overlayer_lowered  }
0x9b: {  	s22 =	simm.s32 $0x1BFF;
	s21 =	sshll.u32 s6, $0x1;
	s3 =	sadd.s32 s4, s19  }
0x9c: {  	s7 =	simm.s32 $0x0;
	s20 =	sshll.u32 s5, $0x1;
	s5 =	sadd.s32 s21, s3  }
0x9d: {  	[timem:s7], [sflag:s22] =	dma.local [hbm:s5], s20  }
0x9e: {  	_ =	swait.ge [sflag:s22], s20  }
0x9f: {  	s4 =	ssub.s32 $0x0, s20;
	[sflag:s22] =	ssyncset.done $0x0  }
0xa0: {  	[sflag:s22] =	ssyncadd.s32 s4;
	_ =	sdelay $0x1  }
0xa1: {  	s23 =	simm.s32 $0x1B8B  }
0xa2: {  	_ =	swait.ge [sflag:s23], $0x1  }
0xa3: {  	[sflag:s23] =	ssyncset.done $0x0  }
0xa4: {  	s25 =	simm.s32 $0x1B8E;
	s24 =	sld [smem:$0x3FFE];
	[sflag:s23] =	ssyncadd.s32 $0xFFFFFFFF  }
0xa5: {  	s26 =	simm.s32 $execute0_lowered;
	[smem:$0x3FD2] =	sst s25  }
0xa6: {  	s5 =	sshll.u32 s26, $0x1;
	_ =	strace $0x80000049;
	[dreg:$0x1] =	wrdreg $0xFFFFFFFF  }
0xa7: {  	s28 =	simm.s32 $_size_execute0_lowered;
	s3 =	sadd.s32 s3, s5;
	[dreg:$0x0] =	wrdreg $0x0  }
0xa8: {  	s5 =	sshll.u32 s28, $0x1;
	[dreg:$0x2] =	wrdreg s3  }
0xa9: {  	[dreg:$0x3] =	wrdreg s5  }
0xaa: {  	[dreg:$0x4] =	wrdreg $0xC0  }
0xab: {  	_ =	task [dreg:s7], $0x5FFFF  }
0xac: {  	[dreg:$0x1] =	wrdreg $0xFFFFFFFF  }
0xad: {  	[dreg:$0x0] =	wrdreg $0x60  }
0xae: {  	[dreg:$0x2] =	wrdreg s2  }
0xaf: {  	[dreg:$0x3] =	wrdreg s24  }
0xb0: {  	[dreg:$0x4] =	wrdreg $0x148800  }
0xb1: {  	[dreg:$0x5] =	wrdreg $0x9  }
0xb2: {  	_ =	task.clear_ibuf [dreg:s7], $0x6FFFF;
	_ =	strace $0x90000049  }
0xb3: {  	s29 =	simm.s32 $0x9;
	_ =	strace $0x8000004B  }
0xb4: {  	_ =	swait.ge [sflag:s29], $0x1  }
0xb5: {  	[sflag:s29] =	ssyncadd.s32 $0xFFFFFFFF  }
0xb6: {  	_ =	strace $0x9000004B  }
0xb7: {  	_ =	sfence  }
0xb8: {  	s30 =	sld [smem:$0x0];
	_ =	sdelay $0x2  }
0xb9: {  	s31 =	sshll.u32 s1, $0xD;
	s1 =	sshrl.u32 s1, $0x2  }
0xba: {  	s3 =	sand.u32 $0x4000, s31;
	s1 =	sadd.s32 s1, s30  }
0xbb: {  	s0 =	sor.u32 s3, s0;
	s1 =	sshll.u32 s1, $0x11  }
0xbc: {  	s0 =	sor.u32 s1, s0  }
0xbd: {  	s0 =	sadd.s32 $0x8F2B, s0  }
0xbe: {  	[sflag:s0] =	ssyncadd.remote.s32 $0x1  }
0xbf: {  	_ =	sfence.sel $0xFFFF  }
0xc0: {  	[dreg:$0x0] =	wrdreg $0xFFFFFFFF;
	(pc) =	sbr.abs _section_cstart, $3  }
0xc1: {  	[dreg:$0x1] =	wrdreg $0xFFFFFFFF  }
0xc2: {  	_ =	task.clear_ibuf [dreg:s7], $0x2FFFF;
	_ =	strace $0x9FFFFFFF  }
0xc3: {  	(tm) =	ssettm $0x7FFFFFFF  }
tec
execute0_lowered:
.L_overlay_start_1:
0x0: {  	(tag) =	ssettag $0x1  }
0x1: {  	s0 =	rddreg [dreg:$0x0]  }
0x2: {  	s1 =	rddreg [dreg:$0x1]  }
0x3: {  	s2 =	rddreg [dreg:$0x2]  }
0x4: {  	s4 =	srdreg.scid;
	s7 =	stileid.u32  }
0x5: {  	s3 =	simm.s32 $0x0;
	s18 =	simm.s32 $0x13C00;
	s28 =	simm.s32 $0x11400  }
0x6: {  	s29 =	simm.s32 $0x2;
	s30 =	simm.s32 $0x3;
	s31 =	simm.s32 $0x12800  }
0x7: {  	s4 =	sand.u32 $0x1, s4;
	s5 =	smul.u32 $0xC40, s7;
	[smem:$0x7FF] =	sst s3  }
0x8: {  	s7 =	sshll.u32 s7, $0x1;
	s8 =	sadd.s32 $0x5400, s1;
	s9 =	sadd.s32 $0x2200, s1  }
0x9: {  	s6 =	smul.u32 $0xC400, s4;
	s7 =	sor.u32 s4, s7;
	s4 =	ssub.s32 $0x2, s4  }
0xa: {  	_ =	strace $0x8000004A;
	[dreg:$0x4] =	wrdreg s9;
	s19 =	sshrl.u32 s4, $0x1  }
0xb: {  	s7 =	smul.u32 $0x61A8, s7;
	s6 =	sadd.s32 s5, s6;
	s4 =	ssub.s32 s4, s19  }
0xc: {  	s5 =	sadd.s32 s5, s2;
	s19 =	simm.s32 $0x6;
	s6 =	sshrl.u32 s6, $0x3  }
0xd: {  	s7 =	sshrl.u32 s7, $0x3;
	s17 =	smax.u32 s4, $0x1;
	s1 =	sadd.s32 s6, s1  }
0xe: {  	s20 =	sadd.s32 s0, s7;
	s21 =	sadd.s32 s8, s7;
	s22 =	sadd.s32 $0x280, s7  }
0xf: {  	s23 =	sadd.s32 $0x500, s7;
	s26 =	sadd.s32 $0x780, s7;
	[dreg:$0x5] =	wrdreg s20  }
0x10: {  	s7 =	sadd.s32 $0xA00, s7;
	[dreg:$0x6] =	wrdreg s21;
	s10 =	sadd.s32 s0, s22  }
0x11: {  	s6 =	sadd.s32 s8, s22;
	s24 =	sadd.s32 s0, s23;
	s25 =	sadd.s32 s8, s23  }
0x12: {  	s12 =	sadd.s32 s0, s26;
	s13 =	sadd.s32 s8, s26;
	s14 =	sadd.s32 s0, s7  }
0x13: {  	s15 =	sadd.s32 s8, s7;
	s16 =	sadd.s32 $0x1DC00, s1;
	s20 =	simm.s32 $0xC400  }
0x14: {  	v0 =	vlaneseq.u32;
	s21 =	simm.s32 $0xEC00;
	s22 =	simm.s32 $0x5;
	[dreg:$0x7] =	wrdreg s10  }
0x15: {  	v1 =	vmul.u32 $0xFFFFFFFF, v0;
	s23 =	simm.s32 $0x1;
	s26 =	simm.s32 $0x1400;
	[dreg:$0x8] =	wrdreg s6  }
0x16: {  	s0 =	simm.s32 $0x4;
	s1 =	simm.s32 $0x0;
	[dreg:$0x9] =	wrdreg s24  }
0x17: {  	v0 =	vimm.f32 $0.0e+00;
	v1 =	vadd.s32 $0x11A8, v1;
	[dreg:$0xa] =	wrdreg s25;
	s24 =	simm.s32 $0xD800;
	s25 =	simm.s32 $0x10000  }
.LBB2_1:
0x18: {  	s4 =	rddreg [dreg:$0x4]  }
0x19: {  	[tilespmem:s3], [sflag:$0x5] =	stream.linear.gather [hbm4b:s4+s3], $0xC400, $0x38;
	[tilespmem:$0x154C0] =	vst v63  }
0x1a: {  	s4 =	simm.s32 $0x13C20  }
0x1b: {  	[tilespmem:s4+$0xFFFFFFE0] =	vst v0  }
0x1c: {  	[tilespmem:s4+$0x10] =	vst v0  }
0x1d: {  	s6 =	simm.s32 $0x0;
	[tilespmem:s4+$0x0] =	vst v0  }
.LBB2_2:
0x1e: {  	s6 =	sadd.s32 $0x40, s6  }
0x1f: {  	[tilespmem:s4+$0xFFFFFFF0] =	vst v0;
	s4 =	sadd.s32 $0x40, s4;
	p0 =	slt.u32 s6, $0xC00  }
.Ltmp0:
0x20: {  	[tilespmem:s4+$0xFFFFFFE0] =	vst v0;
	(pc) =	sbr.rel @p0 .LBB2_2-.Ltmp0, $3  }
0x21: {  	_ =	sdelay $0x1  }
0x22: {  	[tilespmem:s4+$0x10] =	vst v0  }
0x23: {  	[tilespmem:s4+$0x0] =	vst v0  }
0x24: {  	[tilespmem:s4+$0xFFFFFFF0] =	vst v0  }
0x25: {  	[spmem:s5] =	stream.linear.scatter [tilespmem:s18], [sflag:$0x6], $0xC40, $0x38;
	[tilespmem:$0x154C0] =	vst v63  }
0x26: {  	_ =	swait.ge [sflag:s19], $0xC40  }
0x27: {  	[sflag:s19] =	ssyncset.done $0x0  }
0x28: {  	s6 =	rddreg [dreg:$0x5];
	[sflag:s19] =	ssyncadd.s32 $0xFFFFF3C0  }
0x29: {  	[tilespmem:s20], [sflag:$0x1] =	stream.linear.gather [hbm4b:s6+s3], $0x1400, $0x38;
	[tilespmem:$0x154C0] =	vst v63  }
0x2a: {  	s7 =	rddreg [dreg:$0x6]  }
0x2b: {  	[tilespmem:s21], [sflag:$0x1] =	stream.linear.gather [hbm4b:s7+s3], $0x1400, $0x38;
	[tilespmem:$0x154C0] =	vst v63  }
0x2c: {  	_ =	swait.ge [sflag:s22], $0xC400  }
0x2d: {  	[sflag:s22] =	ssyncset.done $0x0  }
0x2e: {  	[sflag:s22] =	ssyncadd.s32 $0xFFFF3C00  }
0x2f: {  	[bflag:$0x0] =	sbarrier.arrive $0xFFFF  }
0x30: {  	_ =	swait.ge [sflag:s23], $0x1400  }
0x31: {  	[sflag:s23] =	ssyncset.done $0x0  }
0x32: {  	[sflag:s23] =	ssyncadd.s32 $0xFFFFEC00  }
0x33: {  	_ =	swait.ge [sflag:s23], $0x1400  }
0x34: {  	[sflag:s23] =	ssyncset.done $0x0  }
0x35: {  	s8 =	rddreg [dreg:$0x7];
	[sflag:s23] =	ssyncadd.s32 $0xFFFFEC00  }
0x36: {  	[tilespmem:s24], [sflag:$0x2] =	stream.linear.gather [hbm4b:s8+s3], $0x1400, $0x38;
	[tilespmem:$0x154C0] =	vst v63  }
0x37: {  	s10 =	simm.s32 $0xC420;
	s9 =	rddreg [dreg:$0x8]  }
0x38: {  	[tilespmem:s25], [sflag:$0x2] =	stream.linear.gather [hbm4b:s9+s3], $0x1400, $0x38;
	[tilespmem:$0x154C0] =	vst v63  }
0x39: {  	v2 =	vld [tilespmem:s10+$0x10];
	_ =	sdelay $0x1  }
0x3a: {  	v4 =	vld [tilespmem:s10+$0xFFFFFFE0]  }
0x3b: {  	v5 =	vld [tilespmem:s10+$0xFFFFFFF0]  }
0x3c: {  	s11 =	simm.s32 $0xC460;
	v6 =	vld [tilespmem:s10+$0x0]  }
0x3d: {  	v9 =	vld [tilespmem:s11+$0x10]  }
0x3e: {  	v3 =	vld [tilespmem:s11+$0xFFFFFFF0]  }
0x3f: {  	v8 =	vld [tilespmem:s11+$0xFFFFFFE0]  }
0x40: {  	v10 =	vld.idx.msk [tilespmem:v2+s3+$0x0], $0xffff  }
0x41: {  	v2 =	vld [tilespmem:s11+$0x0]  }
0x42: {  	v7 =	vld.idx.msk [tilespmem:v4+s3+$0x0], $0xffff  }
0x43: {  	v4 =	vld.idx.msk [tilespmem:v5+s3+$0x0], $0xffff  }
0x44: {  	s4 =	simm.s32 $0x11420;
	v5 =	vld.idx.msk [tilespmem:v6+s3+$0x0], $0xffff  }
0x45: {  	s6 =	simm.s32 $0x40;
	s7 =	simm.s32 $0xC4A0;
	v6 =	vld.idx.msk [tilespmem:v9+s3+$0x0], $0xffff;
	[tilespmem:s4+$0x10] =	vst v10  }
.LBB2_4:
0x46: {  	v9 =	vld [tilespmem:s7+$0x10];
	s6 =	sadd.s32 $0x40, s6  }
0x47: {  	v10 =	vld [tilespmem:s7+$0xFFFFFFF0];
	p0 =	slt.u32 s6, $0x13C0;
	[tilespmem:s4+$0xFFFFFFE0] =	vst v7  }
0x48: {  	v11 =	vld [tilespmem:s7+$0x0];
	[tilespmem:s4+$0xFFFFFFF0] =	vst v4  }
0x49: {  	v12 =	vld [tilespmem:s7+$0xFFFFFFE0];
	[tilespmem:s4+$0x0] =	vst v5  }
.Ltmp1:
0x4a: {  	s4 =	sadd.s32 $0x40, s4;
	v7 =	vld.idx.msk [tilespmem:v8+s3+$0x0], $0xffff;
	(pc) =	sbr.rel @p0 .LBB2_4-.Ltmp1, $4  }
0x4b: {  	v4 =	vld.idx.msk [tilespmem:v3+s3+$0x0], $0xffff;
	[tilespmem:s4+$0x10] =	vst v6  }
0x4c: {  	v5 =	vld.idx.msk [tilespmem:v2+s3+$0x0], $0xffff;
	v3 =	vmov v10  }
0x4d: {  	v2 =	vmov v11  }
0x4e: {  	s7 =	sadd.s32 $0x40, s7;
	v6 =	vld.idx.msk [tilespmem:v9+s3+$0x0], $0xffff;
	v8 =	vmov v12  }
0x4f: {  	_ =	sdelay $0x3  }
0x50: {  	v8 =	vld.idx.msk [tilespmem:v8+s3+$0x0], $0xffff  }
0x51: {  	[tilespmem:s4+$0xFFFFFFE0] =	vst v7;
	v3 =	vld.idx.msk [tilespmem:v3+s3+$0x0], $0xffff  }
0x52: {  	v2 =	vld.idx.msk [tilespmem:v2+s3+$0x0], $0xffff;
	[tilespmem:s4+$0xFFFFFFF0] =	vst v4  }
0x53: {  	s7 =	sadd.s32 $0x40, s4;
	[tilespmem:s4+$0x0] =	vst v5  }
0x54: {  	[tilespmem:s7+$0x10] =	vst v6  }
0x55: {  	[tilespmem:s7+$0xFFFFFFE0] =	vst v8  }
0x56: {  	[tilespmem:s7+$0xFFFFFFF0] =	vst v3  }
0x57: {  	[tilespmem:s7+$0x0] =	vst v2  }
0x58: {  	[spmem:s2] =	stream.indirect.scatter.add.f32 [tilespmem:s28], [sflag:$0x3], $0x1, s21, s26, $0xb8;
	[tilespmem:$0x154C0] =	vst v63  }
0x59: {  	_ =	swait.ge [sflag:s29], $0x1400  }
0x5a: {  	[sflag:s29] =	ssyncset.done $0x0  }
0x5b: {  	[sflag:s29] =	ssyncadd.s32 $0xFFFFEC00  }
0x5c: {  	_ =	swait.ge [sflag:s29], $0x1400  }
0x5d: {  	[sflag:s29] =	ssyncset.done $0x0  }
0x5e: {  	[sflag:s29] =	ssyncadd.s32 $0xFFFFEC00  }
0x5f: {  	_ =	swait.ge [sflag:s30], $0x1400  }
0x60: {  	[sflag:s30] =	ssyncset.done $0x0  }
0x61: {  	s8 =	rddreg [dreg:$0x9];
	[sflag:s30] =	ssyncadd.s32 $0xFFFFEC00  }
0x62: {  	[tilespmem:s20], [sflag:$0x1] =	stream.linear.gather [hbm4b:s8+s3], $0x1400, $0x38;
	[tilespmem:$0x154C0] =	vst v63  }
0x63: {  	s10 =	simm.s32 $0xD820;
	s9 =	rddreg [dreg:$0xa]  }
0x64: {  	[tilespmem:s21], [sflag:$0x1] =	stream.linear.gather [hbm4b:s9+s3], $0x1400, $0x38;
	[tilespmem:$0x154C0] =	vst v63  }
0x65: {  	v2 =	vld [tilespmem:s10+$0x10];
	_ =	sdelay $0x1  }
0x66: {  	v4 =	vld [tilespmem:s10+$0xFFFFFFE0]  }
0x67: {  	v5 =	vld [tilespmem:s10+$0xFFFFFFF0]  }
0x68: {  	s11 =	simm.s32 $0xD860;
	v6 =	vld [tilespmem:s10+$0x0]  }
0x69: {  	v9 =	vld [tilespmem:s11+$0x10]  }
0x6a: {  	v3 =	vld [tilespmem:s11+$0xFFFFFFF0]  }
0x6b: {  	v8 =	vld [tilespmem:s11+$0xFFFFFFE0]  }
0x6c: {  	v10 =	vld.idx.msk [tilespmem:v2+s3+$0x0], $0xffff  }
0x6d: {  	v2 =	vld [tilespmem:s11+$0x0]  }
0x6e: {  	v7 =	vld.idx.msk [tilespmem:v4+s3+$0x0], $0xffff  }
0x6f: {  	v4 =	vld.idx.msk [tilespmem:v5+s3+$0x0], $0xffff  }
0x70: {  	s4 =	simm.s32 $0x12820;
	v5 =	vld.idx.msk [tilespmem:v6+s3+$0x0], $0xffff  }
0x71: {  	s6 =	simm.s32 $0x40;
	s7 =	simm.s32 $0xD8A0;
	v6 =	vld.idx.msk [tilespmem:v9+s3+$0x0], $0xffff;
	[tilespmem:s4+$0x10] =	vst v10  }
.LBB2_6:
0x72: {  	v9 =	vld [tilespmem:s7+$0x10];
	s6 =	sadd.s32 $0x40, s6  }
0x73: {  	v10 =	vld [tilespmem:s7+$0xFFFFFFF0];
	p0 =	slt.u32 s6, $0x13C0;
	[tilespmem:s4+$0xFFFFFFE0] =	vst v7  }
0x74: {  	v11 =	vld [tilespmem:s7+$0x0];
	[tilespmem:s4+$0xFFFFFFF0] =	vst v4  }
0x75: {  	v12 =	vld [tilespmem:s7+$0xFFFFFFE0];
	[tilespmem:s4+$0x0] =	vst v5  }
.Ltmp2:
0x76: {  	s4 =	sadd.s32 $0x40, s4;
	v7 =	vld.idx.msk [tilespmem:v8+s3+$0x0], $0xffff;
	(pc) =	sbr.rel @p0 .LBB2_6-.Ltmp2, $4  }
0x77: {  	v4 =	vld.idx.msk [tilespmem:v3+s3+$0x0], $0xffff;
	[tilespmem:s4+$0x10] =	vst v6  }
0x78: {  	v5 =	vld.idx.msk [tilespmem:v2+s3+$0x0], $0xffff;
	v3 =	vmov v10  }
0x79: {  	v2 =	vmov v11  }
0x7a: {  	s7 =	sadd.s32 $0x40, s7;
	v6 =	vld.idx.msk [tilespmem:v9+s3+$0x0], $0xffff;
	v8 =	vmov v12  }
0x7b: {  	_ =	sdelay $0x3  }
0x7c: {  	v8 =	vld.idx.msk [tilespmem:v8+s3+$0x0], $0xffff  }
0x7d: {  	[tilespmem:s4+$0xFFFFFFE0] =	vst v7;
	v3 =	vld.idx.msk [tilespmem:v3+s3+$0x0], $0xffff  }
0x7e: {  	v2 =	vld.idx.msk [tilespmem:v2+s3+$0x0], $0xffff;
	[tilespmem:s4+$0xFFFFFFF0] =	vst v4  }
0x7f: {  	s9 =	sadd.s32 $0x40, s4;
	[tilespmem:s4+$0x0] =	vst v5  }
0x80: {  	[tilespmem:s9+$0x10] =	vst v6  }
0x81: {  	[tilespmem:s9+$0xFFFFFFE0] =	vst v8  }
0x82: {  	[tilespmem:s9+$0xFFFFFFF0] =	vst v3  }
0x83: {  	[tilespmem:s9+$0x0] =	vst v2  }
0x84: {  	[spmem:s2] =	stream.indirect.scatter.add.f32 [tilespmem:s31], [sflag:$0x4], $0x1, s25, s26, $0xb8;
	[tilespmem:$0x154C0] =	vst v63  }
0x85: {  	_ =	swait.ge [sflag:s23], $0x1400  }
0x86: {  	[sflag:s23] =	ssyncset.done $0x0  }
0x87: {  	[sflag:s23] =	ssyncadd.s32 $0xFFFFEC00  }
0x88: {  	_ =	swait.ge [sflag:s23], $0x1400  }
0x89: {  	[sflag:s23] =	ssyncset.done $0x0  }
0x8a: {  	[sflag:s23] =	ssyncadd.s32 $0xFFFFEC00  }
0x8b: {  	_ =	swait.ge [sflag:s0], $0x1400  }
0x8c: {  	[sflag:s0] =	ssyncset.done $0x0  }
0x8d: {  	[sflag:s0] =	ssyncadd.s32 $0xFFFFEC00  }
0x8e: {  	[tilespmem:s24], [sflag:$0x2] =	stream.linear.gather [hbm4b:s12+s3], $0x1400, $0x38;
	[tilespmem:$0x154C0] =	vst v63  }
0x8f: {  	s10 =	simm.s32 $0xC420  }
0x90: {  	[tilespmem:s25], [sflag:$0x2] =	stream.linear.gather [hbm4b:s13+s3], $0x1400, $0x38;
	[tilespmem:$0x154C0] =	vst v63  }
0x91: {  	v2 =	vld [tilespmem:s10+$0x10];
	_ =	sdelay $0x1  }
0x92: {  	v4 =	vld [tilespmem:s10+$0xFFFFFFE0]  }
0x93: {  	v5 =	vld [tilespmem:s10+$0xFFFFFFF0]  }
0x94: {  	s11 =	simm.s32 $0xC460;
	v6 =	vld [tilespmem:s10+$0x0]  }
0x95: {  	v9 =	vld [tilespmem:s11+$0x10]  }
0x96: {  	v3 =	vld [tilespmem:s11+$0xFFFFFFF0]  }
0x97: {  	v8 =	vld [tilespmem:s11+$0xFFFFFFE0]  }
0x98: {  	v10 =	vld.idx.msk [tilespmem:v2+s3+$0x0], $0xffff  }
0x99: {  	v2 =	vld [tilespmem:s11+$0x0]  }
0x9a: {  	v7 =	vld.idx.msk [tilespmem:v4+s3+$0x0], $0xffff  }
0x9b: {  	v4 =	vld.idx.msk [tilespmem:v5+s3+$0x0], $0xffff  }
0x9c: {  	s4 =	simm.s32 $0x11420;
	v5 =	vld.idx.msk [tilespmem:v6+s3+$0x0], $0xffff  }
0x9d: {  	s6 =	simm.s32 $0x40;
	s7 =	simm.s32 $0xC4A0;
	v6 =	vld.idx.msk [tilespmem:v9+s3+$0x0], $0xffff;
	[tilespmem:s4+$0x10] =	vst v10  }
.LBB2_8:
0x9e: {  	v9 =	vld [tilespmem:s7+$0x10];
	s6 =	sadd.s32 $0x40, s6  }
0x9f: {  	v10 =	vld [tilespmem:s7+$0xFFFFFFF0];
	p0 =	slt.u32 s6, $0x13C0;
	[tilespmem:s4+$0xFFFFFFE0] =	vst v7  }
0xa0: {  	v11 =	vld [tilespmem:s7+$0x0];
	[tilespmem:s4+$0xFFFFFFF0] =	vst v4  }
0xa1: {  	v12 =	vld [tilespmem:s7+$0xFFFFFFE0];
	[tilespmem:s4+$0x0] =	vst v5  }
.Ltmp3:
0xa2: {  	s4 =	sadd.s32 $0x40, s4;
	v7 =	vld.idx.msk [tilespmem:v8+s3+$0x0], $0xffff;
	(pc) =	sbr.rel @p0 .LBB2_8-.Ltmp3, $4  }
0xa3: {  	v4 =	vld.idx.msk [tilespmem:v3+s3+$0x0], $0xffff;
	[tilespmem:s4+$0x10] =	vst v6  }
0xa4: {  	v5 =	vld.idx.msk [tilespmem:v2+s3+$0x0], $0xffff;
	v3 =	vmov v10  }
0xa5: {  	v2 =	vmov v11  }
0xa6: {  	s7 =	sadd.s32 $0x40, s7;
	v6 =	vld.idx.msk [tilespmem:v9+s3+$0x0], $0xffff;
	v8 =	vmov v12  }
0xa7: {  	_ =	sdelay $0x3  }
0xa8: {  	v8 =	vld.idx.msk [tilespmem:v8+s3+$0x0], $0xffff  }
0xa9: {  	[tilespmem:s4+$0xFFFFFFE0] =	vst v7;
	v3 =	vld.idx.msk [tilespmem:v3+s3+$0x0], $0xffff  }
0xaa: {  	v2 =	vld.idx.msk [tilespmem:v2+s3+$0x0], $0xffff;
	[tilespmem:s4+$0xFFFFFFF0] =	vst v4  }
0xab: {  	s9 =	sadd.s32 $0x40, s4;
	[tilespmem:s4+$0x0] =	vst v5  }
0xac: {  	[tilespmem:s9+$0x10] =	vst v6  }
0xad: {  	[tilespmem:s9+$0xFFFFFFE0] =	vst v8  }
0xae: {  	[tilespmem:s9+$0xFFFFFFF0] =	vst v3  }
0xaf: {  	[tilespmem:s9+$0x0] =	vst v2  }
0xb0: {  	[spmem:s2] =	stream.indirect.scatter.add.f32 [tilespmem:s28], [sflag:$0x3], $0x1, s21, s26, $0xb8;
	[tilespmem:$0x154C0] =	vst v63  }
0xb1: {  	_ =	swait.ge [sflag:s29], $0x1400  }
0xb2: {  	[sflag:s29] =	ssyncset.done $0x0  }
0xb3: {  	[sflag:s29] =	ssyncadd.s32 $0xFFFFEC00  }
0xb4: {  	_ =	swait.ge [sflag:s29], $0x1400  }
0xb5: {  	[sflag:s29] =	ssyncset.done $0x0  }
0xb6: {  	[sflag:s29] =	ssyncadd.s32 $0xFFFFEC00  }
0xb7: {  	_ =	swait.ge [sflag:s30], $0x1400  }
0xb8: {  	[sflag:s30] =	ssyncset.done $0x0  }
0xb9: {  	[sflag:s30] =	ssyncadd.s32 $0xFFFFEC00  }
0xba: {  	[tilespmem:s20], [sflag:$0x1] =	stream.linear.gather [hbm4b:s14+s3], $0x11A8, $0x38;
	[tilespmem:$0x154C0] =	vst v63  }
0xbb: {  	s10 =	simm.s32 $0xD820  }
0xbc: {  	[tilespmem:s21], [sflag:$0x1] =	stream.linear.gather [hbm4b:s15+s3], $0x11A8, $0x38;
	[tilespmem:$0x154C0] =	vst v63  }
0xbd: {  	v2 =	vld [tilespmem:s10+$0x10];
	_ =	sdelay $0x1  }
0xbe: {  	v4 =	vld [tilespmem:s10+$0xFFFFFFE0]  }
0xbf: {  	v5 =	vld [tilespmem:s10+$0xFFFFFFF0]  }
0xc0: {  	s11 =	simm.s32 $0xD860;
	v6 =	vld [tilespmem:s10+$0x0]  }
0xc1: {  	v9 =	vld [tilespmem:s11+$0x10]  }
0xc2: {  	v3 =	vld [tilespmem:s11+$0xFFFFFFF0]  }
0xc3: {  	v8 =	vld [tilespmem:s11+$0xFFFFFFE0]  }
0xc4: {  	v10 =	vld.idx.msk [tilespmem:v2+s3+$0x0], $0xffff  }
0xc5: {  	v2 =	vld [tilespmem:s11+$0x0]  }
0xc6: {  	v7 =	vld.idx.msk [tilespmem:v4+s3+$0x0], $0xffff  }
0xc7: {  	v4 =	vld.idx.msk [tilespmem:v5+s3+$0x0], $0xffff  }
0xc8: {  	s4 =	simm.s32 $0x12820;
	v5 =	vld.idx.msk [tilespmem:v6+s3+$0x0], $0xffff  }
0xc9: {  	s6 =	simm.s32 $0x40;
	s7 =	simm.s32 $0xD8A0;
	v6 =	vld.idx.msk [tilespmem:v9+s3+$0x0], $0xffff;
	[tilespmem:s4+$0x10] =	vst v10  }
.LBB2_10:
0xca: {  	v9 =	vld [tilespmem:s7+$0x10];
	s6 =	sadd.s32 $0x40, s6  }
0xcb: {  	v10 =	vld [tilespmem:s7+$0xFFFFFFF0];
	p0 =	slt.u32 s6, $0x13C0;
	[tilespmem:s4+$0xFFFFFFE0] =	vst v7  }
0xcc: {  	v11 =	vld [tilespmem:s7+$0x0];
	[tilespmem:s4+$0xFFFFFFF0] =	vst v4  }
0xcd: {  	v12 =	vld [tilespmem:s7+$0xFFFFFFE0];
	[tilespmem:s4+$0x0] =	vst v5  }
.Ltmp4:
0xce: {  	s4 =	sadd.s32 $0x40, s4;
	v7 =	vld.idx.msk [tilespmem:v8+s3+$0x0], $0xffff;
	(pc) =	sbr.rel @p0 .LBB2_10-.Ltmp4, $4  }
0xcf: {  	v4 =	vld.idx.msk [tilespmem:v3+s3+$0x0], $0xffff;
	[tilespmem:s4+$0x10] =	vst v6  }
0xd0: {  	v5 =	vld.idx.msk [tilespmem:v2+s3+$0x0], $0xffff;
	v3 =	vmov v10  }
0xd1: {  	v2 =	vmov v11  }
0xd2: {  	s7 =	sadd.s32 $0x40, s7;
	v6 =	vld.idx.msk [tilespmem:v9+s3+$0x0], $0xffff;
	v8 =	vmov v12  }
0xd3: {  	_ =	sdelay $0x3  }
0xd4: {  	v8 =	vld.idx.msk [tilespmem:v8+s3+$0x0], $0xffff  }
0xd5: {  	[tilespmem:s4+$0xFFFFFFE0] =	vst v7;
	v3 =	vld.idx.msk [tilespmem:v3+s3+$0x0], $0xffff  }
0xd6: {  	v2 =	vld.idx.msk [tilespmem:v2+s3+$0x0], $0xffff;
	[tilespmem:s4+$0xFFFFFFF0] =	vst v4  }
0xd7: {  	s7 =	sadd.s32 $0x40, s4;
	[tilespmem:s4+$0x0] =	vst v5  }
0xd8: {  	[tilespmem:s7+$0x10] =	vst v6  }
0xd9: {  	[tilespmem:s7+$0xFFFFFFE0] =	vst v8  }
0xda: {  	[tilespmem:s7+$0xFFFFFFF0] =	vst v3  }
0xdb: {  	[tilespmem:s7+$0x0] =	vst v2  }
0xdc: {  	[spmem:s2] =	stream.indirect.scatter.add.f32 [tilespmem:s31], [sflag:$0x4], $0x1, s25, s26, $0xb8;
	[tilespmem:$0x154C0] =	vst v63  }
0xdd: {  	_ =	swait.ge [sflag:s23], $0x11A8  }
0xde: {  	[sflag:s23] =	ssyncset.done $0x0  }
0xdf: {  	[sflag:s23] =	ssyncadd.s32 $0xFFFFEE58  }
0xe0: {  	_ =	swait.ge [sflag:s23], $0x11A8  }
0xe1: {  	[sflag:s23] =	ssyncset.done $0x0  }
0xe2: {  	[sflag:s23] =	ssyncadd.s32 $0xFFFFEE58  }
0xe3: {  	_ =	swait.ge [sflag:s0], $0x1400  }
0xe4: {  	[sflag:s0] =	ssyncset.done $0x0  }
0xe5: {  	s8 =	simm.s32 $0xC420;
	[sflag:s0] =	ssyncadd.s32 $0xFFFFEC00  }
0xe6: {  	v2 =	vld [tilespmem:s8+$0x10];
	_ =	sdelay $0x1  }
0xe7: {  	v4 =	vld [tilespmem:s8+$0xFFFFFFE0]  }
0xe8: {  	v5 =	vld [tilespmem:s8+$0xFFFFFFF0]  }
0xe9: {  	s9 =	simm.s32 $0xC460;
	v7 =	vld [tilespmem:s8+$0x0]  }
0xea: {  	v10 =	vld [tilespmem:s9+$0x10]  }
0xeb: {  	v3 =	vld [tilespmem:s9+$0xFFFFFFF0]  }
0xec: {  	v8 =	vld [tilespmem:s9+$0xFFFFFFE0]  }
0xed: {  	v11 =	vld.idx.msk [tilespmem:v2+s3+$0x0], $0xffff  }
0xee: {  	v2 =	vld [tilespmem:s9+$0x0]  }
0xef: {  	s10 =	simm.s32 $0x30;
	v9 =	vld.idx.msk [tilespmem:v4+s3+$0x0], $0xffff  }
0xf0: {  	v4 =	vmov s10;
	v6 =	vld.idx.msk [tilespmem:v5+s3+$0x0], $0xffff  }
0xf1: {  	s11 =	simm.s32 $0x0;
	s6 =	simm.s32 $0x11420;
	v5 =	vld.idx.msk [tilespmem:v7+s3+$0x0], $0xffff;
	vm0 =	vlt.u32 v4, v1  }
0xf2: {  	s4 =	simm.s32 $0x80;
	s8 =	simm.s32 $0xC4A0;
	s10 =	simm.s32 $0x10;
	v4 =	vld.idx.msk [tilespmem:v10+s3+$0x0], $0xffff;
	v10 =	vmov s11;
	v7 =	vnsel vm0, $0x0, v11  }
0xf3: {  	s7 =	simm.s32 $0x40;
	s9 =	simm.s32 $0xC0;
	vm0 =	vlt.u32 v10, v1;
	v10 =	vmov s10;
	s10 =	simm.s32 $0x20;
	[tilespmem:s6+$0x10] =	vst v7;
	v7 =	vld [tilespmem:s8+$0x10]  }
.LBB2_12:
0xf4: {  	p0 =	slt.u32 s9, $0x13C0;
	v11 =	vld [tilespmem:s8+$0xFFFFFFF0];
	v9 =	vnsel vm0, $0x0, v9;
	vm0 =	vlt.u32 v10, v1;
	v10 =	vmov s10;
	s11 =	smov.u32 s4;
	s4 =	smov.u32 s9  }
0xf5: {  	s10 =	sadd.s32 $0x30, s7;
	v12 =	vld [tilespmem:s8+$0x0];
	[tilespmem:s6+$0xFFFFFFE0] =	vst v9;
	v6 =	vnsel vm0, $0x0, v6;
	vm0 =	vlt.u32 v10, v1  }
0xf6: {  	v13 =	vmov s10;
	v10 =	vld [tilespmem:s8+$0xFFFFFFE0];
	[tilespmem:s6+$0xFFFFFFF0] =	vst v6;
	v5 =	vnsel vm0, $0x0, v5  }
0xf7: {  	vm0 =	vlt.u32 v13, v1;
	v9 =	vld.idx.msk [tilespmem:v8+s3+$0x0], $0xffff;
	[tilespmem:s6+$0x0] =	vst v5  }
.Ltmp5:
0xf8: {  	v4 =	vnsel vm0, $0x0, v4;
	s6 =	sadd.s32 $0x40, s6;
	v6 =	vld.idx.msk [tilespmem:v3+s3+$0x0], $0xffff;
	(pc) =	sbr.rel @p0 .LBB2_12-.Ltmp5, $4  }
0xf9: {  	v5 =	vld.idx.msk [tilespmem:v2+s3+$0x0], $0xffff;
	[tilespmem:s6+$0x10] =	vst v4;
	v3 =	vmov v11  }
0xfa: {  	v2 =	vmov v12  }
0xfb: {  	s10 =	sadd.s32 $0x10, s7;
	s8 =	sadd.s32 $0x40, s8;
	v11 =	vmov s7;
	v4 =	vld.idx.msk [tilespmem:v7+s3+$0x0], $0xffff;
	v8 =	vmov v10  }
0xfc: {  	s9 =	sadd.s32 $0x40, s9;
	vm0 =	vlt.u32 v11, v1;
	v10 =	vmov s10;
	s10 =	sadd.s32 $0x20, s7;
	s7 =	smov.u32 s11;
	v7 =	vld [tilespmem:s8+$0x10]  }
0xfd: {  	_ = 	snop  }
0xfe: {  	v11 =	vld [tilespmem:s8+$0xFFFFFFE0]  }
0xff: {  	v12 =	vld [tilespmem:s8+$0xFFFFFFF0]  }
0x100: {  	v13 =	vld [tilespmem:s8+$0x0];
	_ =	sdelay $0x1  }
0x101: {  	v8 =	vld.idx.msk [tilespmem:v8+s3+$0x0], $0xffff  }
0x102: {  	v9 =	vnsel vm0, $0x0, v9;
	vm6 =	vlt.u32 v10, v1;
	v53 =	vmov s10;
	s9 =	sadd.s32 $0x30, s7;
	v3 =	vld.idx.msk [tilespmem:v3+s3+$0x0], $0xffff  }
0x103: {  	v2 =	vld.idx.msk [tilespmem:v2+s3+$0x0], $0xffff;
	[tilespmem:s6+$0xFFFFFFE0] =	vst v9;
	v6 =	vnsel vm6, $0x0, v6;
	vm7 =	vlt.u32 v53, v1;
	v54 =	vmov s9  }
0x104: {  	v56 =	vmov s7;
	s10 =	sadd.s32 $0x10, s7;
	[tilespmem:s6+$0xFFFFFFF0] =	vst v6;
	v5 =	vnsel vm7, $0x0, v5;
	vm8 =	vlt.u32 v54, v1;
	v55 =	vld.idx.msk [tilespmem:v7+s3+$0x0], $0xffff  }
0x105: {  	s11 =	sadd.s32 $0x40, s6;
	s8 =	sadd.s32 $0x20, s7;
	vm9 =	vlt.u32 v56, v1;
	v57 =	vmov s10;
	[tilespmem:s6+$0x0] =	vst v5;
	v4 =	vnsel vm8, $0x0, v4;
	v58 =	vld.idx.msk [tilespmem:v11+s3+$0x0], $0xffff  }
0x106: {  	v60 =	vmov s8;
	s9 =	sadd.s32 $0x30, s4;
	vm10 =	vlt.u32 v57, v1;
	[tilespmem:s11+$0x10] =	vst v4;
	v59 =	vnsel vm9, $0x0, v8;
	v61 =	vld.idx.msk [tilespmem:v12+s3+$0x0], $0xffff  }
0x107: {  	vm11 =	vlt.u32 v60, v1;
	v62 =	vmov s9;
	v3 =	vnsel vm10, $0x0, v3;
	[tilespmem:s11+$0xFFFFFFE0] =	vst v59;
	v63 =	vld.idx.msk [tilespmem:v13+s3+$0x0], $0xffff  }
0x108: {  	s10 =	sadd.s32 $0x10, s4;
	vm12 =	vlt.u32 v62, v1;
	v2 =	vnsel vm11, $0x0, v2;
	[tilespmem:s11+$0xFFFFFFF0] =	vst v3;
	v3 =	vmov s4  }
0x109: {  	s6 =	sadd.s32 $0x40, s11;
	[tilespmem:s11+$0x0] =	vst v2;
	s11 =	sadd.s32 $0x20, s4;
	vm13 =	vlt.u32 v3, v1;
	v3 =	vmov s10;
	v2 =	vnsel vm12, $0x0, v55  }
0x10a: {  	vm14 =	vlt.u32 v3, v1;
	v3 =	vmov s11;
	[tilespmem:s6+$0x10] =	vst v2;
	v2 =	vnsel vm13, $0x0, v58  }
0x10b: {  	vm15 =	vlt.u32 v3, v1;
	[tilespmem:s6+$0xFFFFFFE0] =	vst v2;
	v2 =	vnsel vm14, $0x0, v61  }
0x10c: {  	[tilespmem:s6+$0xFFFFFFF0] =	vst v2;
	v2 =	vnsel vm15, $0x0, v63  }
0x10d: {  	[tilespmem:s6+$0x0] =	vst v2  }
0x10e: {  	[spmem:s2] =	stream.indirect.scatter.add.f32 [tilespmem:s28], [sflag:$0x3], $0x1, s21, s26, $0xb8;
	[tilespmem:$0x154C0] =	vst v63  }
0x10f: {  	_ =	swait.ge [sflag:s30], $0x1400  }
0x110: {  	[sflag:s30] =	ssyncset.done $0x0  }
0x111: {  	[sflag:s30] =	ssyncadd.s32 $0xFFFFEC00  }
0x112: {  	[bflag:$0x0] =	sbarrier.arrive $0xFFFF  }
0x113: {  	[tilespmem:s18], [sflag:$0x6] =	stream.linear.gather [spmem:s5], $0xC40, $0x38;
	[tilespmem:$0x154C0] =	vst v63  }
0x114: {  	s1 =	sadd.s32 $0x1, s1;
	_ =	swait.ge [sflag:s19], $0xC40  }
0x115: {  	p0 =	sne.s32 s1, s17;
	[sflag:s19] =	ssyncset.done $0x0  }
.Ltmp6:
0x116: {  	[sflag:s19] =	ssyncadd.s32 $0xFFFFF3C0;
	(pc) =	sbr.rel @p0 .LBB2_1-.Ltmp6, $4  }
0x117: {  	[hbm4b:s16+s3] =	stream.linear.scatter [tilespmem:s18], [sflag:$0x6], $0xC40, $0x38;
	[tilespmem:$0x154C0] =	vst v63  }
0x118: {  	_ =	swait.ge [sflag:s19], $0xC40  }
0x119: {  	[sflag:s19] =	ssyncset.done $0x0  }
0x11a: {  	[sflag:s19] =	ssyncadd.s32 $0xFFFFF3C0  }
0x11b: {  	_ =	sfence.sel $0x180000  }
0x11c: {  	[bflag:$0x0] =	sbarrier.arrive $0xFFFF  }
0x11d: {  	_ =	strace $0x9000004A  }
0x11e: {  	s0 =	stileid.u32;
	[bflag:$0x2] =	sbarrier.arrive $0xFFFF  }
0x11f: {  	p0 =	sne.s32 s0, $0x0;
	s0 =	rddreg [dreg:$0x3]  }
0x120: {  	s0 =	sadd.s32 @!p0 $0x100000, s0  }
0x121: {  	[sflag:s0] =	ssyncadd.tile.s32 @!p0 $0x1;
	_ =	shalt  }
.Lfunc_end2:
_tile_overlayer_lowered:
.L_overlay_start_2:
0x122: {  	(tag) =	ssettag $0x2  }
0x123: {  	s0 =	rddreg [dreg:$0x0];
	s2 =	stileid.u32  }
0x124: {  	s1 =	rddreg [dreg:$0x1];
	p0 =	sne.s32 s2, $0x0  }
0x125: {  	s3 =	rddreg [dreg:$0x2];
	[bflag:$0x3] =	sbarrier.arrive $0xFFFF;
	s2 =	simm.s32 @!p0 $0x1C06  }
0x126: {  	[timem:s3], [sflag:s2] =	dma.local @!p0 [hbm:s0], s1  }
0x127: {  	s0 =	simm.s32 @!p0 $0x6  }
0x128: {  	_ =	swait.ge @!p0 [sflag:s0], s1  }
0x129: {  	s1 =	ssub.s32 @!p0 $0x0, s1;
	[sflag:s0] =	ssyncset.done @!p0 $0x0  }
0x12a: {  	[sflag:s0] =	ssyncadd.s32 @!p0 s1  }
0x12b: {  	[bflag:$0x3] =	sbarrier.arrive $0xFFFF  }
0x12c: {  	_ =	shalt  }

// kernel: kernel.14.cloned.1.call-start
scs
__scs_entry_jumppad:
0x0: {  	(pc) =	sbr.rel $0x88, $3  }
0x1: {  	(tag) =	ssettag $0x0;
	lr =	simm.s32 $0x1  }
0x2: {  	[smem:$0x3F9B] =	sst lr;
	_ =	strace $0xD0000000  }
0x3: {  	_ = 	snop  }
0x4: {  	_ = 	snop  }
0x5: {  	_ = 	snop  }
0x6: {  	_ = 	snop  }
0x7: {  	_ = 	snop  }
__scs_overlays_trampoline_lowered:
0x8: {  	[smem:$0x3FAA] =	sst s0  }
0x9: {  	[smem:$0x3FAB] =	sst s1  }
0xa: {  	[smem:$0x3FAC] =	sst s2  }
0xb: {  	[smem:$0x3FAD] =	sst s3  }
0xc: {  	[smem:$0x3FAE] =	sst s4  }
0xd: {  	[smem:$0x3FAF] =	sst s5  }
0xe: {  	[smem:$0x3FB0] =	sst s6  }
0xf: {  	[smem:$0x3FB1] =	sst s7  }
0x10: {  	[smem:$0x3FB2] =	sst s8  }
0x11: {  	[smem:$0x3FB3] =	sst s9;
	s0 =	simm.s32 @!p0 $0x0  }
0x12: {  	s1 =	sld [smem:$0x3F99];
	s0 =	simm.s32 @p0 $0x1  }
0x13: {  	[smem:$0x3FB4] =	sst s0;
	s0 =	simm.s32 @!p1 $0x0  }
0x14: {  	s2 =	sld [smem:$0x3F98];
	s0 =	simm.s32 @p1 $0x1  }
0x15: {  	[smem:$0x3FB5] =	sst s0;
	s0 =	simm.s32 @!p2 $0x0  }
0x16: {  	s3 =	sld [smem:$0x3FDB];
	s0 =	simm.s32 @p2 $0x1  }
0x17: {  	s4 =	simm.s32 $0x1BF5;
	[smem:$0x3FB7] =	sst s0  }
0x18: {  	s0 =	sld [smem:$0x3F9A];
	_ =	swait.ge [sflag:s4], $0x0  }
0x19: {  	s7 =	sld [smem:$0x3F9B]  }
0x1a: {  	s8 =	sadd.s32 $0xFFFFE003, lr  }
0x1b: {  	s9 =	sadd.s32 $0xFFFFFEF7, lr;
	s5 =	simm.s32 $0xFFFFFFFF;
	p2 =	slt.u32 s8, $0xFFFFF086  }
0x1c: {  	p1 =	slt.u32 s9, $0xF7A;
	s5 =	simm.s32 @!p2 $0x0  }
0x1d: {  	s5 =	simm.s32 @p1 $0x1;
	p0 =	seq.s32 s7, s2  }
0x1e: {  	s7 =	smul.u32 @!p0 $0xF7A, s2;
	p2 =	seq.s32 @!p0 s5, $0x0  }
0x1f: {  	s9 =	smul.u32 $0xF7A, s1;
	s8 =	simm.s32 @!p0 $0x1BF5;
	p2 =	por !p2, p0  }
0x20: {  	[sflag:s8] =	ssyncset.s32 @!p0 $0xFFFFF086;
	s6 =	sadd.s32 @!p0 s3, s7;
	s7 =	simm.s32 @!p0 $0x108  }
0x21: {  	s3 =	sadd.s32 s3, s9;
	s6 =	sadd.s32 @!p0 $0x88, s6;
	s7 =	simm.s32 @p2 $0x1082  }
0x22: {  	[simem:s7], [sflag:s8] =	dma.local @!p0 [hbm:s6], $0xF7A  }
0x23: {  	s9 =	sor.u32 $0xD0000000, s2;
	s6 =	simm.s32 $0x108;
	_ =	swait.ge @!p0 [sflag:s8], $0x0  }
0x24: {  	s3 =	sadd.s32 $0x88, s3;
	s6 =	simm.s32 @!p1 $0x1082;
	[sflag:s4] =	ssyncset.s32 $0xFFFFF086  }
0x25: {  	[simem:s6], [sflag:s4] =	dma.local [hbm:s3], $0xF7A  }
0x26: {  	[smem:$0x3F9B] =	sst s1;
	(tag) =	ssettag s2;
	_ =	strace s9  }
0x27: {  	s1 =	sld [smem:$0x3FAB]  }
0x28: {  	s2 =	sld [smem:$0x3FAC]  }
0x29: {  	s4 =	sld [smem:$0x3FAE]  }
0x2a: {  	p0 =	seq.s32 s5, $0x0;
	s5 =	sld [smem:$0x3FAF]  }
0x2b: {  	s6 =	sld [smem:$0x3FB0]  }
0x2c: {  	s7 =	sld [smem:$0x3FB1]  }
0x2d: {  	s3 =	simm.s32 $0x108;
	s8 =	sld [smem:$0x3FB2]  }
0x2e: {  	s3 =	simm.s32 @!p0 $0x1082;
	s9 =	sld [smem:$0x3FB3]  }
0x2f: {  	lr =	sadd.s32 s0, s3;
	s0 =	sld [smem:$0x3FAA]  }
0x30: {  	s3 =	sld [smem:$0x3FAD]  }
0x31: {  	[smem:$0x3FB6] =	sst s10  }
0x32: {  	s10 =	sld [smem:$0x3FB4];
	_ =	sdelay $0x3  }
0x33: {  	p0 =	seq.s32 s10, $0x1;
	s10 =	sld [smem:$0x3FB6];
	_ =	sdelay $0x3  }
0x34: {  	[smem:$0x3FB6] =	sst s10  }
0x35: {  	s10 =	sld [smem:$0x3FB5];
	_ =	sdelay $0x3  }
0x36: {  	p1 =	seq.s32 s10, $0x1;
	s10 =	sld [smem:$0x3FB6];
	_ =	sdelay $0x3  }
0x37: {  	[smem:$0x3FB6] =	sst s10  }
0x38: {  	s10 =	sld [smem:$0x3FB7]  }
0x39: {  	_ = 	snop;
	(pc) =	sbr.ind lr, $3  }
0x3a: {  	_ = 	snop  }
0x3b: {  	_ = 	snop  }
0x3c: {  	p2 =	seq.s32 s10, $0x1;
	s10 =	sld [smem:$0x3FB6]  }
0x3d: {  	_ =	shalt  }
0x3e: {  	_ =	shalt  }
0x3f: {  	_ =	shalt  }
0x40: {  	_ =	shalt  }
0x41: {  	_ =	shalt  }
0x42: {  	_ =	shalt  }
0x43: {  	_ =	shalt  }
0x44: {  	_ =	shalt  }
0x45: {  	_ =	shalt  }
0x46: {  	_ =	shalt  }
0x47: {  	_ =	shalt  }
0x48: {  	_ =	shalt  }
0x49: {  	_ =	shalt  }
0x4a: {  	_ =	shalt  }
0x4b: {  	_ =	shalt  }
0x4c: {  	_ =	shalt  }
0x4d: {  	_ =	shalt  }
0x4e: {  	_ =	shalt  }
0x4f: {  	_ =	shalt  }
0x50: {  	_ =	shalt  }
0x51: {  	_ =	shalt  }
0x52: {  	_ =	shalt  }
0x53: {  	_ =	shalt  }
0x54: {  	_ =	shalt  }
0x55: {  	_ =	shalt  }
0x56: {  	_ =	shalt  }
0x57: {  	_ =	shalt  }
0x58: {  	_ =	shalt  }
0x59: {  	_ =	shalt  }
0x5a: {  	_ =	shalt  }
0x5b: {  	_ =	shalt  }
0x5c: {  	_ =	shalt  }
0x5d: {  	_ =	shalt  }
0x5e: {  	_ =	shalt  }
0x5f: {  	_ =	shalt  }
0x60: {  	_ =	shalt  }
0x61: {  	_ =	shalt  }
0x62: {  	_ =	shalt  }
0x63: {  	_ =	shalt  }
0x64: {  	_ =	shalt  }
0x65: {  	_ =	shalt  }
0x66: {  	_ =	shalt  }
0x67: {  	_ =	shalt  }
0x68: {  	_ =	shalt  }
0x69: {  	_ =	shalt  }
0x6a: {  	_ =	shalt  }
0x6b: {  	_ =	shalt  }
0x6c: {  	_ =	shalt  }
0x6d: {  	_ =	shalt  }
0x6e: {  	_ =	shalt  }
0x6f: {  	_ =	shalt  }
0x70: {  	_ =	shalt  }
0x71: {  	_ =	shalt  }
0x72: {  	_ =	shalt  }
0x73: {  	_ =	shalt  }
0x74: {  	_ =	shalt  }
0x75: {  	_ =	shalt  }
0x76: {  	_ =	shalt  }
0x77: {  	_ =	shalt  }
0x78: {  	_ =	shalt  }
0x79: {  	_ =	shalt  }
0x7a: {  	_ =	shalt  }
0x7b: {  	_ =	shalt  }
0x7c: {  	_ =	shalt  }
0x7d: {  	_ =	shalt  }
0x7e: {  	_ =	shalt  }
0x7f: {  	_ =	shalt  }
0x80: {  	_ =	shalt  }
0x81: {  	_ =	shalt  }
0x82: {  	_ =	shalt  }
0x83: {  	_ =	shalt  }
0x84: {  	_ =	shalt  }
0x85: {  	_ =	shalt  }
0x86: {  	_ =	shalt  }
0x87: {  	_ =	shalt  }
.Lfunc_end0:
.L_simem_size_0:
called_computation.2_lowered:
.L_overlay_start_0:
0x88: {  	s2 =	sld [smem:$0x3FD9]  }
0x89: {  	s3 =	sld [smem:$0x3FFE];
	_ =	sdelay $0x1  }
0x8a: {  	s1 =	srdreg.scid  }
0x8b: {  	s0 =	sand.u32 $0x1, s1  }
0x8c: {  	s17 =	sshll.u32 s0, $0xA;
	s2 =	sadd.s32 s3, s2  }
0x8d: {  	s2 =	sadd.s32 s2, s17  }
0x8e: {  	[smem:$0x3FC2] =	sst s2  }
0x8f: {  	_ = 	snop  }
0x90: {  	s2 =	sld [smem:$0x3FD0];
	(tm) =	ssettm $0x1  }
0x91: {  	s18 =	sld [smem:$0x3FFB];
	_ =	sdelay $0x3  }
0x92: {  	_ =	strace s18  }
0x93: {  	s3 =	sld [smem:$0x3FFC];
	_ =	sdelay $0x3  }
0x94: {  	_ =	strace s3  }
0x95: {  	s3 =	sld [smem:$0x3FFD];
	_ =	sdelay $0x3  }
0x96: {  	_ =	strace s3  }
0x97: {  	_ =	strace $0x8FFFFFFF  }
0x98: {  	s19 =	sld [smem:$0x3FDB];
	_ =	sdelay $0x1  }
0x99: {  	s4 =	simm.s32 $_scs_section_size  }
0x9a: {  	s5 =	simm.s32 $_size__tile_overlayer_lowered;
	s6 =	simm.s32 $_tile_overlayer_lowered  }
0x9b: {  	s22 =	simm.s32 $0x1BFF;
	s21 =	sshll.u32 s6, $0x1;
	s3 =	sadd.s32 s4, s19  }
0x9c: {  	s7 =	simm.s32 $0x0;
	s20 =	sshll.u32 s5, $0x1;
	s5 =	sadd.s32 s21, s3  }
0x9d: {  	[timem:s7], [sflag:s22] =	dma.local [hbm:s5], s20  }
0x9e: {  	_ =	swait.ge [sflag:s22], s20  }
0x9f: {  	s4 =	ssub.s32 $0x0, s20;
	[sflag:s22] =	ssyncset.done $0x0  }
0xa0: {  	[sflag:s22] =	ssyncadd.s32 s4;
	_ =	sdelay $0x1  }
0xa1: {  	s23 =	simm.s32 $0x1B8B  }
0xa2: {  	_ =	swait.ge [sflag:s23], $0x1  }
0xa3: {  	[sflag:s23] =	ssyncset.done $0x0  }
0xa4: {  	s25 =	simm.s32 $0x1B8E;
	s24 =	sld [smem:$0x3FFE];
	[sflag:s23] =	ssyncadd.s32 $0xFFFFFFFF  }
0xa5: {  	s26 =	simm.s32 $execute0_lowered;
	[smem:$0x3FD2] =	sst s25  }
0xa6: {  	s5 =	sshll.u32 s26, $0x1;
	_ =	strace $0x8000004C;
	[dreg:$0x1] =	wrdreg $0xFFFFFFFF  }
0xa7: {  	s28 =	simm.s32 $_size_execute0_lowered;
	s3 =	sadd.s32 s3, s5;
	[dreg:$0x0] =	wrdreg $0x0  }
0xa8: {  	s5 =	sshll.u32 s28, $0x1;
	[dreg:$0x2] =	wrdreg s3  }
0xa9: {  	[dreg:$0x3] =	wrdreg s5  }
0xaa: {  	[dreg:$0x4] =	wrdreg $0xC0  }
0xab: {  	_ =	task [dreg:s7], $0x5FFFF  }
0xac: {  	[dreg:$0x1] =	wrdreg $0xFFFFFFFF  }
0xad: {  	[dreg:$0x0] =	wrdreg $0x60  }
0xae: {  	[dreg:$0x2] =	wrdreg s2  }
0xaf: {  	[dreg:$0x3] =	wrdreg s24  }
0xb0: {  	[dreg:$0x4] =	wrdreg $0x170800  }
0xb1: {  	[dreg:$0x5] =	wrdreg $0x17CC00  }
0xb2: {  	[dreg:$0x6] =	wrdreg $0x9  }
0xb3: {  	_ =	task.clear_ibuf [dreg:s7], $0x7FFFF;
	_ =	strace $0x9000004C  }
0xb4: {  	s29 =	simm.s32 $0x9;
	_ =	strace $0x8000004E  }
0xb5: {  	_ =	swait.ge [sflag:s29], $0x1  }
0xb6: {  	[sflag:s29] =	ssyncadd.s32 $0xFFFFFFFF  }
0xb7: {  	_ =	strace $0x9000004E  }
0xb8: {  	_ =	sfence  }
0xb9: {  	s30 =	sld [smem:$0x0];
	_ =	sdelay $0x2  }
0xba: {  	s31 =	sshll.u32 s1, $0xD;
	s1 =	sshrl.u32 s1, $0x2  }
0xbb: {  	s3 =	sand.u32 $0x4000, s31;
	s1 =	sadd.s32 s1, s30  }
0xbc: {  	s0 =	sor.u32 s3, s0;
	s1 =	sshll.u32 s1, $0x11  }
0xbd: {  	s0 =	sor.u32 s1, s0  }
0xbe: {  	s0 =	sadd.s32 $0x8F2B, s0  }
0xbf: {  	[sflag:s0] =	ssyncadd.remote.s32 $0x1  }
0xc0: {  	_ =	sfence.sel $0xFFFF  }
0xc1: {  	[dreg:$0x0] =	wrdreg $0xFFFFFFFF;
	(pc) =	sbr.abs _section_cstart, $3  }
0xc2: {  	[dreg:$0x1] =	wrdreg $0xFFFFFFFF  }
0xc3: {  	_ =	task.clear_ibuf [dreg:s7], $0x2FFFF;
	_ =	strace $0x9FFFFFFF  }
0xc4: {  	(tm) =	ssettm $0x7FFFFFFF  }
0xc5: {  	_ =	shalt  }
tec
execute0_lowered:
.L_overlay_start_1:
0x0: {  	(tag) =	ssettag $0x1  }
0x1: {  	s0 =	rddreg [dreg:$0x0]  }
0x2: {  	s1 =	rddreg [dreg:$0x1]  }
0x3: {  	s2 =	rddreg [dreg:$0x2]  }
0x4: {  	s3 =	rddreg [dreg:$0x3]  }
0x5: {  	s5 =	srdreg.scid;
	s8 =	stileid.u32;
	s4 =	simm.s32 $0x0  }
0x6: {  	s29 =	simm.s32 $0x10000;
	s30 =	simm.s32 $0x1400;
	s31 =	simm.s32 $0x11400  }
0x7: {  	s5 =	sand.u32 $0x1, s5;
	s7 =	smul.u32 $0xC40, s8;
	[smem:$0x7FF] =	sst s4  }
0x8: {  	s8 =	sshll.u32 s8, $0x1;
	s9 =	sadd.s32 $0x5400, s1;
	s6 =	smul.u32 $0xC400, s5  }
0x9: {  	s10 =	sadd.s32 $0x2200, s1;
	_ =	strace $0x8000004D;
	s8 =	sor.u32 s5, s8  }
0xa: {  	s5 =	ssub.s32 $0x2, s5;
	s8 =	smul.u32 $0x61A8, s8;
	s6 =	sadd.s32 s7, s6  }
0xb: {  	[dreg:$0x5] =	wrdreg s10;
	s17 =	sshrl.u32 s5, $0x1;
	s6 =	sshrl.u32 s6, $0x3  }
0xc: {  	s5 =	ssub.s32 s5, s17;
	s8 =	sshrl.u32 s8, $0x3;
	s1 =	sadd.s32 s6, s1  }
0xd: {  	s6 =	sadd.s32 s7, s2;
	s7 =	sadd.s32 s7, s3;
	s18 =	sadd.s32 s0, s8  }
0xe: {  	s19 =	sadd.s32 s9, s8;
	s20 =	sadd.s32 $0x280, s8;
	[dreg:$0x6] =	wrdreg s18  }
0xf: {  	s11 =	sadd.s32 $0x500, s8;
	[dreg:$0x7] =	wrdreg s19;
	s12 =	sadd.s32 s0, s20  }
0x10: {  	s23 =	sadd.s32 $0x780, s8;
	s10 =	sadd.s32 s9, s20;
	[dreg:$0x8] =	wrdreg s12  }
0x11: {  	s8 =	sadd.s32 $0xA00, s8;
	s21 =	sadd.s32 s0, s11;
	[dreg:$0x9] =	wrdreg s10  }
0x12: {  	s22 =	sadd.s32 s9, s11;
	s24 =	sadd.s32 s0, s23;
	[dreg:$0xa] =	wrdreg s21  }
0x13: {  	s0 =	sadd.s32 s0, s8;
	s25 =	sadd.s32 s9, s8;
	[dreg:$0xb] =	wrdreg s22  }
0x14: {  	s26 =	sadd.s32 $0x1DC00, s1;
	s28 =	sadd.s32 $0x20D00, s1;
	[dreg:$0xc] =	wrdreg s24  }
0x15: {  	s20 =	smax.u32 s5, $0x1;
	s18 =	simm.s32 $0xD800;
	[dreg:$0xe] =	wrdreg s0  }
0x16: {  	s1 =	simm.s32 $0x2;
	s5 =	simm.s32 $0x3;
	[dreg:$0xf] =	wrdreg s25  }
0x17: {  	s8 =	simm.s32 $0x12800;
	s11 =	simm.s32 $0x0;
	[dreg:$0x10] =	wrdreg s26  }
0x18: {  	v0 =	vlaneseq.u32;
	s10 =	sadd.s32 s9, s23;
	[dreg:$0x11] =	wrdreg s28;
	s21 =	simm.s32 $0x16400  }
0x19: {  	v1 =	vmul.u32 $0xFFFFFFFF, v0;
	s22 =	simm.s32 $0x6;
	s23 =	simm.s32 $0xC400;
	s24 =	simm.s32 $0xEC00  }
0x1a: {  	s25 =	simm.s32 $0x5;
	s26 =	simm.s32 $0x1;
	s0 =	simm.s32 $0x13C00  }
0x1b: {  	v0 =	vimm.f32 $0.0e+00;
	v1 =	vadd.s32 $0x11A8, v1;
	s9 =	simm.s32 $0x15000;
	[dreg:$0xd] =	wrdreg s10;
	s10 =	simm.s32 $0x4  }
.LBB2_1:
0x1c: {  	s12 =	rddreg [dreg:$0x5]  }
0x1d: {  	[tilespmem:s4], [sflag:$0x5] =	stream.linear.gather [hbm4b:s12+s4], $0xC400, $0x38;
	[tilespmem:$0x18900] =	vst v63  }
0x1e: {  	s12 =	simm.s32 $0x16420  }
0x1f: {  	[tilespmem:s12+$0xFFFFFFE0] =	vst v0  }
0x20: {  	[tilespmem:s12+$0x10] =	vst v0  }
0x21: {  	s13 =	simm.s32 $0x0;
	[tilespmem:s12+$0x0] =	vst v0  }
.LBB2_2:
0x22: {  	s13 =	sadd.s32 $0x40, s13  }
0x23: {  	[tilespmem:s12+$0xFFFFFFF0] =	vst v0;
	s12 =	sadd.s32 $0x40, s12;
	p0 =	slt.u32 s13, $0xC00  }
.Ltmp0:
0x24: {  	[tilespmem:s12+$0xFFFFFFE0] =	vst v0;
	(pc) =	sbr.rel @p0 .LBB2_2-.Ltmp0, $3  }
0x25: {  	_ =	sdelay $0x1  }
0x26: {  	[tilespmem:s12+$0x10] =	vst v0  }
0x27: {  	[tilespmem:s12+$0x0] =	vst v0  }
0x28: {  	[tilespmem:s12+$0xFFFFFFF0] =	vst v0  }
0x29: {  	[spmem:s6] =	stream.linear.scatter [tilespmem:s21], [sflag:$0x6], $0xC40, $0x38;
	[tilespmem:$0x18900] =	vst v63  }
0x2a: {  	_ =	swait.ge [sflag:s22], $0xC40  }
0x2b: {  	[sflag:s22] =	ssyncset.done $0x0  }
0x2c: {  	[sflag:s22] =	ssyncadd.s32 $0xFFFFF3C0  }
0x2d: {  	[spmem:s7] =	stream.linear.scatter [tilespmem:s21], [sflag:$0x6], $0xC40, $0x38;
	[tilespmem:$0x18900] =	vst v63  }
0x2e: {  	_ =	swait.ge [sflag:s22], $0xC40  }
0x2f: {  	[sflag:s22] =	ssyncset.done $0x0  }
0x30: {  	s14 =	rddreg [dreg:$0x6];
	[sflag:s22] =	ssyncadd.s32 $0xFFFFF3C0  }
0x31: {  	[tilespmem:s23], [sflag:$0x1] =	stream.linear.gather [hbm4b:s14+s4], $0x1400, $0x38;
	[tilespmem:$0x18900] =	vst v63  }
0x32: {  	s15 =	rddreg [dreg:$0x7]  }
0x33: {  	[tilespmem:s24], [sflag:$0x1] =	stream.linear.gather [hbm4b:s15+s4], $0x1400, $0x38;
	[tilespmem:$0x18900] =	vst v63  }
0x34: {  	_ =	swait.ge [sflag:s25], $0xC400  }
0x35: {  	[sflag:s25] =	ssyncset.done $0x0  }
0x36: {  	[sflag:s25] =	ssyncadd.s32 $0xFFFF3C00  }
0x37: {  	[bflag:$0x0] =	sbarrier.arrive $0xFFFF  }
0x38: {  	_ =	swait.ge [sflag:s26], $0x1400  }
0x39: {  	[sflag:s26] =	ssyncset.done $0x0  }
0x3a: {  	[sflag:s26] =	ssyncadd.s32 $0xFFFFEC00  }
0x3b: {  	_ =	swait.ge [sflag:s26], $0x1400  }
0x3c: {  	[sflag:s26] =	ssyncset.done $0x0  }
0x3d: {  	s16 =	rddreg [dreg:$0x8];
	[sflag:s26] =	ssyncadd.s32 $0xFFFFEC00  }
0x3e: {  	[tilespmem:s18], [sflag:$0x2] =	stream.linear.gather [hbm4b:s16+s4], $0x1400, $0x38;
	[tilespmem:$0x18900] =	vst v63  }
0x3f: {  	s19 =	simm.s32 $0xC420;
	s17 =	rddreg [dreg:$0x9]  }
0x40: {  	[tilespmem:s29], [sflag:$0x2] =	stream.linear.gather [hbm4b:s17+s4], $0x1400, $0x38;
	[tilespmem:$0x18900] =	vst v63  }
0x41: {  	v2 =	vld [tilespmem:s19+$0x10]  }
0x42: {  	s13 =	simm.s32 $0xC460;
	v4 =	vld [tilespmem:s19+$0xFFFFFFF0]  }
0x43: {  	v5 =	vld [tilespmem:s13+$0x10];
	_ =	sdelay $0x2  }
0x44: {  	v3 =	vld [tilespmem:s19+$0xFFFFFFE0]  }
0x45: {  	v6 =	vld [tilespmem:s19+$0x0]  }
0x46: {  	v8 =	vld [tilespmem:s13+$0xFFFFFFE0]  }
0x47: {  	v2 =	vld.idx.msk [tilespmem:v2+s4+$0x0], $0xffff  }
0x48: {  	v4 =	vld.idx.msk [tilespmem:v4+s4+$0x0], $0xffff  }
0x49: {  	v5 =	vld.idx.msk [tilespmem:v5+s4+$0x0], $0xffff  }
0x4a: {  	v10 =	vld [tilespmem:s13+$0x0]  }
0x4b: {  	v9 =	vld [tilespmem:s13+$0xFFFFFFF0]  }
0x4c: {  	s28 =	simm.s32 $0xC4A0;
	s15 =	simm.s32 $0x11420;
	v7 =	vld.idx.msk [tilespmem:v3+s4+$0x0], $0xffff;
	v3 =	vmax.f32 v2, $0.0e+00  }
0x4d: {  	v11 =	vld [tilespmem:s28+$0x10];
	v13 =	vmax.f32 v4, $0.0e+00;
	[tilespmem:s15+$0x10] =	vst v3  }
0x4e: {  	s14 =	simm.s32 $0x11460;
	v12 =	vld.idx.msk [tilespmem:v6+s4+$0x0], $0xffff;
	v62 =	vmax.f32 v5, $0.0e+00;
	[tilespmem:s15+$0xFFFFFFF0] =	vst v13  }
0x4f: {  	s12 =	simm.s32 $0x13C20;
	v8 =	vld.idx.msk [tilespmem:v8+s4+$0x0], $0xffff;
	v2 =	vmin.f32 v2, $0.0e+00;
	[tilespmem:s14+$0x10] =	vst v62  }
0x50: {  	v4 =	vmin.f32 v4, $0.0e+00;
	v3 =	vld [tilespmem:s28+$0xFFFFFFF0];
	[tilespmem:s12+$0x10] =	vst v2  }
0x51: {  	v6 =	vmin.f32 v7, $0.0e+00;
	v2 =	vmax.f32 v7, $0.0e+00;
	v7 =	vld [tilespmem:s28+$0xFFFFFFE0];
	[tilespmem:s12+$0xFFFFFFF0] =	vst v4  }
0x52: {  	v4 =	vld.idx.msk [tilespmem:v10+s4+$0x0], $0xffff;
	[tilespmem:s15+$0xFFFFFFE0] =	vst v2  }
0x53: {  	v63 =	vmax.f32 v12, $0.0e+00;
	[tilespmem:s12+$0xFFFFFFE0] =	vst v6;
	v6 =	vld.idx.msk [tilespmem:v9+s4+$0x0], $0xffff  }
0x54: {  	s13 =	simm.s32 $0x13C60;
	v5 =	vmin.f32 v5, $0.0e+00;
	[tilespmem:s15+$0x0] =	vst v63;
	v2 =	vld [tilespmem:s28+$0x0]  }
0x55: {  	s16 =	simm.s32 $0x80;
	s17 =	simm.s32 $0xC4E0;
	[tilespmem:s13+$0x10] =	vst v5;
	v5 =	vld.idx.msk [tilespmem:v11+s4+$0x0], $0xffff;
	s15 =	simm.s32 $0x11460;
	v9 =	vmin.f32 v12, $0.0e+00  }
.LBB2_4:
0x56: {  	v10 =	vld [tilespmem:s17+$0x10];
	[tilespmem:s12+$0x0] =	vst v9;
	s12 =	smov.u32 s13  }
0x57: {  	s16 =	sadd.s32 $0x40, s16;
	v9 =	vmax.f32 v8, $0.0e+00;
	v8 =	vmin.f32 v8, $0.0e+00;
	v11 =	vld [tilespmem:s17+$0xFFFFFFF0]  }
0x58: {  	p0 =	slt.u32 s16, $0x13C0;
	v13 =	vmax.f32 v6, $0.0e+00;
	v14 =	vmin.f32 v6, $0.0e+00;
	v12 =	vld [tilespmem:s17+$0x0];
	[tilespmem:s14+$0xFFFFFFE0] =	vst v9  }
0x59: {  	v16 =	vmax.f32 v4, $0.0e+00;
	v9 =	vmin.f32 v4, $0.0e+00;
	v15 =	vld [tilespmem:s17+$0xFFFFFFE0];
	[tilespmem:s13+$0xFFFFFFE0] =	vst v8  }
.Ltmp1:
0x5a: {  	v8 =	vld.idx.msk [tilespmem:v7+s4+$0x0], $0xffff;
	[tilespmem:s14+$0xFFFFFFF0] =	vst v13;
	(pc) =	sbr.rel @p0 .LBB2_4-.Ltmp1, $4  }
0x5b: {  	v7 =	vmax.f32 v5, $0.0e+00;
	s14 =	sadd.s32 $0x40, s14;
	v6 =	vld.idx.msk [tilespmem:v3+s4+$0x0], $0xffff;
	[tilespmem:s13+$0xFFFFFFF0] =	vst v14  }
0x5c: {  	v5 =	vmin.f32 v5, $0.0e+00;
	s13 =	sadd.s32 $0x40, s13;
	v4 =	vld.idx.msk [tilespmem:v2+s4+$0x0], $0xffff;
	[tilespmem:s14+$0x10] =	vst v7;
	v3 =	vmov v11  }
0x5d: {  	[tilespmem:s13+$0x10] =	vst v5;
	v2 =	vmov v12  }
0x5e: {  	s17 =	sadd.s32 $0x40, s17;
	v5 =	vld.idx.msk [tilespmem:v10+s4+$0x0], $0xffff;
	[tilespmem:s15+$0x0] =	vst v16;
	v7 =	vmov v15;
	s15 =	smov.u32 s14  }
0x5f: {  	_ = 	snop  }
0x60: {  	[tilespmem:s12+$0x0] =	vst v9;
	v9 =	vmax.f32 v8, $0.0e+00  }
0x61: {  	v8 =	vmin.f32 v8, $0.0e+00;
	[tilespmem:s14+$0xFFFFFFE0] =	vst v9  }
0x62: {  	v9 =	vmax.f32 v6, $0.0e+00;
	[tilespmem:s13+$0xFFFFFFE0] =	vst v8  }
0x63: {  	v7 =	vld.idx.msk [tilespmem:v7+s4+$0x0], $0xffff;
	v6 =	vmin.f32 v6, $0.0e+00;
	[tilespmem:s14+$0xFFFFFFF0] =	vst v9  }
0x64: {  	[tilespmem:s13+$0xFFFFFFF0] =	vst v6;
	v6 =	vmax.f32 v4, $0.0e+00  }
0x65: {  	s19 =	sadd.s32 $0x40, s14;
	v3 =	vld.idx.msk [tilespmem:v3+s4+$0x0], $0xffff;
	v8 =	vmax.f32 v5, $0.0e+00;
	[tilespmem:s15+$0x0] =	vst v6  }
0x66: {  	v4 =	vmin.f32 v4, $0.0e+00;
	[tilespmem:s19+$0x10] =	vst v8  }
0x67: {  	s28 =	sadd.s32 $0x40, s13;
	v2 =	vld.idx.msk [tilespmem:v2+s4+$0x0], $0xffff;
	v5 =	vmin.f32 v5, $0.0e+00;
	[tilespmem:s13+$0x0] =	vst v4  }
0x68: {  	v4 =	vmax.f32 v7, $0.0e+00;
	[tilespmem:s28+$0x10] =	vst v5  }
0x69: {  	v5 =	vmin.f32 v7, $0.0e+00;
	[tilespmem:s19+$0xFFFFFFE0] =	vst v4  }
0x6a: {  	v4 =	vmax.f32 v3, $0.0e+00;
	[tilespmem:s28+$0xFFFFFFE0] =	vst v5  }
0x6b: {  	v3 =	vmin.f32 v3, $0.0e+00;
	[tilespmem:s19+$0xFFFFFFF0] =	vst v4  }
0x6c: {  	v4 =	vmax.f32 v2, $0.0e+00;
	[tilespmem:s28+$0xFFFFFFF0] =	vst v3  }
0x6d: {  	v2 =	vmin.f32 v2, $0.0e+00;
	[tilespmem:s19+$0x0] =	vst v4  }
0x6e: {  	[tilespmem:s28+$0x0] =	vst v2  }
0x6f: {  	[spmem:s2] =	stream.indirect.scatter.add.f32 [tilespmem:s31], [sflag:$0x3], $0x1, s24, s30, $0xb8;
	[tilespmem:$0x18900] =	vst v63  }
0x70: {  	_ = 	snop  }
0x71: {  	[spmem:s3] =	stream.indirect.scatter.add.f32 [tilespmem:s0], [sflag:$0x3], $0x1, s24, s30, $0xb8;
	[tilespmem:$0x18900] =	vst v63  }
0x72: {  	_ =	swait.ge [sflag:s1], $0x1400  }
0x73: {  	[sflag:s1] =	ssyncset.done $0x0  }
0x74: {  	[sflag:s1] =	ssyncadd.s32 $0xFFFFEC00  }
0x75: {  	_ =	swait.ge [sflag:s1], $0x1400  }
0x76: {  	[sflag:s1] =	ssyncset.done $0x0  }
0x77: {  	[sflag:s1] =	ssyncadd.s32 $0xFFFFEC00  }
0x78: {  	_ =	swait.ge [sflag:s5], $0x1400  }
0x79: {  	[sflag:s5] =	ssyncset.done $0x0  }
0x7a: {  	[sflag:s5] =	ssyncadd.s32 $0xFFFFEC00  }
0x7b: {  	_ =	swait.ge [sflag:s5], $0x1400  }
0x7c: {  	[sflag:s5] =	ssyncset.done $0x0  }
0x7d: {  	s14 =	rddreg [dreg:$0xa];
	[sflag:s5] =	ssyncadd.s32 $0xFFFFEC00  }
0x7e: {  	[tilespmem:s23], [sflag:$0x1] =	stream.linear.gather [hbm4b:s14+s4], $0x1400, $0x38;
	[tilespmem:$0x18900] =	vst v63  }
0x7f: {  	s16 =	simm.s32 $0xD820;
	s15 =	rddreg [dreg:$0xb]  }
0x80: {  	[tilespmem:s24], [sflag:$0x1] =	stream.linear.gather [hbm4b:s15+s4], $0x1400, $0x38;
	[tilespmem:$0x18900] =	vst v63  }
0x81: {  	v2 =	vld [tilespmem:s16+$0x10]  }
0x82: {  	s17 =	simm.s32 $0xD860;
	v4 =	vld [tilespmem:s16+$0xFFFFFFF0]  }
0x83: {  	v5 =	vld [tilespmem:s17+$0x10];
	_ =	sdelay $0x2  }
0x84: {  	v3 =	vld [tilespmem:s16+$0xFFFFFFE0]  }
0x85: {  	v6 =	vld [tilespmem:s16+$0x0]  }
0x86: {  	v8 =	vld [tilespmem:s17+$0xFFFFFFE0]  }
0x87: {  	v2 =	vld.idx.msk [tilespmem:v2+s4+$0x0], $0xffff  }
0x88: {  	v4 =	vld.idx.msk [tilespmem:v4+s4+$0x0], $0xffff  }
0x89: {  	v5 =	vld.idx.msk [tilespmem:v5+s4+$0x0], $0xffff  }
0x8a: {  	v10 =	vld [tilespmem:s17+$0x0]  }
0x8b: {  	v9 =	vld [tilespmem:s17+$0xFFFFFFF0]  }
0x8c: {  	s19 =	simm.s32 $0x12820;
	s28 =	simm.s32 $0xD8A0;
	v7 =	vld.idx.msk [tilespmem:v3+s4+$0x0], $0xffff;
	v3 =	vmax.f32 v2, $0.0e+00  }
0x8d: {  	v11 =	vld [tilespmem:s28+$0x10];
	v13 =	vmax.f32 v4, $0.0e+00;
	[tilespmem:s19+$0x10] =	vst v3  }
0x8e: {  	s14 =	simm.s32 $0x12860;
	v12 =	vld.idx.msk [tilespmem:v6+s4+$0x0], $0xffff;
	v62 =	vmax.f32 v5, $0.0e+00;
	[tilespmem:s19+$0xFFFFFFF0] =	vst v13  }
0x8f: {  	s12 =	simm.s32 $0x15020;
	v8 =	vld.idx.msk [tilespmem:v8+s4+$0x0], $0xffff;
	v2 =	vmin.f32 v2, $0.0e+00;
	[tilespmem:s14+$0x10] =	vst v62  }
0x90: {  	v4 =	vmin.f32 v4, $0.0e+00;
	v3 =	vld [tilespmem:s28+$0xFFFFFFF0];
	[tilespmem:s12+$0x10] =	vst v2  }
0x91: {  	v6 =	vmin.f32 v7, $0.0e+00;
	v2 =	vmax.f32 v7, $0.0e+00;
	v7 =	vld [tilespmem:s28+$0xFFFFFFE0];
	[tilespmem:s12+$0xFFFFFFF0] =	vst v4  }
0x92: {  	v4 =	vld.idx.msk [tilespmem:v10+s4+$0x0], $0xffff;
	[tilespmem:s19+$0xFFFFFFE0] =	vst v2  }
0x93: {  	v63 =	vmax.f32 v12, $0.0e+00;
	[tilespmem:s12+$0xFFFFFFE0] =	vst v6;
	v6 =	vld.idx.msk [tilespmem:v9+s4+$0x0], $0xffff  }
0x94: {  	s13 =	simm.s32 $0x15060;
	v5 =	vmin.f32 v5, $0.0e+00;
	[tilespmem:s19+$0x0] =	vst v63;
	v2 =	vld [tilespmem:s28+$0x0]  }
0x95: {  	s15 =	simm.s32 $0x12860;
	s16 =	simm.s32 $0x80;
	s17 =	simm.s32 $0xD8E0;
	[tilespmem:s13+$0x10] =	vst v5;
	v5 =	vld.idx.msk [tilespmem:v11+s4+$0x0], $0xffff;
	v9 =	vmin.f32 v12, $0.0e+00  }
.LBB2_6:
0x96: {  	v10 =	vld [tilespmem:s17+$0x10];
	[tilespmem:s12+$0x0] =	vst v9;
	s12 =	smov.u32 s13  }
0x97: {  	s16 =	sadd.s32 $0x40, s16;
	v9 =	vmax.f32 v8, $0.0e+00;
	v8 =	vmin.f32 v8, $0.0e+00;
	v11 =	vld [tilespmem:s17+$0xFFFFFFF0]  }
0x98: {  	p0 =	slt.u32 s16, $0x13C0;
	v13 =	vmax.f32 v6, $0.0e+00;
	v14 =	vmin.f32 v6, $0.0e+00;
	v12 =	vld [tilespmem:s17+$0x0];
	[tilespmem:s14+$0xFFFFFFE0] =	vst v9  }
0x99: {  	v16 =	vmax.f32 v4, $0.0e+00;
	v9 =	vmin.f32 v4, $0.0e+00;
	v15 =	vld [tilespmem:s17+$0xFFFFFFE0];
	[tilespmem:s13+$0xFFFFFFE0] =	vst v8  }
.Ltmp2:
0x9a: {  	v8 =	vld.idx.msk [tilespmem:v7+s4+$0x0], $0xffff;
	[tilespmem:s14+$0xFFFFFFF0] =	vst v13;
	(pc) =	sbr.rel @p0 .LBB2_6-.Ltmp2, $4  }
0x9b: {  	v7 =	vmax.f32 v5, $0.0e+00;
	s14 =	sadd.s32 $0x40, s14;
	v6 =	vld.idx.msk [tilespmem:v3+s4+$0x0], $0xffff;
	[tilespmem:s13+$0xFFFFFFF0] =	vst v14  }
0x9c: {  	v5 =	vmin.f32 v5, $0.0e+00;
	s13 =	sadd.s32 $0x40, s13;
	v4 =	vld.idx.msk [tilespmem:v2+s4+$0x0], $0xffff;
	[tilespmem:s14+$0x10] =	vst v7;
	v3 =	vmov v11  }
0x9d: {  	[tilespmem:s13+$0x10] =	vst v5;
	v2 =	vmov v12  }
0x9e: {  	s17 =	sadd.s32 $0x40, s17;
	v5 =	vld.idx.msk [tilespmem:v10+s4+$0x0], $0xffff;
	[tilespmem:s15+$0x0] =	vst v16;
	v7 =	vmov v15;
	s15 =	smov.u32 s14  }
0x9f: {  	_ = 	snop  }
0xa0: {  	[tilespmem:s12+$0x0] =	vst v9;
	v9 =	vmax.f32 v8, $0.0e+00  }
0xa1: {  	v8 =	vmin.f32 v8, $0.0e+00;
	[tilespmem:s14+$0xFFFFFFE0] =	vst v9  }
0xa2: {  	v9 =	vmax.f32 v6, $0.0e+00;
	[tilespmem:s13+$0xFFFFFFE0] =	vst v8  }
0xa3: {  	v7 =	vld.idx.msk [tilespmem:v7+s4+$0x0], $0xffff;
	v6 =	vmin.f32 v6, $0.0e+00;
	[tilespmem:s14+$0xFFFFFFF0] =	vst v9  }
0xa4: {  	[tilespmem:s13+$0xFFFFFFF0] =	vst v6;
	v6 =	vmax.f32 v4, $0.0e+00  }
0xa5: {  	s19 =	sadd.s32 $0x40, s14;
	v3 =	vld.idx.msk [tilespmem:v3+s4+$0x0], $0xffff;
	v8 =	vmax.f32 v5, $0.0e+00;
	[tilespmem:s15+$0x0] =	vst v6  }
0xa6: {  	v4 =	vmin.f32 v4, $0.0e+00;
	[tilespmem:s19+$0x10] =	vst v8  }
0xa7: {  	s28 =	sadd.s32 $0x40, s13;
	v2 =	vld.idx.msk [tilespmem:v2+s4+$0x0], $0xffff;
	v5 =	vmin.f32 v5, $0.0e+00;
	[tilespmem:s13+$0x0] =	vst v4  }
0xa8: {  	v4 =	vmax.f32 v7, $0.0e+00;
	[tilespmem:s28+$0x10] =	vst v5  }
0xa9: {  	v5 =	vmin.f32 v7, $0.0e+00;
	[tilespmem:s19+$0xFFFFFFE0] =	vst v4  }
0xaa: {  	v4 =	vmax.f32 v3, $0.0e+00;
	[tilespmem:s28+$0xFFFFFFE0] =	vst v5  }
0xab: {  	v3 =	vmin.f32 v3, $0.0e+00;
	[tilespmem:s19+$0xFFFFFFF0] =	vst v4  }
0xac: {  	v4 =	vmax.f32 v2, $0.0e+00;
	[tilespmem:s28+$0xFFFFFFF0] =	vst v3  }
0xad: {  	v2 =	vmin.f32 v2, $0.0e+00;
	[tilespmem:s19+$0x0] =	vst v4  }
0xae: {  	[tilespmem:s28+$0x0] =	vst v2  }
0xaf: {  	[spmem:s2] =	stream.indirect.scatter.add.f32 [tilespmem:s8], [sflag:$0x4], $0x1, s29, s30, $0xb8;
	[tilespmem:$0x18900] =	vst v63  }
0xb0: {  	_ = 	snop  }
0xb1: {  	[spmem:s3] =	stream.indirect.scatter.add.f32 [tilespmem:s9], [sflag:$0x4], $0x1, s29, s30, $0xb8;
	[tilespmem:$0x18900] =	vst v63  }
0xb2: {  	_ =	swait.ge [sflag:s26], $0x1400  }
0xb3: {  	[sflag:s26] =	ssyncset.done $0x0  }
0xb4: {  	[sflag:s26] =	ssyncadd.s32 $0xFFFFEC00  }
0xb5: {  	_ =	swait.ge [sflag:s26], $0x1400  }
0xb6: {  	[sflag:s26] =	ssyncset.done $0x0  }
0xb7: {  	[sflag:s26] =	ssyncadd.s32 $0xFFFFEC00  }
0xb8: {  	_ =	swait.ge [sflag:s10], $0x1400  }
0xb9: {  	[sflag:s10] =	ssyncset.done $0x0  }
0xba: {  	[sflag:s10] =	ssyncadd.s32 $0xFFFFEC00  }
0xbb: {  	_ =	swait.ge [sflag:s10], $0x1400  }
0xbc: {  	[sflag:s10] =	ssyncset.done $0x0  }
0xbd: {  	s15 =	rddreg [dreg:$0xc];
	[sflag:s10] =	ssyncadd.s32 $0xFFFFEC00  }
0xbe: {  	[tilespmem:s18], [sflag:$0x2] =	stream.linear.gather [hbm4b:s15+s4], $0x1400, $0x38;
	[tilespmem:$0x18900] =	vst v63  }
0xbf: {  	s17 =	simm.s32 $0xC420;
	s16 =	rddreg [dreg:$0xd]  }
0xc0: {  	[tilespmem:s29], [sflag:$0x2] =	stream.linear.gather [hbm4b:s16+s4], $0x1400, $0x38;
	[tilespmem:$0x18900] =	vst v63  }
0xc1: {  	v2 =	vld [tilespmem:s17+$0x10]  }
0xc2: {  	s18 =	simm.s32 $0xC460;
	v4 =	vld [tilespmem:s17+$0xFFFFFFF0]  }
0xc3: {  	v5 =	vld [tilespmem:s18+$0x10];
	_ =	sdelay $0x2  }
0xc4: {  	v3 =	vld [tilespmem:s17+$0xFFFFFFE0]  }
0xc5: {  	v6 =	vld [tilespmem:s17+$0x0]  }
0xc6: {  	v8 =	vld [tilespmem:s18+$0xFFFFFFE0]  }
0xc7: {  	v2 =	vld.idx.msk [tilespmem:v2+s4+$0x0], $0xffff  }
0xc8: {  	v4 =	vld.idx.msk [tilespmem:v4+s4+$0x0], $0xffff  }
0xc9: {  	v5 =	vld.idx.msk [tilespmem:v5+s4+$0x0], $0xffff  }
0xca: {  	v10 =	vld [tilespmem:s18+$0x0]  }
0xcb: {  	v9 =	vld [tilespmem:s18+$0xFFFFFFF0]  }
0xcc: {  	s19 =	simm.s32 $0x11420;
	s28 =	simm.s32 $0xC4A0;
	v7 =	vld.idx.msk [tilespmem:v3+s4+$0x0], $0xffff;
	v3 =	vmax.f32 v2, $0.0e+00  }
0xcd: {  	v11 =	vld [tilespmem:s28+$0x10];
	v13 =	vmax.f32 v4, $0.0e+00;
	[tilespmem:s19+$0x10] =	vst v3  }
0xce: {  	s14 =	simm.s32 $0x11460;
	v12 =	vld.idx.msk [tilespmem:v6+s4+$0x0], $0xffff;
	v62 =	vmax.f32 v5, $0.0e+00;
	[tilespmem:s19+$0xFFFFFFF0] =	vst v13  }
0xcf: {  	s12 =	simm.s32 $0x13C20;
	v8 =	vld.idx.msk [tilespmem:v8+s4+$0x0], $0xffff;
	v2 =	vmin.f32 v2, $0.0e+00;
	[tilespmem:s14+$0x10] =	vst v62  }
0xd0: {  	v4 =	vmin.f32 v4, $0.0e+00;
	v3 =	vld [tilespmem:s28+$0xFFFFFFF0];
	[tilespmem:s12+$0x10] =	vst v2  }
0xd1: {  	v6 =	vmin.f32 v7, $0.0e+00;
	v2 =	vmax.f32 v7, $0.0e+00;
	v7 =	vld [tilespmem:s28+$0xFFFFFFE0];
	[tilespmem:s12+$0xFFFFFFF0] =	vst v4  }
0xd2: {  	v4 =	vld.idx.msk [tilespmem:v10+s4+$0x0], $0xffff;
	[tilespmem:s19+$0xFFFFFFE0] =	vst v2  }
0xd3: {  	v63 =	vmax.f32 v12, $0.0e+00;
	[tilespmem:s12+$0xFFFFFFE0] =	vst v6;
	v6 =	vld.idx.msk [tilespmem:v9+s4+$0x0], $0xffff  }
0xd4: {  	s13 =	simm.s32 $0x13C60;
	v5 =	vmin.f32 v5, $0.0e+00;
	[tilespmem:s19+$0x0] =	vst v63;
	v2 =	vld [tilespmem:s28+$0x0]  }
0xd5: {  	s15 =	simm.s32 $0x11460;
	s16 =	simm.s32 $0x80;
	s17 =	simm.s32 $0xC4E0;
	[tilespmem:s13+$0x10] =	vst v5;
	v5 =	vld.idx.msk [tilespmem:v11+s4+$0x0], $0xffff;
	v9 =	vmin.f32 v12, $0.0e+00  }
.LBB2_8:
0xd6: {  	v10 =	vld [tilespmem:s17+$0x10];
	[tilespmem:s12+$0x0] =	vst v9;
	s12 =	smov.u32 s13  }
0xd7: {  	s16 =	sadd.s32 $0x40, s16;
	v9 =	vmax.f32 v8, $0.0e+00;
	v8 =	vmin.f32 v8, $0.0e+00;
	v11 =	vld [tilespmem:s17+$0xFFFFFFF0]  }
0xd8: {  	p0 =	slt.u32 s16, $0x13C0;
	v13 =	vmax.f32 v6, $0.0e+00;
	v14 =	vmin.f32 v6, $0.0e+00;
	v12 =	vld [tilespmem:s17+$0x0];
	[tilespmem:s14+$0xFFFFFFE0] =	vst v9  }
0xd9: {  	v16 =	vmax.f32 v4, $0.0e+00;
	v9 =	vmin.f32 v4, $0.0e+00;
	v15 =	vld [tilespmem:s17+$0xFFFFFFE0];
	[tilespmem:s13+$0xFFFFFFE0] =	vst v8  }
.Ltmp3:
0xda: {  	v8 =	vld.idx.msk [tilespmem:v7+s4+$0x0], $0xffff;
	[tilespmem:s14+$0xFFFFFFF0] =	vst v13;
	(pc) =	sbr.rel @p0 .LBB2_8-.Ltmp3, $4  }
0xdb: {  	v7 =	vmax.f32 v5, $0.0e+00;
	s14 =	sadd.s32 $0x40, s14;
	v6 =	vld.idx.msk [tilespmem:v3+s4+$0x0], $0xffff;
	[tilespmem:s13+$0xFFFFFFF0] =	vst v14  }
0xdc: {  	v5 =	vmin.f32 v5, $0.0e+00;
	s13 =	sadd.s32 $0x40, s13;
	v4 =	vld.idx.msk [tilespmem:v2+s4+$0x0], $0xffff;
	[tilespmem:s14+$0x10] =	vst v7;
	v3 =	vmov v11  }
0xdd: {  	[tilespmem:s13+$0x10] =	vst v5;
	v2 =	vmov v12  }
0xde: {  	s17 =	sadd.s32 $0x40, s17;
	v5 =	vld.idx.msk [tilespmem:v10+s4+$0x0], $0xffff;
	[tilespmem:s15+$0x0] =	vst v16;
	v7 =	vmov v15;
	s15 =	smov.u32 s14  }
0xdf: {  	_ = 	snop  }
0xe0: {  	[tilespmem:s12+$0x0] =	vst v9;
	v9 =	vmax.f32 v8, $0.0e+00  }
0xe1: {  	v8 =	vmin.f32 v8, $0.0e+00;
	[tilespmem:s14+$0xFFFFFFE0] =	vst v9  }
0xe2: {  	v9 =	vmax.f32 v6, $0.0e+00;
	[tilespmem:s13+$0xFFFFFFE0] =	vst v8  }
0xe3: {  	v7 =	vld.idx.msk [tilespmem:v7+s4+$0x0], $0xffff;
	v6 =	vmin.f32 v6, $0.0e+00;
	[tilespmem:s14+$0xFFFFFFF0] =	vst v9  }
0xe4: {  	[tilespmem:s13+$0xFFFFFFF0] =	vst v6;
	v6 =	vmax.f32 v4, $0.0e+00  }
0xe5: {  	s19 =	sadd.s32 $0x40, s14;
	v3 =	vld.idx.msk [tilespmem:v3+s4+$0x0], $0xffff;
	v8 =	vmax.f32 v5, $0.0e+00;
	[tilespmem:s15+$0x0] =	vst v6  }
0xe6: {  	v4 =	vmin.f32 v4, $0.0e+00;
	[tilespmem:s19+$0x10] =	vst v8  }
0xe7: {  	s28 =	sadd.s32 $0x40, s13;
	v2 =	vld.idx.msk [tilespmem:v2+s4+$0x0], $0xffff;
	v5 =	vmin.f32 v5, $0.0e+00;
	[tilespmem:s13+$0x0] =	vst v4  }
0xe8: {  	v4 =	vmax.f32 v7, $0.0e+00;
	[tilespmem:s28+$0x10] =	vst v5  }
0xe9: {  	v5 =	vmin.f32 v7, $0.0e+00;
	[tilespmem:s19+$0xFFFFFFE0] =	vst v4  }
0xea: {  	v4 =	vmax.f32 v3, $0.0e+00;
	[tilespmem:s28+$0xFFFFFFE0] =	vst v5  }
0xeb: {  	v3 =	vmin.f32 v3, $0.0e+00;
	[tilespmem:s19+$0xFFFFFFF0] =	vst v4  }
0xec: {  	v4 =	vmax.f32 v2, $0.0e+00;
	[tilespmem:s28+$0xFFFFFFF0] =	vst v3  }
0xed: {  	v2 =	vmin.f32 v2, $0.0e+00;
	[tilespmem:s19+$0x0] =	vst v4  }
0xee: {  	[tilespmem:s28+$0x0] =	vst v2  }
0xef: {  	[spmem:s2] =	stream.indirect.scatter.add.f32 [tilespmem:s31], [sflag:$0x3], $0x1, s24, s30, $0xb8;
	[tilespmem:$0x18900] =	vst v63  }
0xf0: {  	_ = 	snop  }
0xf1: {  	[spmem:s3] =	stream.indirect.scatter.add.f32 [tilespmem:s0], [sflag:$0x3], $0x1, s24, s30, $0xb8;
	[tilespmem:$0x18900] =	vst v63  }
0xf2: {  	_ =	swait.ge [sflag:s1], $0x1400  }
0xf3: {  	[sflag:s1] =	ssyncset.done $0x0  }
0xf4: {  	[sflag:s1] =	ssyncadd.s32 $0xFFFFEC00  }
0xf5: {  	_ =	swait.ge [sflag:s1], $0x1400  }
0xf6: {  	[sflag:s1] =	ssyncset.done $0x0  }
0xf7: {  	[sflag:s1] =	ssyncadd.s32 $0xFFFFEC00  }
0xf8: {  	_ =	swait.ge [sflag:s5], $0x1400  }
0xf9: {  	[sflag:s5] =	ssyncset.done $0x0  }
0xfa: {  	[sflag:s5] =	ssyncadd.s32 $0xFFFFEC00  }
0xfb: {  	_ =	swait.ge [sflag:s5], $0x1400  }
0xfc: {  	[sflag:s5] =	ssyncset.done $0x0  }
0xfd: {  	s15 =	rddreg [dreg:$0xe];
	[sflag:s5] =	ssyncadd.s32 $0xFFFFEC00  }
0xfe: {  	[tilespmem:s23], [sflag:$0x1] =	stream.linear.gather [hbm4b:s15+s4], $0x11A8, $0x38;
	[tilespmem:$0x18900] =	vst v63  }
0xff: {  	s17 =	simm.s32 $0xD820;
	s16 =	rddreg [dreg:$0xf]  }
0x100: {  	[tilespmem:s24], [sflag:$0x1] =	stream.linear.gather [hbm4b:s16+s4], $0x11A8, $0x38;
	[tilespmem:$0x18900] =	vst v63  }
0x101: {  	v2 =	vld [tilespmem:s17+$0x10]  }
0x102: {  	s18 =	simm.s32 $0xD860;
	v4 =	vld [tilespmem:s17+$0xFFFFFFF0]  }
0x103: {  	v5 =	vld [tilespmem:s18+$0x10];
	_ =	sdelay $0x2  }
0x104: {  	v3 =	vld [tilespmem:s17+$0xFFFFFFE0]  }
0x105: {  	v6 =	vld [tilespmem:s17+$0x0]  }
0x106: {  	v8 =	vld [tilespmem:s18+$0xFFFFFFE0]  }
0x107: {  	v2 =	vld.idx.msk [tilespmem:v2+s4+$0x0], $0xffff  }
0x108: {  	v4 =	vld.idx.msk [tilespmem:v4+s4+$0x0], $0xffff  }
0x109: {  	v5 =	vld.idx.msk [tilespmem:v5+s4+$0x0], $0xffff  }
0x10a: {  	v10 =	vld [tilespmem:s18+$0x0]  }
0x10b: {  	v9 =	vld [tilespmem:s18+$0xFFFFFFF0]  }
0x10c: {  	s19 =	simm.s32 $0x12820;
	s28 =	simm.s32 $0xD8A0;
	v7 =	vld.idx.msk [tilespmem:v3+s4+$0x0], $0xffff;
	v3 =	vmax.f32 v2, $0.0e+00  }
0x10d: {  	v11 =	vld [tilespmem:s28+$0x10];
	v13 =	vmax.f32 v4, $0.0e+00;
	[tilespmem:s19+$0x10] =	vst v3  }
0x10e: {  	s14 =	simm.s32 $0x12860;
	v12 =	vld.idx.msk [tilespmem:v6+s4+$0x0], $0xffff;
	v62 =	vmax.f32 v5, $0.0e+00;
	[tilespmem:s19+$0xFFFFFFF0] =	vst v13  }
0x10f: {  	s12 =	simm.s32 $0x15020;
	v8 =	vld.idx.msk [tilespmem:v8+s4+$0x0], $0xffff;
	v2 =	vmin.f32 v2, $0.0e+00;
	[tilespmem:s14+$0x10] =	vst v62  }
0x110: {  	v4 =	vmin.f32 v4, $0.0e+00;
	v3 =	vld [tilespmem:s28+$0xFFFFFFF0];
	[tilespmem:s12+$0x10] =	vst v2  }
0x111: {  	v6 =	vmin.f32 v7, $0.0e+00;
	v2 =	vmax.f32 v7, $0.0e+00;
	v7 =	vld [tilespmem:s28+$0xFFFFFFE0];
	[tilespmem:s12+$0xFFFFFFF0] =	vst v4  }
0x112: {  	v4 =	vld.idx.msk [tilespmem:v10+s4+$0x0], $0xffff;
	[tilespmem:s19+$0xFFFFFFE0] =	vst v2  }
0x113: {  	v63 =	vmax.f32 v12, $0.0e+00;
	[tilespmem:s12+$0xFFFFFFE0] =	vst v6;
	v6 =	vld.idx.msk [tilespmem:v9+s4+$0x0], $0xffff  }
0x114: {  	s13 =	simm.s32 $0x15060;
	v5 =	vmin.f32 v5, $0.0e+00;
	[tilespmem:s19+$0x0] =	vst v63;
	v2 =	vld [tilespmem:s28+$0x0]  }
0x115: {  	s15 =	simm.s32 $0x12860;
	s16 =	simm.s32 $0x80;
	s17 =	simm.s32 $0xD8E0;
	[tilespmem:s13+$0x10] =	vst v5;
	v5 =	vld.idx.msk [tilespmem:v11+s4+$0x0], $0xffff;
	v9 =	vmin.f32 v12, $0.0e+00  }
.LBB2_10:
0x116: {  	v10 =	vld [tilespmem:s17+$0x10];
	[tilespmem:s12+$0x0] =	vst v9;
	s12 =	smov.u32 s13  }
0x117: {  	s16 =	sadd.s32 $0x40, s16;
	v9 =	vmax.f32 v8, $0.0e+00;
	v8 =	vmin.f32 v8, $0.0e+00;
	v11 =	vld [tilespmem:s17+$0xFFFFFFF0]  }
0x118: {  	p0 =	slt.u32 s16, $0x13C0;
	v13 =	vmax.f32 v6, $0.0e+00;
	v14 =	vmin.f32 v6, $0.0e+00;
	v12 =	vld [tilespmem:s17+$0x0];
	[tilespmem:s14+$0xFFFFFFE0] =	vst v9  }
0x119: {  	v16 =	vmax.f32 v4, $0.0e+00;
	v9 =	vmin.f32 v4, $0.0e+00;
	v15 =	vld [tilespmem:s17+$0xFFFFFFE0];
	[tilespmem:s13+$0xFFFFFFE0] =	vst v8  }
.Ltmp4:
0x11a: {  	v8 =	vld.idx.msk [tilespmem:v7+s4+$0x0], $0xffff;
	[tilespmem:s14+$0xFFFFFFF0] =	vst v13;
	(pc) =	sbr.rel @p0 .LBB2_10-.Ltmp4, $4  }
0x11b: {  	v7 =	vmax.f32 v5, $0.0e+00;
	s14 =	sadd.s32 $0x40, s14;
	v6 =	vld.idx.msk [tilespmem:v3+s4+$0x0], $0xffff;
	[tilespmem:s13+$0xFFFFFFF0] =	vst v14  }
0x11c: {  	v5 =	vmin.f32 v5, $0.0e+00;
	s13 =	sadd.s32 $0x40, s13;
	v4 =	vld.idx.msk [tilespmem:v2+s4+$0x0], $0xffff;
	[tilespmem:s14+$0x10] =	vst v7;
	v3 =	vmov v11  }
0x11d: {  	[tilespmem:s13+$0x10] =	vst v5;
	v2 =	vmov v12  }
0x11e: {  	s17 =	sadd.s32 $0x40, s17;
	v5 =	vld.idx.msk [tilespmem:v10+s4+$0x0], $0xffff;
	[tilespmem:s15+$0x0] =	vst v16;
	v7 =	vmov v15;
	s15 =	smov.u32 s14  }
0x11f: {  	_ = 	snop  }
0x120: {  	[tilespmem:s12+$0x0] =	vst v9;
	v9 =	vmax.f32 v8, $0.0e+00  }
0x121: {  	v8 =	vmin.f32 v8, $0.0e+00;
	[tilespmem:s14+$0xFFFFFFE0] =	vst v9  }
0x122: {  	v9 =	vmax.f32 v6, $0.0e+00;
	[tilespmem:s13+$0xFFFFFFE0] =	vst v8  }
0x123: {  	v7 =	vld.idx.msk [tilespmem:v7+s4+$0x0], $0xffff;
	v6 =	vmin.f32 v6, $0.0e+00;
	[tilespmem:s14+$0xFFFFFFF0] =	vst v9  }
0x124: {  	[tilespmem:s13+$0xFFFFFFF0] =	vst v6;
	v6 =	vmax.f32 v4, $0.0e+00  }
0x125: {  	s18 =	sadd.s32 $0x40, s14;
	v3 =	vld.idx.msk [tilespmem:v3+s4+$0x0], $0xffff;
	v8 =	vmax.f32 v5, $0.0e+00;
	[tilespmem:s15+$0x0] =	vst v6  }
0x126: {  	v4 =	vmin.f32 v4, $0.0e+00;
	[tilespmem:s18+$0x10] =	vst v8  }
0x127: {  	s19 =	sadd.s32 $0x40, s13;
	v2 =	vld.idx.msk [tilespmem:v2+s4+$0x0], $0xffff;
	v5 =	vmin.f32 v5, $0.0e+00;
	[tilespmem:s13+$0x0] =	vst v4  }
0x128: {  	v4 =	vmax.f32 v7, $0.0e+00;
	[tilespmem:s19+$0x10] =	vst v5  }
0x129: {  	v5 =	vmin.f32 v7, $0.0e+00;
	[tilespmem:s18+$0xFFFFFFE0] =	vst v4  }
0x12a: {  	v4 =	vmax.f32 v3, $0.0e+00;
	[tilespmem:s19+$0xFFFFFFE0] =	vst v5  }
0x12b: {  	v3 =	vmin.f32 v3, $0.0e+00;
	[tilespmem:s18+$0xFFFFFFF0] =	vst v4  }
0x12c: {  	v4 =	vmax.f32 v2, $0.0e+00;
	[tilespmem:s19+$0xFFFFFFF0] =	vst v3  }
0x12d: {  	v2 =	vmin.f32 v2, $0.0e+00;
	[tilespmem:s18+$0x0] =	vst v4  }
0x12e: {  	[tilespmem:s19+$0x0] =	vst v2  }
0x12f: {  	[spmem:s2] =	stream.indirect.scatter.add.f32 [tilespmem:s8], [sflag:$0x4], $0x1, s29, s30, $0xb8;
	[tilespmem:$0x18900] =	vst v63  }
0x130: {  	_ = 	snop  }
0x131: {  	[spmem:s3] =	stream.indirect.scatter.add.f32 [tilespmem:s9], [sflag:$0x4], $0x1, s29, s30, $0xb8;
	[tilespmem:$0x18900] =	vst v63  }
0x132: {  	_ =	swait.ge [sflag:s26], $0x11A8  }
0x133: {  	[sflag:s26] =	ssyncset.done $0x0  }
0x134: {  	[sflag:s26] =	ssyncadd.s32 $0xFFFFEE58  }
0x135: {  	_ =	swait.ge [sflag:s26], $0x11A8  }
0x136: {  	[sflag:s26] =	ssyncset.done $0x0  }
0x137: {  	[sflag:s26] =	ssyncadd.s32 $0xFFFFEE58  }
0x138: {  	_ =	swait.ge [sflag:s10], $0x1400  }
0x139: {  	[sflag:s10] =	ssyncset.done $0x0  }
0x13a: {  	[sflag:s10] =	ssyncadd.s32 $0xFFFFEC00  }
0x13b: {  	_ =	swait.ge [sflag:s10], $0x1400  }
0x13c: {  	[sflag:s10] =	ssyncset.done $0x0  }
0x13d: {  	s16 =	simm.s32 $0xC420;
	[sflag:s10] =	ssyncadd.s32 $0xFFFFEC00  }
0x13e: {  	v2 =	vld [tilespmem:s16+$0x10];
	_ =	sdelay $0x2  }
0x13f: {  	v4 =	vld [tilespmem:s16+$0xFFFFFFE0]  }
0x140: {  	v5 =	vld [tilespmem:s16+$0xFFFFFFF0]  }
0x141: {  	s17 =	simm.s32 $0xC460;
	v6 =	vld [tilespmem:s16+$0x0]  }
0x142: {  	v7 =	vld [tilespmem:s17+$0x10]  }
0x143: {  	v3 =	vld [tilespmem:s17+$0xFFFFFFF0]  }
0x144: {  	v10 =	vld.idx.msk [tilespmem:v2+s4+$0x0], $0xffff  }
0x145: {  	v9 =	vld [tilespmem:s17+$0xFFFFFFE0]  }
0x146: {  	s18 =	simm.s32 $0x30;
	v2 =	vld [tilespmem:s17+$0x0]  }
0x147: {  	v8 =	vmov s18;
	v11 =	vld.idx.msk [tilespmem:v4+s4+$0x0], $0xffff  }
0x148: {  	vm0 =	vlt.u32 v8, v1;
	v8 =	vld.idx.msk [tilespmem:v5+s4+$0x0], $0xffff  }
0x149: {  	s19 =	simm.s32 $0x0;
	s16 =	simm.s32 $0x10;
	v5 =	vld.idx.msk [tilespmem:v6+s4+$0x0], $0xffff;
	v4 =	vnsel vm0, $0x0, v10  }
0x14a: {  	s28 =	simm.s32 $0xC4A0;
	s14 =	simm.s32 $0x11420;
	v12 =	vmov s16;
	v7 =	vld.idx.msk [tilespmem:v7+s4+$0x0], $0xffff;
	s17 =	simm.s32 $0x20;
	v10 =	vmov s19;
	v6 =	vmax.f32 v4, $0.0e+00  }
0x14b: {  	s12 =	simm.s32 $0x80;
	s15 =	simm.s32 $0x13C20;
	s13 =	simm.s32 $0x40;
	v13 =	vmov s17;
	v4 =	vmin.f32 v4, $0.0e+00;
	vm0 =	vlt.u32 v10, v1;
	[tilespmem:s14+$0x10] =	vst v6;
	v6 =	vld [tilespmem:s28+$0x10]  }
0x14c: {  	s18 =	simm.s32 $0xC0;
	s16 =	simm.s32 $0x13C20;
	vm1 =	vlt.u32 v12, v1;
	s17 =	simm.s32 $0x11420;
	v10 =	vnsel vm0, $0x0, v11;
	vm0 =	vlt.u32 v13, v1;
	[tilespmem:s15+$0x10] =	vst v4;
	v4 =	vld [tilespmem:s28+$0xFFFFFFF0]  }
.LBB2_12:
0x14d: {  	p0 =	slt.u32 s18, $0x13C0;
	v11 =	vld [tilespmem:s28+$0x0];
	s19 =	sadd.s32 $0x30, s13;
	v12 =	vmax.f32 v10, $0.0e+00;
	v10 =	vmin.f32 v10, $0.0e+00;
	v8 =	vnsel vm1, $0x0, v8  }
0x14e: {  	v5 =	vnsel vm0, $0x0, v5;
	v13 =	vld [tilespmem:s28+$0xFFFFFFE0];
	v14 =	vmov s19;
	[tilespmem:s14+$0xFFFFFFE0] =	vst v12;
	v12 =	vmax.f32 v8, $0.0e+00  }
0x14f: {  	v15 =	vld.idx.msk [tilespmem:v9+s4+$0x0], $0xffff;
	vm0 =	vlt.u32 v14, v1;
	[tilespmem:s15+$0xFFFFFFE0] =	vst v10;
	v9 =	vmin.f32 v8, $0.0e+00;
	v10 =	vmax.f32 v5, $0.0e+00  }
0x150: {  	v8 =	vld.idx.msk [tilespmem:v3+s4+$0x0], $0xffff;
	v7 =	vnsel vm0, $0x0, v7;
	[tilespmem:s14+$0xFFFFFFF0] =	vst v12;
	v12 =	vmin.f32 v5, $0.0e+00  }
.Ltmp5:
0x151: {  	s14 =	sadd.s32 $0x40, s14;
	v5 =	vld.idx.msk [tilespmem:v2+s4+$0x0], $0xffff;
	v14 =	vmax.f32 v7, $0.0e+00;
	[tilespmem:s15+$0xFFFFFFF0] =	vst v9;
	v3 =	vmov v4;
	(pc) =	sbr.rel @p0 .LBB2_12-.Ltmp5, $4  }
0x152: {  	v4 =	vmin.f32 v7, $0.0e+00;
	s15 =	sadd.s32 $0x40, s15;
	[tilespmem:s14+$0x10] =	vst v14;
	v2 =	vmov v11  }
0x153: {  	s28 =	sadd.s32 $0x40, s28;
	s19 =	sadd.s32 $0x10, s13;
	v11 =	vmov s13;
	s13 =	sadd.s32 $0x20, s13;
	v7 =	vld.idx.msk [tilespmem:v6+s4+$0x0], $0xffff;
	[tilespmem:s15+$0x10] =	vst v4;
	v9 =	vmov v13  }
0x154: {  	vm0 =	vlt.u32 v11, v1;
	v11 =	vmov s19;
	v13 =	vmov s13;
	s13 =	smov.u32 s12;
	s12 =	smov.u32 s18;
	v6 =	vld [tilespmem:s28+$0x10];
	[tilespmem:s17+$0x0] =	vst v10;
	s17 =	smov.u32 s14  }
0x155: {  	s18 =	sadd.s32 $0x40, s18;
	v10 =	vnsel vm0, $0x0, v15;
	vm1 =	vlt.u32 v11, v1;
	vm0 =	vlt.u32 v13, v1;
	v4 =	vld [tilespmem:s28+$0xFFFFFFF0];
	[tilespmem:s16+$0x0] =	vst v12;
	s16 =	smov.u32 s15  }
0x156: {  	_ =	sdelay $0x2  }
0x157: {  	v11 =	vmax.f32 v10, $0.0e+00;
	v12 =	vld [tilespmem:s28+$0xFFFFFFE0]  }
0x158: {  	v47 =	vmin.f32 v10, $0.0e+00;
	v8 =	vnsel vm1, $0x0, v8;
	v9 =	vld.idx.msk [tilespmem:v9+s4+$0x0], $0xffff;
	[tilespmem:s14+$0xFFFFFFE0] =	vst v11  }
0x159: {  	s18 =	sadd.s32 $0x30, s13;
	v3 =	vld.idx.msk [tilespmem:v3+s4+$0x0], $0xffff;
	v5 =	vnsel vm0, $0x0, v5;
	v48 =	vmax.f32 v8, $0.0e+00;
	[tilespmem:s15+$0xFFFFFFE0] =	vst v47  }
0x15a: {  	v50 =	vld [tilespmem:s28+$0x0];
	v13 =	vmov s18;
	v52 =	vmax.f32 v5, $0.0e+00;
	[tilespmem:s14+$0xFFFFFFF0] =	vst v48  }
0x15b: {  	v51 =	vmov s13;
	s28 =	sadd.s32 $0x10, s13;
	v2 =	vld.idx.msk [tilespmem:v2+s4+$0x0], $0xffff;
	v8 =	vmin.f32 v8, $0.0e+00;
	vm8 =	vlt.u32 v13, v1;
	[tilespmem:s17+$0x0] =	vst v52  }
0x15c: {  	v5 =	vmin.f32 v5, $0.0e+00;
	v53 =	vmov s28;
	v7 =	vnsel vm8, $0x0, v7;
	[tilespmem:s15+$0xFFFFFFF0] =	vst v8  }
0x15d: {  	vm9 =	vlt.u32 v51, v1;
	s28 =	sadd.s32 $0x20, s13;
	s14 =	sadd.s32 $0x40, s14;
	vm10 =	vlt.u32 v53, v1;
	[tilespmem:s16+$0x0] =	vst v5;
	v49 =	vmax.f32 v7, $0.0e+00  }
0x15e: {  	v59 =	vmov s28;
	s15 =	sadd.s32 $0x40, s15;
	v6 =	vld.idx.msk [tilespmem:v6+s4+$0x0], $0xffff;
	v7 =	vmin.f32 v7, $0.0e+00;
	[tilespmem:s14+$0x10] =	vst v49;
	v9 =	vnsel vm9, $0x0, v9  }
0x15f: {  	vm12 =	vlt.u32 v59, v1;
	v3 =	vnsel vm10, $0x0, v3;
	[tilespmem:s15+$0x10] =	vst v7;
	v54 =	vmax.f32 v9, $0.0e+00  }
0x160: {  	s19 =	sadd.s32 $0x30, s12;
	v2 =	vnsel vm12, $0x0, v2;
	v57 =	vmax.f32 v3, $0.0e+00;
	[tilespmem:s14+$0xFFFFFFE0] =	vst v54  }
0x161: {  	v56 =	vmov s19;
	v62 =	vmax.f32 v2, $0.0e+00;
	[tilespmem:s14+$0xFFFFFFF0] =	vst v57;
	v58 =	vld.idx.msk [tilespmem:v12+s4+$0x0], $0xffff  }
0x162: {  	vm11 =	vlt.u32 v56, v1;
	v55 =	vmin.f32 v9, $0.0e+00;
	[tilespmem:s14+$0x0] =	vst v62  }
0x163: {  	v4 =	vld.idx.msk [tilespmem:v4+s4+$0x0], $0xffff;
	v3 =	vmin.f32 v3, $0.0e+00;
	[tilespmem:s15+$0xFFFFFFE0] =	vst v55;
	v6 =	vnsel vm11, $0x0, v6  }
0x164: {  	v61 =	vmov s12;
	s16 =	sadd.s32 $0x40, s14;
	[tilespmem:s15+$0xFFFFFFF0] =	vst v3;
	v60 =	vmax.f32 v6, $0.0e+00  }
0x165: {  	vm13 =	vlt.u32 v61, v1;
	s28 =	sadd.s32 $0x10, s12;
	s19 =	sadd.s32 $0x40, s15;
	v63 =	vld.idx.msk [tilespmem:v50+s4+$0x0], $0xffff;
	v3 =	vmin.f32 v6, $0.0e+00;
	[tilespmem:s16+$0x10] =	vst v60  }
0x166: {  	v2 =	vmin.f32 v2, $0.0e+00;
	[tilespmem:s19+$0x10] =	vst v3;
	v3 =	vmov s28;
	v5 =	vnsel vm13, $0x0, v58  }
0x167: {  	s18 =	sadd.s32 $0x20, s12;
	[tilespmem:s15+$0x0] =	vst v2;
	vm14 =	vlt.u32 v3, v1;
	v2 =	vmax.f32 v5, $0.0e+00  }
0x168: {  	v3 =	vmov s18;
	v4 =	vnsel vm14, $0x0, v4;
	v5 =	vmin.f32 v5, $0.0e+00;
	[tilespmem:s16+$0xFFFFFFE0] =	vst v2  }
0x169: {  	vm15 =	vlt.u32 v3, v1;
	v2 =	vmax.f32 v4, $0.0e+00;
	[tilespmem:s19+$0xFFFFFFE0] =	vst v5  }
0x16a: {  	v3 =	vnsel vm15, $0x0, v63;
	v4 =	vmin.f32 v4, $0.0e+00;
	[tilespmem:s16+$0xFFFFFFF0] =	vst v2  }
0x16b: {  	v2 =	vmax.f32 v3, $0.0e+00;
	[tilespmem:s19+$0xFFFFFFF0] =	vst v4  }
0x16c: {  	v3 =	vmin.f32 v3, $0.0e+00;
	[tilespmem:s16+$0x0] =	vst v2  }
0x16d: {  	[tilespmem:s19+$0x0] =	vst v3  }
0x16e: {  	[spmem:s2] =	stream.indirect.scatter.add.f32 [tilespmem:s31], [sflag:$0x3], $0x1, s24, s30, $0xb8;
	[tilespmem:$0x18900] =	vst v63  }
0x16f: {  	_ = 	snop  }
0x170: {  	[spmem:s3] =	stream.indirect.scatter.add.f32 [tilespmem:s0], [sflag:$0x3], $0x1, s24, s30, $0xb8;
	[tilespmem:$0x18900] =	vst v63  }
0x171: {  	_ =	swait.ge [sflag:s5], $0x1400  }
0x172: {  	[sflag:s5] =	ssyncset.done $0x0  }
0x173: {  	[sflag:s5] =	ssyncadd.s32 $0xFFFFEC00  }
0x174: {  	_ =	swait.ge [sflag:s5], $0x1400  }
0x175: {  	[sflag:s5] =	ssyncset.done $0x0  }
0x176: {  	[sflag:s5] =	ssyncadd.s32 $0xFFFFEC00  }
0x177: {  	[bflag:$0x0] =	sbarrier.arrive $0xFFFF  }
0x178: {  	[tilespmem:s21], [sflag:$0x6] =	stream.linear.gather [spmem:s6], $0xC40, $0x38;
	[tilespmem:$0x18900] =	vst v63  }
0x179: {  	_ =	swait.ge [sflag:s22], $0xC40  }
0x17a: {  	[sflag:s22] =	ssyncset.done $0x0  }
0x17b: {  	s19 =	rddreg [dreg:$0x10];
	[sflag:s22] =	ssyncadd.s32 $0xFFFFF3C0  }
0x17c: {  	[hbm4b:s19+s4] =	stream.linear.scatter [tilespmem:s21], [sflag:$0x6], $0xC40, $0x38;
	[tilespmem:$0x18900] =	vst v63  }
0x17d: {  	_ =	swait.ge [sflag:s22], $0xC40  }
0x17e: {  	[sflag:s22] =	ssyncset.done $0x0  }
0x17f: {  	[sflag:s22] =	ssyncadd.s32 $0xFFFFF3C0  }
0x180: {  	[tilespmem:s21], [sflag:$0x6] =	stream.linear.gather [spmem:s7], $0xC40, $0x38;
	[tilespmem:$0x18900] =	vst v63  }
0x181: {  	s11 =	sadd.s32 $0x1, s11;
	_ =	swait.ge [sflag:s22], $0xC40  }
0x182: {  	p0 =	sne.s32 s11, s20;
	[sflag:s22] =	ssyncset.done $0x0  }
.Ltmp6:
0x183: {  	s28 =	rddreg [dreg:$0x11];
	[sflag:s22] =	ssyncadd.s32 $0xFFFFF3C0;
	(pc) =	sbr.rel @p0 .LBB2_1-.Ltmp6, $4  }
0x184: {  	[hbm4b:s28+s4] =	stream.linear.scatter [tilespmem:s21], [sflag:$0x6], $0xC40, $0x38;
	[tilespmem:$0x18900] =	vst v63  }
0x185: {  	_ =	swait.ge [sflag:s22], $0xC40  }
0x186: {  	[sflag:s22] =	ssyncset.done $0x0  }
0x187: {  	s18 =	simm.s32 $0xD800;
	[sflag:s22] =	ssyncadd.s32 $0xFFFFF3C0  }
0x188: {  	_ =	sfence.sel $0x180000  }
0x189: {  	[bflag:$0x0] =	sbarrier.arrive $0xFFFF  }
0x18a: {  	_ =	strace $0x9000004D  }
0x18b: {  	s0 =	stileid.u32;
	[bflag:$0x2] =	sbarrier.arrive $0xFFFF  }
0x18c: {  	p0 =	sne.s32 s0, $0x0;
	s0 =	rddreg [dreg:$0x4]  }
0x18d: {  	s0 =	sadd.s32 @!p0 $0x100000, s0  }
0x18e: {  	[sflag:s0] =	ssyncadd.tile.s32 @!p0 $0x1;
	_ =	shalt  }
.Lfunc_end2:
_tile_overlayer_lowered:
.L_overlay_start_2:
0x18f: {  	(tag) =	ssettag $0x2  }
0x190: {  	s0 =	rddreg [dreg:$0x0];
	s2 =	stileid.u32  }
0x191: {  	s1 =	rddreg [dreg:$0x1];
	p0 =	sne.s32 s2, $0x0  }
0x192: {  	s3 =	rddreg [dreg:$0x2];
	[bflag:$0x3] =	sbarrier.arrive $0xFFFF;
	s2 =	simm.s32 @!p0 $0x1C06  }
0x193: {  	[timem:s3], [sflag:s2] =	dma.local @!p0 [hbm:s0], s1  }
0x194: {  	s0 =	simm.s32 @!p0 $0x6  }
0x195: {  	_ =	swait.ge @!p0 [sflag:s0], s1  }
0x196: {  	s1 =	ssub.s32 @!p0 $0x0, s1;
	[sflag:s0] =	ssyncset.done @!p0 $0x0  }
0x197: {  	[sflag:s0] =	ssyncadd.s32 @!p0 s1  }
0x198: {  	[bflag:$0x3] =	sbarrier.arrive $0xFFFF  }
0x199: {  	_ =	shalt  }

// kernel: kernel.8.cloned.1.call-start
scs
__scs_entry_jumppad:
0x0: {  	(pc) =	sbr.rel $0x88, $3  }
0x1: {  	(tag) =	ssettag $0x0;
	lr =	simm.s32 $0x1  }
0x2: {  	[smem:$0x3F9B] =	sst lr;
	_ =	strace $0xD0000000  }
0x3: {  	_ = 	snop  }
0x4: {  	_ = 	snop  }
0x5: {  	_ = 	snop  }
0x6: {  	_ = 	snop  }
0x7: {  	_ = 	snop  }
__scs_overlays_trampoline_lowered:
0x8: {  	[smem:$0x3FAA] =	sst s0  }
0x9: {  	[smem:$0x3FAB] =	sst s1  }
0xa: {  	[smem:$0x3FAC] =	sst s2  }
0xb: {  	[smem:$0x3FAD] =	sst s3  }
0xc: {  	[smem:$0x3FAE] =	sst s4  }
0xd: {  	[smem:$0x3FAF] =	sst s5  }
0xe: {  	[smem:$0x3FB0] =	sst s6  }
0xf: {  	[smem:$0x3FB1] =	sst s7  }
0x10: {  	[smem:$0x3FB2] =	sst s8  }
0x11: {  	[smem:$0x3FB3] =	sst s9;
	s0 =	simm.s32 @!p0 $0x0  }
0x12: {  	s1 =	sld [smem:$0x3F99];
	s0 =	simm.s32 @p0 $0x1  }
0x13: {  	[smem:$0x3FB4] =	sst s0;
	s0 =	simm.s32 @!p1 $0x0  }
0x14: {  	s2 =	sld [smem:$0x3F98];
	s0 =	simm.s32 @p1 $0x1  }
0x15: {  	[smem:$0x3FB5] =	sst s0;
	s0 =	simm.s32 @!p2 $0x0  }
0x16: {  	s3 =	sld [smem:$0x3FDB];
	s0 =	simm.s32 @p2 $0x1  }
0x17: {  	s4 =	simm.s32 $0x1BF5;
	[smem:$0x3FB7] =	sst s0  }
0x18: {  	s0 =	sld [smem:$0x3F9A];
	_ =	swait.ge [sflag:s4], $0x0  }
0x19: {  	s7 =	sld [smem:$0x3F9B]  }
0x1a: {  	s8 =	sadd.s32 $0xFFFFE003, lr  }
0x1b: {  	s9 =	sadd.s32 $0xFFFFFEF7, lr;
	s5 =	simm.s32 $0xFFFFFFFF;
	p2 =	slt.u32 s8, $0xFFFFF086  }
0x1c: {  	p1 =	slt.u32 s9, $0xF7A;
	s5 =	simm.s32 @!p2 $0x0  }
0x1d: {  	s5 =	simm.s32 @p1 $0x1;
	p0 =	seq.s32 s7, s2  }
0x1e: {  	s7 =	smul.u32 @!p0 $0xF7A, s2;
	p2 =	seq.s32 @!p0 s5, $0x0  }
0x1f: {  	s9 =	smul.u32 $0xF7A, s1;
	s8 =	simm.s32 @!p0 $0x1BF5;
	p2 =	por !p2, p0  }
0x20: {  	[sflag:s8] =	ssyncset.s32 @!p0 $0xFFFFF086;
	s6 =	sadd.s32 @!p0 s3, s7;
	s7 =	simm.s32 @!p0 $0x108  }
0x21: {  	s3 =	sadd.s32 s3, s9;
	s6 =	sadd.s32 @!p0 $0x88, s6;
	s7 =	simm.s32 @p2 $0x1082  }
0x22: {  	[simem:s7], [sflag:s8] =	dma.local @!p0 [hbm:s6], $0xF7A  }
0x23: {  	s9 =	sor.u32 $0xD0000000, s2;
	s6 =	simm.s32 $0x108;
	_ =	swait.ge @!p0 [sflag:s8], $0x0  }
0x24: {  	s3 =	sadd.s32 $0x88, s3;
	s6 =	simm.s32 @!p1 $0x1082;
	[sflag:s4] =	ssyncset.s32 $0xFFFFF086  }
0x25: {  	[simem:s6], [sflag:s4] =	dma.local [hbm:s3], $0xF7A  }
0x26: {  	[smem:$0x3F9B] =	sst s1;
	(tag) =	ssettag s2;
	_ =	strace s9  }
0x27: {  	s1 =	sld [smem:$0x3FAB]  }
0x28: {  	s2 =	sld [smem:$0x3FAC]  }
0x29: {  	s4 =	sld [smem:$0x3FAE]  }
0x2a: {  	p0 =	seq.s32 s5, $0x0;
	s5 =	sld [smem:$0x3FAF]  }
0x2b: {  	s6 =	sld [smem:$0x3FB0]  }
0x2c: {  	s7 =	sld [smem:$0x3FB1]  }
0x2d: {  	s3 =	simm.s32 $0x108;
	s8 =	sld [smem:$0x3FB2]  }
0x2e: {  	s3 =	simm.s32 @!p0 $0x1082;
	s9 =	sld [smem:$0x3FB3]  }
0x2f: {  	lr =	sadd.s32 s0, s3;
	s0 =	sld [smem:$0x3FAA]  }
0x30: {  	s3 =	sld [smem:$0x3FAD]  }
0x31: {  	[smem:$0x3FB6] =	sst s10  }
0x32: {  	s10 =	sld [smem:$0x3FB4];
	_ =	sdelay $0x3  }
0x33: {  	p0 =	seq.s32 s10, $0x1;
	s10 =	sld [smem:$0x3FB6];
	_ =	sdelay $0x3  }
0x34: {  	[smem:$0x3FB6] =	sst s10  }
0x35: {  	s10 =	sld [smem:$0x3FB5];
	_ =	sdelay $0x3  }
0x36: {  	p1 =	seq.s32 s10, $0x1;
	s10 =	sld [smem:$0x3FB6];
	_ =	sdelay $0x3  }
0x37: {  	[smem:$0x3FB6] =	sst s10  }
0x38: {  	s10 =	sld [smem:$0x3FB7]  }
0x39: {  	_ = 	snop;
	(pc) =	sbr.ind lr, $3  }
0x3a: {  	_ = 	snop  }
0x3b: {  	_ = 	snop  }
0x3c: {  	p2 =	seq.s32 s10, $0x1;
	s10 =	sld [smem:$0x3FB6]  }
0x3d: {  	_ =	shalt  }
0x3e: {  	_ =	shalt  }
0x3f: {  	_ =	shalt  }
0x40: {  	_ =	shalt  }
0x41: {  	_ =	shalt  }
0x42: {  	_ =	shalt  }
0x43: {  	_ =	shalt  }
0x44: {  	_ =	shalt  }
0x45: {  	_ =	shalt  }
0x46: {  	_ =	shalt  }
0x47: {  	_ =	shalt  }
0x48: {  	_ =	shalt  }
0x49: {  	_ =	shalt  }
0x4a: {  	_ =	shalt  }
0x4b: {  	_ =	shalt  }
0x4c: {  	_ =	shalt  }
0x4d: {  	_ =	shalt  }
0x4e: {  	_ =	shalt  }
0x4f: {  	_ =	shalt  }
0x50: {  	_ =	shalt  }
0x51: {  	_ =	shalt  }
0x52: {  	_ =	shalt  }
0x53: {  	_ =	shalt  }
0x54: {  	_ =	shalt  }
0x55: {  	_ =	shalt  }
0x56: {  	_ =	shalt  }
0x57: {  	_ =	shalt  }
0x58: {  	_ =	shalt  }
0x59: {  	_ =	shalt  }
0x5a: {  	_ =	shalt  }
0x5b: {  	_ =	shalt  }
0x5c: {  	_ =	shalt  }
0x5d: {  	_ =	shalt  }
0x5e: {  	_ =	shalt  }
0x5f: {  	_ =	shalt  }
0x60: {  	_ =	shalt  }
0x61: {  	_ =	shalt  }
0x62: {  	_ =	shalt  }
0x63: {  	_ =	shalt  }
0x64: {  	_ =	shalt  }
0x65: {  	_ =	shalt  }
0x66: {  	_ =	shalt  }
0x67: {  	_ =	shalt  }
0x68: {  	_ =	shalt  }
0x69: {  	_ =	shalt  }
0x6a: {  	_ =	shalt  }
0x6b: {  	_ =	shalt  }
0x6c: {  	_ =	shalt  }
0x6d: {  	_ =	shalt  }
0x6e: {  	_ =	shalt  }
0x6f: {  	_ =	shalt  }
0x70: {  	_ =	shalt  }
0x71: {  	_ =	shalt  }
0x72: {  	_ =	shalt  }
0x73: {  	_ =	shalt  }
0x74: {  	_ =	shalt  }
0x75: {  	_ =	shalt  }
0x76: {  	_ =	shalt  }
0x77: {  	_ =	shalt  }
0x78: {  	_ =	shalt  }
0x79: {  	_ =	shalt  }
0x7a: {  	_ =	shalt  }
0x7b: {  	_ =	shalt  }
0x7c: {  	_ =	shalt  }
0x7d: {  	_ =	shalt  }
0x7e: {  	_ =	shalt  }
0x7f: {  	_ =	shalt  }
0x80: {  	_ =	shalt  }
0x81: {  	_ =	shalt  }
0x82: {  	_ =	shalt  }
0x83: {  	_ =	shalt  }
0x84: {  	_ =	shalt  }
0x85: {  	_ =	shalt  }
0x86: {  	_ =	shalt  }
0x87: {  	_ =	shalt  }
.Lfunc_end0:
.L_simem_size_0:
called_computation_lowered:
.L_overlay_start_0:
0x88: {  	s2 =	sld [smem:$0x3FD9]  }
0x89: {  	s3 =	sld [smem:$0x3FFE];
	_ =	sdelay $0x1  }
0x8a: {  	s1 =	srdreg.scid  }
0x8b: {  	s0 =	sand.u32 $0x1, s1  }
0x8c: {  	s17 =	sshll.u32 s0, $0xA;
	s2 =	sadd.s32 s3, s2  }
0x8d: {  	s2 =	sadd.s32 s2, s17  }
0x8e: {  	[smem:$0x3FC2] =	sst s2  }
0x8f: {  	_ = 	snop  }
0x90: {  	s2 =	sld [smem:$0x3FC8]  }
0x91: {  	s18 =	sld [smem:$0x3FD0];
	(tm) =	ssettm $0x1  }
0x92: {  	s4 =	sld [smem:$0x3FFB];
	_ =	sdelay $0x3  }
0x93: {  	_ =	strace s4  }
0x94: {  	s4 =	sld [smem:$0x3FFC];
	_ =	sdelay $0x3  }
0x95: {  	_ =	strace s4  }
0x96: {  	s4 =	sld [smem:$0x3FFD];
	_ =	sdelay $0x3  }
0x97: {  	_ =	strace s4  }
0x98: {  	_ =	strace $0x8FFFFFFF  }
0x99: {  	s19 =	sld [smem:$0x3FDB];
	_ =	sdelay $0x1  }
0x9a: {  	s5 =	simm.s32 $_scs_section_size  }
0x9b: {  	s6 =	simm.s32 $_size__tile_overlayer_lowered;
	s7 =	simm.s32 $_tile_overlayer_lowered  }
0x9c: {  	s22 =	simm.s32 $0x1BFF;
	s21 =	sshll.u32 s7, $0x1;
	s4 =	sadd.s32 s5, s19  }
0x9d: {  	s8 =	simm.s32 $0x0;
	s20 =	sshll.u32 s6, $0x1;
	s6 =	sadd.s32 s21, s4  }
0x9e: {  	[timem:s8], [sflag:s22] =	dma.local [hbm:s6], s20  }
0x9f: {  	_ =	swait.ge [sflag:s22], s20  }
0xa0: {  	s5 =	ssub.s32 $0x0, s20;
	[sflag:s22] =	ssyncset.done $0x0  }
0xa1: {  	[sflag:s22] =	ssyncadd.s32 s5;
	_ =	sdelay $0x1  }
0xa2: {  	s23 =	simm.s32 $0x1B8B  }
0xa3: {  	_ =	swait.ge [sflag:s23], $0x1  }
0xa4: {  	[sflag:s23] =	ssyncset.done $0x0  }
0xa5: {  	s25 =	simm.s32 $0x1B8E;
	s24 =	sld [smem:$0x3FFE];
	[sflag:s23] =	ssyncadd.s32 $0xFFFFFFFF  }
0xa6: {  	s26 =	simm.s32 $execute0_lowered;
	[smem:$0x3FD2] =	sst s25  }
0xa7: {  	s6 =	sshll.u32 s26, $0x1;
	_ =	strace $0x80000046;
	[dreg:$0x1] =	wrdreg $0xFFFFFFFF  }
0xa8: {  	s28 =	simm.s32 $_size_execute0_lowered;
	s4 =	sadd.s32 s4, s6;
	[dreg:$0x0] =	wrdreg $0x0  }
0xa9: {  	s6 =	sshll.u32 s28, $0x1;
	[dreg:$0x2] =	wrdreg s4  }
0xaa: {  	[dreg:$0x3] =	wrdreg s6  }
0xab: {  	[dreg:$0x4] =	wrdreg $0xC0  }
0xac: {  	_ =	task [dreg:s8], $0x5FFFF  }
0xad: {  	[dreg:$0x1] =	wrdreg $0xFFFFFFFF  }
0xae: {  	[dreg:$0x0] =	wrdreg $0x60  }
0xaf: {  	[dreg:$0x2] =	wrdreg s2  }
0xb0: {  	[dreg:$0x3] =	wrdreg s24  }
0xb1: {  	[dreg:$0x4] =	wrdreg s18  }
0xb2: {  	[dreg:$0x5] =	wrdreg $0xAD000  }
0xb3: {  	[dreg:$0x6] =	wrdreg $0x9  }
0xb4: {  	_ =	task.clear_ibuf [dreg:s8], $0x7FFFF;
	_ =	strace $0x90000046  }
0xb5: {  	s29 =	simm.s32 $0x9;
	_ =	strace $0x80000048  }
0xb6: {  	_ =	swait.ge [sflag:s29], $0x1  }
0xb7: {  	[sflag:s29] =	ssyncadd.s32 $0xFFFFFFFF  }
0xb8: {  	_ =	strace $0x90000048  }
0xb9: {  	_ =	sfence  }
0xba: {  	s30 =	sld [smem:$0x0];
	_ =	sdelay $0x2  }
0xbb: {  	s31 =	sshll.u32 s1, $0xD;
	s1 =	sshrl.u32 s1, $0x2  }
0xbc: {  	s3 =	sand.u32 $0x4000, s31;
	s1 =	sadd.s32 s1, s30  }
0xbd: {  	s0 =	sor.u32 s3, s0;
	s1 =	sshll.u32 s1, $0x11  }
0xbe: {  	s0 =	sor.u32 s1, s0  }
0xbf: {  	s0 =	sadd.s32 $0x8F2B, s0  }
0xc0: {  	[sflag:s0] =	ssyncadd.remote.s32 $0x1  }
0xc1: {  	_ =	sfence.sel $0xFFFF  }
0xc2: {  	[dreg:$0x0] =	wrdreg $0xFFFFFFFF;
	(pc) =	sbr.abs _section_cstart, $3  }
0xc3: {  	[dreg:$0x1] =	wrdreg $0xFFFFFFFF  }
0xc4: {  	_ =	task.clear_ibuf [dreg:s8], $0x2FFFF;
	_ =	strace $0x9FFFFFFF  }
0xc5: {  	(tm) =	ssettm $0x7FFFFFFF  }
tec
execute0_lowered:
.L_overlay_start_1:
0x0: {  	(tag) =	ssettag $0x1  }
0x1: {  	s0 =	rddreg [dreg:$0x0]  }
0x2: {  	s1 =	rddreg [dreg:$0x1];
	s2 =	srdreg.scid  }
0x3: {  	s17 =	stileid.u32;
	s5 =	rddreg [dreg:$0x2];
	s3 =	simm.s32 $0x0  }
0x4: {  	s28 =	simm.s32 $0x1;
	s30 =	simm.s32 $0x1400;
	s31 =	simm.s32 $0x5000  }
0x5: {  	s4 =	sand.u32 $0x1, s2;
	s6 =	smul.u32 $0xC40, s17;
	s2 =	rddreg [dreg:$0x3]  }
0x6: {  	s8 =	sshll.u32 s17, $0x1;
	[smem:$0x7FF] =	sst s3;
	p0 =	sgt.u32 s17, $0x4  }
0x7: {  	s7 =	smul.u32 $0xC400, s4;
	s8 =	sor.u32 s4, s8;
	s4 =	ssub.s32 $0x2, s4  }
0x8: {  	_ =	strace $0x80000047;
	s9 =	smul.u32 $0x6180, s8;
	s29 =	sshrl.u32 s4, $0x1  }
0x9: {  	s10 =	smul.u32 $0x1860, s8;
	s8 =	sor.u32 $0x1860, s8;
	s7 =	sadd.s32 s6, s7  }
0xa: {  	s14 =	ssub.s32 s4, s29;
	s4 =	sadd.s32 s6, s2;
	s23 =	sshll.u32 s8, $0x5  }
0xb: {  	s25 =	sshll.u32 s8, $0x4;
	s7 =	sshrl.u32 s7, $0x3;
	s12 =	sadd.s32 $0x1400, s9  }
0xc: {  	s15 =	sadd.s32 s0, s10;
	s16 =	sshrl.u32 s9, $0x3;
	s18 =	sadd.s32 $0x2800, s9  }
0xd: {  	s21 =	sadd.s32 $0x5000, s9;
	s29 =	smax.u32 s14, $0x1;
	s11 =	sadd.s32 s7, s1  }
0xe: {  	s1 =	sadd.s32 $0x5400, s1;
	s13 =	sshrl.u32 s12, $0x2;
	[dreg:$0x5] =	wrdreg s15  }
0xf: {  	s7 =	sadd.s32 s5, s16;
	s19 =	sshrl.u32 s18, $0x2;
	s12 =	sshrl.u32 s12, $0x3  }
0x10: {  	s15 =	sadd.s32 $0x3C00, s9;
	[dreg:$0x13] =	wrdreg s29;
	s6 =	sadd.s32 s0, s13  }
0x11: {  	s9 =	sshrl.u32 s21, $0x2;
	s10 =	sadd.s32 s0, s19;
	[dreg:$0x6] =	wrdreg s6  }
0x12: {  	s13 =	sshrl.u32 s15, $0x2;
	s9 =	sadd.s32 s0, s9;
	[dreg:$0x8] =	wrdreg s10  }
0x13: {  	s22 =	sshrl.u32 s15, $0x3;
	s26 =	sadd.s32 $0x2200, s11;
	[dreg:$0xc] =	wrdreg s9  }
0x14: {  	s15 =	simm.s32 $0xA080;
	s6 =	sadd.s32 s1, s16;
	[dreg:$0x12] =	wrdreg s26  }
0x15: {  	s10 =	sadd.s32 s5, s12;
	s12 =	sadd.s32 s1, s12;
	[dreg:$0x7] =	wrdreg s6  }
0x16: {  	s20 =	sadd.s32 s0, s13;
	s16 =	sadd.s32 s5, s22;
	[dreg:$0x9] =	wrdreg s12  }
0x17: {  	s0 =	sadd.s32 s0, s23;
	s26 =	simm.s32 $0x6;
	[dreg:$0xa] =	wrdreg s20  }
0x18: {  	s6 =	sshrl.u32 s18, $0x3;
	s12 =	sadd.s32 s1, s22;
	[dreg:$0xe] =	wrdreg s0  }
0x19: {  	s0 =	sadd.s32 s1, s25;
	s13 =	sadd.s32 s5, s6;
	[dreg:$0xd] =	wrdreg s12  }
.Ltmp0:
0x1a: {  	s6 =	sadd.s32 s1, s6;
	[dreg:$0x11] =	wrdreg s0;
	(pc) =	sbr.rel .LBB2_1-.Ltmp0, $4  }
0x1b: {  	s18 =	simm.s32 $0x3;
	[dreg:$0xb] =	wrdreg s6;
	s6 =	sshrl.u32 s21, $0x3  }
0x1c: {  	s0 =	simm.s32 $0x2;
	s21 =	simm.s32 $0x5;
	s24 =	sadd.s32 s1, s6  }
0x1d: {  	s19 =	sadd.s32 s5, s6;
	s5 =	sadd.s32 s5, s25;
	[dreg:$0xf] =	wrdreg s24  }
0x1e: {  	v0 =	vimm.f32 $1.000000000e+00;
	v1 =	vimm.f32 $0.0e+00;
	s6 =	simm.s32 $0x0;
	[dreg:$0x10] =	wrdreg s5;
	s5 =	simm.s32 $0x4  }
.LBB2_28:
0x1f: {  	[tilespmem:s8+$0x0] =	vst v2;
	s1 =	simm.s32 $0x7880;
	s24 =	simm.s32 $0x80;
	s9 =	simm.s32 $0x7800  }
0x20: {  	[spmem:s2] =	stream.indirect.scatter.add.f32 [tilespmem:s1], [sflag:$0x6], $0x1, s9, s24, $0xb8;
	[tilespmem:$0xB940] =	vst v63  }
0x21: {  	_ =	swait.ge [sflag:s26], $0x80  }
0x22: {  	[sflag:s26] =	ssyncset.done $0x0  }
0x23: {  	s25 =	rddreg [dreg:$0x10];
	[sflag:s26] =	ssyncadd.s32 $0xFFFFFF80  }
0x24: {  	[hbm4b:s25+s3] =	stream.linear.scatter [tilespmem:s3], [sflag:$0x6], $0x80, $0x38;
	[tilespmem:$0xB940] =	vst v63  }
0x25: {  	_ =	swait.ge [sflag:s26], $0x80  }
0x26: {  	[sflag:s26] =	ssyncset.done $0x0  }
0x27: {  	s29 =	rddreg [dreg:$0x11];
	[sflag:s26] =	ssyncadd.s32 $0xFFFFFF80  }
0x28: {  	[hbm4b:s29+s3] =	stream.linear.scatter [tilespmem:s9], [sflag:$0x6], $0x80, $0x38;
	[tilespmem:$0xB940] =	vst v63  }
0x29: {  	_ =	swait.ge [sflag:s26], $0x80  }
0x2a: {  	[sflag:s26] =	ssyncset.done $0x0  }
0x2b: {  	[sflag:s26] =	ssyncadd.s32 $0xFFFFFF80  }
.LBB2_29:
0x2c: {  	[bflag:$0x0] =	sbarrier.arrive $0xFFFF  }
0x2d: {  	[tilespmem:s15], [sflag:$0x6] =	stream.linear.gather [spmem:s4], $0xC40, $0x38;
	[tilespmem:$0xB940] =	vst v63  }
0x2e: {  	_ =	swait.ge [sflag:s26], $0xC40  }
0x2f: {  	[sflag:s26] =	ssyncset.done $0x0  }
0x30: {  	s1 =	rddreg [dreg:$0x12];
	[sflag:s26] =	ssyncadd.s32 $0xFFFFF3C0  }
0x31: {  	[hbm4b:s1+s3] =	stream.linear.scatter [tilespmem:s15], [sflag:$0x6], $0xC40, $0x38;
	[tilespmem:$0xB940] =	vst v63  }
0x32: {  	_ =	swait.ge [sflag:s26], $0xC40  }
0x33: {  	s6 =	sadd.s32 $0x1, s6;
	s29 =	rddreg [dreg:$0x13]  }
0x34: {  	p1 =	sne.s32 s6, s29  }
.Ltmp1:
0x35: {  	_ = 	snop;
	(pc) =	sbr.rel @!p1 .LBB2_30-.Ltmp1, $3  }
0x36: {  	_ =	sdelay $0x1  }
0x37: {  	[sflag:s26] =	ssyncset.done $0x0  }
0x38: {  	[sflag:s26] =	ssyncadd.s32 $0xFFFFF3C0  }
.LBB2_1:
0x39: {  	s9 =	simm.s32 $0x78A0  }
0x3a: {  	[tilespmem:s9+$0x10] =	vst v0  }
0x3b: {  	[tilespmem:s9+$0xFFFFFFF0] =	vst v0  }
0x3c: {  	p1 =	por $0x1, $0x1;
	[tilespmem:s9+$0x0] =	vst v0  }
0x3d: {  	s8 =	simm.s32 $0x8CA0;
	p4 =	por $0x1, $0x1;
	v2 =	vpsel !p1, $0x0, v0;
	[tilespmem:s9+$0xFFFFFFE0] =	vst v0  }
0x3e: {  	p5 =	por $0x1, $0x1;
	[tilespmem:s8+$0x10] =	vst v2;
	v2 =	vpsel !p4, $0x0, v0  }
0x3f: {  	p6 =	por $0x1, $0x1;
	[tilespmem:s8+$0xFFFFFFF0] =	vst v2;
	v2 =	vpsel !p5, $0x0, v0  }
0x40: {  	s11 =	simm.s32 $0x40;
	s14 =	simm.s32 $0x70;
	s12 =	simm.s32 $0x80;
	[tilespmem:s8+$0x0] =	vst v2;
	v2 =	vpsel !p6, $0x0, v0  }
.LBB2_2:
0x41: {  	p1 =	slt.u32 s12, $0x13C0;
	p2 =	slt.u32 s14, $0x1180;
	[tilespmem:s8+$0xFFFFFFE0] =	vst v2;
	s9 =	sadd.s32 $0x40, s9  }
0x42: {  	s14 =	sadd.s32 $0x10, s11;
	s8 =	sadd.s32 $0x40, s8;
	[tilespmem:s9+$0x10] =	vst v0;
	v2 =	vpsel !p2, $0x0, v0  }
0x43: {  	p2 =	slt.u32 s14, $0x1180;
	[tilespmem:s8+$0x10] =	vst v2  }
.Ltmp2:
0x44: {  	s14 =	sadd.s32 $0x20, s11;
	v2 =	vpsel !p2, $0x0, v0;
	[tilespmem:s9+$0xFFFFFFF0] =	vst v0;
	(pc) =	sbr.rel @p1 .LBB2_2-.Ltmp2, $4  }
0x45: {  	p2 =	slt.u32 s14, $0x1180;
	[tilespmem:s8+$0xFFFFFFF0] =	vst v2  }
0x46: {  	v2 =	vpsel !p2, $0x0, v0;
	[tilespmem:s9+$0x0] =	vst v0  }
0x47: {  	p2 =	slt.u32 s11, $0x1180;
	s11 =	smov.u32 s12;
	[tilespmem:s8+$0x0] =	vst v2  }
0x48: {  	s12 =	sadd.s32 $0x40, s12;
	s14 =	sadd.s32 $0x30, s11;
	v2 =	vpsel !p2, $0x0, v0;
	[tilespmem:s9+$0xFFFFFFE0] =	vst v0  }
0x49: {  	[tilespmem:s8+$0xFFFFFFE0] =	vst v2;
	s9 =	sadd.s32 $0x40, s9  }
0x4a: {  	[tilespmem:s9+$0x10] =	vst v0  }
0x4b: {  	[tilespmem:s9+$0xFFFFFFF0] =	vst v0  }
0x4c: {  	p1 =	slt.u32 s14, $0x1180;
	s12 =	sadd.s32 $0x10, s11;
	[tilespmem:s9+$0x0] =	vst v0  }
0x4d: {  	s25 =	sadd.s32 $0x40, s8;
	s29 =	sadd.s32 $0x20, s11;
	v2 =	vpsel !p1, $0x0, v0;
	p4 =	slt.u32 s12, $0x1180;
	[tilespmem:s9+$0xFFFFFFE0] =	vst v0  }
0x4e: {  	p5 =	slt.u32 s29, $0x1180;
	[tilespmem:s25+$0x10] =	vst v2;
	v2 =	vpsel !p4, $0x0, v0  }
0x4f: {  	p6 =	slt.u32 s11, $0x1180;
	p1 =	por $0x1, $0x1;
	[tilespmem:s25+$0xFFFFFFF0] =	vst v2;
	v2 =	vpsel !p5, $0x0, v0  }
.Ltmp3:
0x50: {  	[tilespmem:s25+$0x0] =	vst v2;
	v2 =	vpsel !p6, $0x0, v0;
	(pc) =	sbr.rel @!p1 .LBB2_5-.Ltmp3, $4  }
0x51: {  	s8 =	simm.s32 $0xA0A0;
	[tilespmem:s25+$0xFFFFFFE0] =	vst v2  }
0x52: {  	[tilespmem:s8+$0xFFFFFFE0] =	vst v1  }
0x53: {  	[tilespmem:s8+$0x10] =	vst v1  }
0x54: {  	s9 =	simm.s32 $0x0;
	[tilespmem:s8+$0x0] =	vst v1  }
.LBB2_4:
0x55: {  	s9 =	sadd.s32 $0x40, s9  }
0x56: {  	[tilespmem:s8+$0xFFFFFFF0] =	vst v1;
	s8 =	sadd.s32 $0x40, s8;
	p1 =	slt.u32 s9, $0xC00  }
.Ltmp4:
0x57: {  	[tilespmem:s8+$0xFFFFFFE0] =	vst v1;
	(pc) =	sbr.rel @p1 .LBB2_4-.Ltmp4, $3  }
0x58: {  	_ =	sdelay $0x1  }
0x59: {  	[tilespmem:s8+$0x10] =	vst v1  }
0x5a: {  	[tilespmem:s8+$0x0] =	vst v1  }
.LBB2_5:
0x5b: {  	[tilespmem:s8+$0xFFFFFFF0] =	vst v1  }
0x5c: {  	[spmem:s4] =	stream.linear.scatter [tilespmem:s15], [sflag:$0x6], $0xC40, $0x38;
	[tilespmem:$0xB940] =	vst v63  }
0x5d: {  	_ =	swait.ge [sflag:s26], $0xC40  }
0x5e: {  	[sflag:s26] =	ssyncset.done $0x0  }
0x5f: {  	s22 =	simm.s32 $0x0;
	s1 =	rddreg [dreg:$0x5];
	[sflag:s26] =	ssyncadd.s32 $0xFFFFF3C0  }
0x60: {  	[tilespmem:s22], [sflag:$0x1] =	stream.linear.gather [hbm4b:s1+s22], $0x2800, $0x38;
	[tilespmem:$0xB940] =	vst v63  }
0x61: {  	[bflag:$0x0] =	sbarrier.arrive $0xFFFF  }
0x62: {  	s9 =	simm.s32 $0x2800;
	_ =	swait.ge [sflag:s28], $0x2800  }
0x63: {  	s24 =	simm.s32 $0x0;
	s25 =	simm.s32 $0x0;
	[sflag:s28] =	ssyncset.done $0x0  }
0x64: {  	s11 =	sand.u32 $0x40, s24;
	s23 =	rddreg [dreg:$0x6];
	[sflag:s28] =	ssyncadd.s32 $0xFFFFD800  }
0x65: {  	[tilespmem:s9], [sflag:$0x2] =	stream.linear.gather [hbm4b:s23+s22], $0x2800, $0x38;
	[tilespmem:$0xB940] =	vst v63  }
0x66: {  	s12 =	sor.u32 $0x10, s11;
	s9 =	sand.u32 $0x3F00, s25  }
0x67: {  	s14 =	sor.u32 $0x20, s11;
	s29 =	sor.u32 s12, s9  }
0x68: {  	s8 =	sand.u32 $0x1F80, s24;
	s17 =	sor.u32 $0x30, s11;
	s20 =	sor.u32 s14, s9;
	v2 =	vld [tilespmem:s29+$0x80]  }
0x69: {  	s15 =	sadd.s32 $0x5000, s8;
	s8 =	simm.s32 $0x40;
	s23 =	sor.u32 s17, s9;
	v3 =	vld [tilespmem:s20+$0x80]  }
0x6a: {  	s1 =	simm.s32 $0x80;
	s9 =	sor.u32 s11, s9;
	v4 =	vld [tilespmem:s23+$0x80];
	s20 =	sand.u32 $0x40, s8  }
0x6b: {  	s24 =	sand.u32 $0x1F80, s8;
	s11 =	sand.u32 $0x3F00, s1;
	v6 =	vld [tilespmem:s9+$0x80];
	s23 =	sor.u32 $0x10, s20  }
0x6c: {  	s12 =	sor.u32 s12, s15;
	s29 =	sor.u32 $0x20, s20;
	s25 =	sor.u32 s23, s11  }
0x6d: {  	s22 =	sor.u32 s14, s15;
	s1 =	sor.u32 s29, s11;
	[tilespmem:s12+$0x0] =	vst v2;
	s12 =	sor.u32 $0x30, s20;
	v2 =	vld [tilespmem:s25+$0x80]  }
0x6e: {  	s15 =	sor.u32 s17, s15;
	[tilespmem:s22+$0x0] =	vst v3;
	s22 =	sadd.s32 $0x5000, s24;
	v3 =	vld [tilespmem:s1+$0x80];
	s25 =	sor.u32 s12, s11  }
0x6f: {  	s9 =	simm.s32 $0x5000;
	[tilespmem:s15+$0x0] =	vst v4;
	s11 =	sor.u32 s20, s11;
	s14 =	sor.u32 s23, s22;
	v5 =	vld [tilespmem:s25+$0x80]  }
0x70: {  	[tilespmem:s9+$0x0] =	vst v6;
	s15 =	sor.u32 s29, s22;
	s12 =	sor.u32 s12, s22;
	v4 =	vld [tilespmem:s11+$0x80];
	s11 =	simm.s32 $0x400  }
.LBB2_6:
0x71: {  	s8 =	sadd.s32 $0x40, s8;
	s17 =	sshrl.u32 s11, $0x2  }
0x72: {  	s9 =	sadd.s32 $0x40, s9;
	s20 =	sand.u32 $0x40, s8;
	s17 =	sand.u32 $0x3F00, s17  }
0x73: {  	s23 =	sand.u32 $0x1F80, s8;
	[tilespmem:s14+$0x0] =	vst v2;
	p1 =	slt.u32 s8, $0x13C0;
	s14 =	sor.u32 $0x10, s20  }
0x74: {  	s24 =	sor.u32 $0x20, s20;
	s29 =	sor.u32 $0x30, s20;
	[tilespmem:s15+$0x0] =	vst v3;
	s23 =	sadd.s32 $0x5000, s23  }
.Ltmp5:
0x75: {  	s15 =	sor.u32 s14, s17;
	s25 =	sor.u32 s24, s17;
	[tilespmem:s12+$0x0] =	vst v5;
	(pc) =	sbr.rel @p1 .LBB2_6-.Ltmp5, $4  }
0x76: {  	s20 =	sor.u32 s20, s17;
	s14 =	sor.u32 s14, s23;
	s17 =	sor.u32 s29, s17;
	v2 =	vld [tilespmem:s15+$0x80];
	[tilespmem:s9+$0x0] =	vst v4  }
0x77: {  	s12 =	sor.u32 s29, s23;
	s15 =	sor.u32 s24, s23;
	v3 =	vld [tilespmem:s25+$0x80]  }
0x78: {  	v5 =	vld [tilespmem:s17+$0x80]  }
0x79: {  	s11 =	sadd.s32 $0x200, s11;
	v4 =	vld [tilespmem:s20+$0x80]  }
0x7a: {  	_ = 	snop  }
0x7b: {  	[tilespmem:s14+$0x0] =	vst v2  }
0x7c: {  	s1 =	smov.u32 s4;
	[tilespmem:s15+$0x0] =	vst v3  }
0x7d: {  	s8 =	sadd.s32 $0x40, s9;
	s29 =	simm.s32 $0x7880;
	s9 =	simm.s32 $0x10;
	[tilespmem:s12+$0x0] =	vst v5  }
0x7e: {  	s11 =	simm.s32 $0x100;
	s12 =	sadd.s32 $0x0, s7;
	[tilespmem:s8+$0x0] =	vst v4;
	s8 =	simm.s32 $0x0  }
0x7f: {  	[spmem:s2] =	stream.indirect.scatter.add.f32 [tilespmem:s29], [sflag:$0x3], $0x1, s31, s30, $0xb8;
	[tilespmem:$0xB940] =	vst v63  }
.LBB2_8:
0x80: {  	[hbm4b:s12+s3] =	stream.linear.scatter [tilespmem:s8], [sflag:$0x5], $0x80, $0x38;
	[tilespmem:$0xB940] =	vst v63  }
0x81: {  	s12 =	smov.u32 s9;
	s8 =	smov.u32 s11;
	p1 =	sne.s32 s9, $0x270  }
.Ltmp6:
0x82: {  	s9 =	sadd.s32 $0x10, s9;
	(pc) =	sbr.rel @p1 .LBB2_8-.Ltmp6, $2  }
0x83: {  	_ =	sdelay $0x2  }
0x84: {  	s11 =	sadd.s32 $0x100, s11;
	s12 =	sadd.s32 s12, s7  }
0x85: {  	[hbm4b:s12+s3] =	stream.linear.scatter [tilespmem:s8], [sflag:$0x5], $0x80, $0x38;
	[tilespmem:$0xB940] =	vst v63  }
0x86: {  	s23 =	simm.s32 $0x0;
	s4 =	rddreg [dreg:$0x7]  }
0x87: {  	[hbm4b:s4+s23] =	stream.linear.scatter [tilespmem:s31], [sflag:$0x5], $0x1400, $0x38;
	[tilespmem:$0xB940] =	vst v63  }
0x88: {  	_ =	swait.ge [sflag:s0], $0x2800  }
0x89: {  	[sflag:s0] =	ssyncset.done $0x0  }
0x8a: {  	[sflag:s0] =	ssyncadd.s32 $0xFFFFD800  }
0x8b: {  	_ =	swait.ge [sflag:s18], $0x1400  }
0x8c: {  	[sflag:s18] =	ssyncset.done $0x0  }
0x8d: {  	[sflag:s18] =	ssyncadd.s32 $0xFFFFEC00  }
0x8e: {  	s9 =	simm.s32 $0x0;
	s8 =	simm.s32 $0x6400;
	_ =	swait.ge [sflag:s21], $0x1400  }
0x8f: {  	s12 =	simm.s32 $0x40;
	s11 =	sand.u32 $0xFC00, s23;
	[sflag:s21] =	ssyncset.done $0x0  }
0x90: {  	s25 =	sand.u32 $0x1F80, s9;
	s9 =	sand.u32 $0x40, s9;
	[sflag:s21] =	ssyncadd.s32 $0xFFFFEC00  }
0x91: {  	s17 =	sand.u32 $0x1F80, s12;
	s29 =	sand.u32 $0x40, s12;
	_ =	swait.ge [sflag:s21], $0x1400  }
0x92: {  	s11 =	sshrl.u32 s11, $0x2;
	s20 =	sadd.s32 $0x6400, s25;
	[sflag:s21] =	ssyncset.done $0x0  }
0x93: {  	s11 =	sadd.s32 $0x2800, s11;
	s24 =	rddreg [dreg:$0x8];
	[sflag:s21] =	ssyncadd.s32 $0xFFFFEC00  }
0x94: {  	[tilespmem:s23], [sflag:$0x1] =	stream.linear.gather [hbm4b:s24+s23], $0x2800, $0x38;
	[tilespmem:$0xB940] =	vst v63  }
0x95: {  	s14 =	sor.u32 $0x30, s9;
	s15 =	sor.u32 s9, s11;
	s24 =	sor.u32 $0x20, s9  }
0x96: {  	s17 =	sadd.s32 $0x6400, s17;
	s9 =	sor.u32 $0x10, s9;
	v2 =	vld [tilespmem:s15+$0x80];
	s4 =	sor.u32 s24, s11  }
0x97: {  	s23 =	sor.u32 s14, s11;
	s25 =	sor.u32 s9, s11;
	s15 =	simm.s32 $0x200;
	v3 =	vld [tilespmem:s4+$0x80]  }
0x98: {  	s14 =	sor.u32 s14, s20;
	s11 =	sor.u32 s9, s20;
	v4 =	vld [tilespmem:s25+$0x80];
	s22 =	sand.u32 $0xFC00, s15  }
0x99: {  	s9 =	simm.s32 $0x6440;
	v5 =	vld [tilespmem:s23+$0x80];
	s20 =	sor.u32 s24, s20;
	s23 =	sshrl.u32 s22, $0x2  }
.LBB2_10:
0x9a: {  	s12 =	sadd.s32 $0x40, s12;
	s23 =	sadd.s32 $0x2800, s23;
	s24 =	sor.u32 $0x30, s29  }
0x9b: {  	[tilespmem:s8+$0x0] =	vst v2;
	s8 =	smov.u32 s9;
	s25 =	smov.u32 s17;
	s4 =	sor.u32 $0x20, s29  }
0x9c: {  	s17 =	sor.u32 s29, s23;
	s22 =	sor.u32 s24, s23;
	[tilespmem:s20+$0x0] =	vst v3;
	p1 =	slt.u32 s12, $0x13C0  }
.Ltmp7:
0x9d: {  	s20 =	sor.u32 s4, s23;
	v2 =	vld [tilespmem:s17+$0x80];
	s17 =	sor.u32 $0x10, s29;
	[tilespmem:s11+$0x0] =	vst v4;
	(pc) =	sbr.rel @p1 .LBB2_10-.Ltmp7, $4  }
0x9e: {  	s29 =	sand.u32 $0x1F80, s12;
	s23 =	sor.u32 s17, s23;
	s11 =	sor.u32 s17, s25;
	v3 =	vld [tilespmem:s20+$0x80];
	[tilespmem:s14+$0x0] =	vst v5  }
0x9f: {  	s9 =	sadd.s32 $0x40, s9;
	s15 =	sadd.s32 $0x200, s15;
	v4 =	vld [tilespmem:s23+$0x80]  }
0xa0: {  	s20 =	sand.u32 $0xFC00, s15;
	s17 =	sadd.s32 $0x6400, s29;
	s14 =	sor.u32 s24, s25;
	v5 =	vld [tilespmem:s22+$0x80]  }
0xa1: {  	s29 =	sand.u32 $0x40, s12;
	s23 =	sshrl.u32 s20, $0x2;
	s20 =	sor.u32 s4, s25  }
0xa2: {  	s4 =	sadd.s32 $0x2800, s23  }
0xa3: {  	s15 =	sor.u32 $0x20, s29;
	s12 =	sor.u32 s29, s4  }
0xa4: {  	s24 =	sor.u32 $0x10, s29;
	s22 =	sor.u32 s15, s4;
	v6 =	vld [tilespmem:s12+$0x80]  }
0xa5: {  	s25 =	sor.u32 $0x30, s29;
	[tilespmem:s8+$0x0] =	vst v2;
	s29 =	sor.u32 s24, s4;
	v2 =	vld [tilespmem:s22+$0x80]  }
0xa6: {  	s4 =	sor.u32 s25, s4;
	[tilespmem:s20+$0x0] =	vst v3;
	v3 =	vld [tilespmem:s29+$0x80]  }
0xa7: {  	[tilespmem:s11+$0x0] =	vst v4;
	v63 =	vld [tilespmem:s4+$0x80]  }
0xa8: {  	[tilespmem:s14+$0x0] =	vst v5  }
0xa9: {  	s22 =	sor.u32 s15, s17;
	[tilespmem:s9+$0x0] =	vst v6  }
0xaa: {  	s8 =	simm.s32 $0x2800;
	s24 =	sor.u32 s24, s17;
	[tilespmem:s22+$0x0] =	vst v2  }
0xab: {  	s25 =	sor.u32 s25, s17;
	s29 =	simm.s32 $0x7880;
	s12 =	sadd.s32 $0x0, s10;
	[tilespmem:s24+$0x0] =	vst v3  }
0xac: {  	s11 =	simm.s32 $0x2900;
	s14 =	simm.s32 $0x6400;
	[tilespmem:s25+$0x0] =	vst v63;
	s9 =	simm.s32 $0x10  }
0xad: {  	[spmem:s2] =	stream.indirect.scatter.add.f32 [tilespmem:s29], [sflag:$0x4], $0x1, s14, s30, $0xb8;
	[tilespmem:$0xB940] =	vst v63  }
.LBB2_12:
0xae: {  	[hbm4b:s12+s3] =	stream.linear.scatter [tilespmem:s8], [sflag:$0x5], $0x80, $0x38;
	[tilespmem:$0xB940] =	vst v63  }
0xaf: {  	s4 =	smov.u32 s9;
	s8 =	smov.u32 s11;
	p1 =	sne.s32 s9, $0x270  }
.Ltmp8:
0xb0: {  	s9 =	sadd.s32 $0x10, s9;
	(pc) =	sbr.rel @p1 .LBB2_12-.Ltmp8, $2  }
0xb1: {  	_ =	sdelay $0x2  }
0xb2: {  	s11 =	sadd.s32 $0x100, s11;
	s12 =	sadd.s32 s4, s10  }
0xb3: {  	[hbm4b:s12+s3] =	stream.linear.scatter [tilespmem:s8], [sflag:$0x5], $0x80, $0x38;
	[tilespmem:$0xB940] =	vst v63  }
0xb4: {  	s4 =	simm.s32 $0x0;
	s25 =	rddreg [dreg:$0x9]  }
0xb5: {  	[hbm4b:s25+s4] =	stream.linear.scatter [tilespmem:s14], [sflag:$0x5], $0x1400, $0x38;
	[tilespmem:$0xB940] =	vst v63  }
0xb6: {  	_ =	swait.ge [sflag:s28], $0x2800  }
0xb7: {  	[sflag:s28] =	ssyncset.done $0x0  }
0xb8: {  	[sflag:s28] =	ssyncadd.s32 $0xFFFFD800  }
0xb9: {  	_ =	swait.ge [sflag:s5], $0x1400  }
0xba: {  	[sflag:s5] =	ssyncset.done $0x0  }
0xbb: {  	[sflag:s5] =	ssyncadd.s32 $0xFFFFEC00  }
0xbc: {  	_ =	swait.ge [sflag:s21], $0x1400  }
0xbd: {  	[sflag:s21] =	ssyncset.done $0x0  }
0xbe: {  	[sflag:s21] =	ssyncadd.s32 $0xFFFFEC00  }
0xbf: {  	_ =	swait.ge [sflag:s21], $0x1400  }
0xc0: {  	[sflag:s21] =	ssyncset.done $0x0  }
0xc1: {  	s9 =	simm.s32 $0x2800;
	s29 =	rddreg [dreg:$0xa];
	[sflag:s21] =	ssyncadd.s32 $0xFFFFEC00  }
0xc2: {  	[tilespmem:s9], [sflag:$0x2] =	stream.linear.gather [hbm4b:s29+s4], $0x2800, $0x38;
	[tilespmem:$0xB940] =	vst v63  }
0xc3: {  	s9 =	simm.s32 $0x0  }
0xc4: {  	s12 =	simm.s32 $0x0;
	s14 =	sand.u32 $0x40, s9  }
0xc5: {  	s11 =	sand.u32 $0x3F00, s12;
	s22 =	sor.u32 $0x10, s14  }
0xc6: {  	s23 =	sor.u32 $0x20, s14;
	s8 =	sor.u32 s22, s11  }
0xc7: {  	s24 =	simm.s32 $0x80;
	s15 =	sor.u32 $0x30, s14;
	s17 =	sor.u32 s23, s11;
	v2 =	vld [tilespmem:s8+$0x80]  }
0xc8: {  	s4 =	sand.u32 $0x1F80, s9;
	s20 =	sor.u32 s15, s11;
	v3 =	vld [tilespmem:s17+$0x80];
	s8 =	simm.s32 $0x40  }
0xc9: {  	s4 =	sadd.s32 $0x5000, s4;
	s9 =	sor.u32 s14, s11;
	v4 =	vld [tilespmem:s20+$0x80];
	s17 =	sand.u32 $0x40, s8  }
0xca: {  	s12 =	sor.u32 s22, s4;
	v6 =	vld [tilespmem:s9+$0x80];
	s11 =	sand.u32 $0x3F00, s24;
	s20 =	sor.u32 $0x10, s17  }
0xcb: {  	s25 =	sor.u32 s23, s4;
	s22 =	sor.u32 $0x20, s17;
	s29 =	sor.u32 s20, s11  }
0xcc: {  	s4 =	sor.u32 s15, s4;
	s23 =	sand.u32 $0x1F80, s8;
	s24 =	sor.u32 s22, s11;
	[tilespmem:s12+$0x0] =	vst v2;
	v2 =	vld [tilespmem:s29+$0x80]  }
0xcd: {  	s23 =	sadd.s32 $0x5000, s23;
	s12 =	sor.u32 $0x30, s17;
	[tilespmem:s25+$0x0] =	vst v3;
	v3 =	vld [tilespmem:s24+$0x80];
	s29 =	sor.u32 s17, s11  }
0xce: {  	s9 =	simm.s32 $0x5000;
	s14 =	sor.u32 s20, s23;
	[tilespmem:s4+$0x0] =	vst v4;
	s25 =	sor.u32 s12, s11;
	v4 =	vld [tilespmem:s29+$0x80]  }
0xcf: {  	s15 =	sor.u32 s22, s23;
	[tilespmem:s9+$0x0] =	vst v6;
	s12 =	sor.u32 s12, s23;
	s11 =	simm.s32 $0x400;
	v5 =	vld [tilespmem:s25+$0x80]  }
.LBB2_14:
0xd0: {  	s8 =	sadd.s32 $0x40, s8;
	s4 =	sshrl.u32 s11, $0x2  }
0xd1: {  	s9 =	sadd.s32 $0x40, s9;
	s17 =	sand.u32 $0x40, s8;
	s4 =	sand.u32 $0x3F00, s4  }
0xd2: {  	s20 =	sand.u32 $0x1F80, s8;
	[tilespmem:s14+$0x0] =	vst v2;
	p1 =	slt.u32 s8, $0x13C0;
	s14 =	sor.u32 $0x10, s17  }
0xd3: {  	s22 =	sor.u32 $0x20, s17;
	s23 =	sor.u32 $0x30, s17;
	[tilespmem:s15+$0x0] =	vst v3;
	s20 =	sadd.s32 $0x5000, s20  }
.Ltmp9:
0xd4: {  	s15 =	sor.u32 s14, s4;
	s24 =	sor.u32 s22, s4;
	[tilespmem:s12+$0x0] =	vst v5;
	(pc) =	sbr.rel @p1 .LBB2_14-.Ltmp9, $4  }
0xd5: {  	s17 =	sor.u32 s17, s4;
	s14 =	sor.u32 s14, s20;
	s4 =	sor.u32 s23, s4;
	v2 =	vld [tilespmem:s15+$0x80];
	[tilespmem:s9+$0x0] =	vst v4  }
0xd6: {  	s12 =	sor.u32 s23, s20;
	s15 =	sor.u32 s22, s20;
	v3 =	vld [tilespmem:s24+$0x80]  }
0xd7: {  	v5 =	vld [tilespmem:s4+$0x80]  }
0xd8: {  	s11 =	sadd.s32 $0x200, s11;
	v4 =	vld [tilespmem:s17+$0x80]  }
0xd9: {  	_ = 	snop  }
0xda: {  	[tilespmem:s14+$0x0] =	vst v2  }
0xdb: {  	[tilespmem:s15+$0x0] =	vst v3  }
0xdc: {  	s4 =	sadd.s32 $0x40, s9;
	s29 =	simm.s32 $0x7880;
	s8 =	simm.s32 $0x0;
	[tilespmem:s12+$0x0] =	vst v5  }
0xdd: {  	s9 =	simm.s32 $0x10;
	s11 =	simm.s32 $0x100;
	s12 =	sadd.s32 $0x0, s13;
	[tilespmem:s4+$0x0] =	vst v4  }
0xde: {  	[spmem:s2] =	stream.indirect.scatter.add.f32 [tilespmem:s29], [sflag:$0x3], $0x1, s31, s30, $0xb8;
	[tilespmem:$0xB940] =	vst v63  }
.LBB2_16:
0xdf: {  	[hbm4b:s12+s3] =	stream.linear.scatter [tilespmem:s8], [sflag:$0x5], $0x80, $0x38;
	[tilespmem:$0xB940] =	vst v63  }
0xe0: {  	s4 =	smov.u32 s9;
	s8 =	smov.u32 s11;
	p1 =	sne.s32 s9, $0x270  }
.Ltmp10:
0xe1: {  	s9 =	sadd.s32 $0x10, s9;
	(pc) =	sbr.rel @p1 .LBB2_16-.Ltmp10, $2  }
0xe2: {  	_ =	sdelay $0x2  }
0xe3: {  	s11 =	sadd.s32 $0x100, s11;
	s12 =	sadd.s32 s4, s13  }
0xe4: {  	[hbm4b:s12+s3] =	stream.linear.scatter [tilespmem:s8], [sflag:$0x5], $0x80, $0x38;
	[tilespmem:$0xB940] =	vst v63  }
0xe5: {  	s4 =	simm.s32 $0x0;
	s22 =	rddreg [dreg:$0xb]  }
0xe6: {  	[hbm4b:s22+s4] =	stream.linear.scatter [tilespmem:s31], [sflag:$0x5], $0x1400, $0x38;
	[tilespmem:$0xB940] =	vst v63  }
0xe7: {  	_ =	swait.ge [sflag:s0], $0x2800  }
0xe8: {  	[sflag:s0] =	ssyncset.done $0x0  }
0xe9: {  	[sflag:s0] =	ssyncadd.s32 $0xFFFFD800  }
0xea: {  	_ =	swait.ge [sflag:s18], $0x1400  }
0xeb: {  	[sflag:s18] =	ssyncset.done $0x0  }
0xec: {  	[sflag:s18] =	ssyncadd.s32 $0xFFFFEC00  }
0xed: {  	_ =	swait.ge [sflag:s21], $0x1400  }
0xee: {  	[sflag:s21] =	ssyncset.done $0x0  }
0xef: {  	[sflag:s21] =	ssyncadd.s32 $0xFFFFEC00  }
0xf0: {  	_ =	swait.ge [sflag:s21], $0x1400  }
0xf1: {  	s9 =	simm.s32 $0x0;
	[sflag:s21] =	ssyncset.done $0x0  }
0xf2: {  	s8 =	simm.s32 $0x6400;
	s23 =	rddreg [dreg:$0xc];
	[sflag:s21] =	ssyncadd.s32 $0xFFFFEC00  }
0xf3: {  	[tilespmem:s4], [sflag:$0x1] =	stream.linear.gather [hbm4b:s23+s4], $0x2300, $0x38;
	[tilespmem:$0xB940] =	vst v63  }
0xf4: {  	s12 =	simm.s32 $0x40;
	s11 =	sand.u32 $0x1F80, s9;
	s4 =	sand.u32 $0xFC00, s4  }
0xf5: {  	s9 =	sand.u32 $0x40, s9;
	s17 =	sand.u32 $0x1F80, s12;
	s4 =	sshrl.u32 s4, $0x2  }
0xf6: {  	s29 =	sand.u32 $0x40, s12;
	s20 =	sadd.s32 $0x6400, s11;
	s4 =	sadd.s32 $0x2800, s4  }
0xf7: {  	s14 =	sor.u32 $0x30, s9;
	s22 =	sor.u32 $0x20, s9;
	s24 =	sor.u32 s9, s4  }
0xf8: {  	s17 =	sadd.s32 $0x6400, s17;
	s9 =	sor.u32 $0x10, s9;
	s15 =	sor.u32 s22, s4;
	v2 =	vld [tilespmem:s24+$0x80]  }
0xf9: {  	s23 =	sor.u32 s14, s4;
	s4 =	sor.u32 s9, s4;
	v3 =	vld [tilespmem:s15+$0x80];
	s15 =	simm.s32 $0x200  }
0xfa: {  	s14 =	sor.u32 s14, s20;
	s11 =	sor.u32 s9, s20;
	v4 =	vld [tilespmem:s4+$0x80];
	s25 =	sand.u32 $0xFC00, s15  }
0xfb: {  	s9 =	simm.s32 $0x6440;
	v5 =	vld [tilespmem:s23+$0x80];
	s20 =	sor.u32 s22, s20;
	s23 =	sshrl.u32 s25, $0x2  }
.LBB2_18:
0xfc: {  	s12 =	sadd.s32 $0x40, s12;
	s4 =	sadd.s32 $0x2800, s23;
	s22 =	sor.u32 $0x30, s29  }
0xfd: {  	[tilespmem:s8+$0x0] =	vst v2;
	s8 =	smov.u32 s9;
	s24 =	smov.u32 s17;
	s25 =	sor.u32 $0x20, s29  }
0xfe: {  	s17 =	sor.u32 s29, s4;
	s23 =	sor.u32 s22, s4;
	[tilespmem:s20+$0x0] =	vst v3;
	p1 =	slt.u32 s12, $0x13C0  }
.Ltmp11:
0xff: {  	s20 =	sor.u32 s25, s4;
	v2 =	vld [tilespmem:s17+$0x80];
	s17 =	sor.u32 $0x10, s29;
	[tilespmem:s11+$0x0] =	vst v4;
	(pc) =	sbr.rel @p1 .LBB2_18-.Ltmp11, $4  }
0x100: {  	s29 =	sand.u32 $0x1F80, s12;
	s4 =	sor.u32 s17, s4;
	s11 =	sor.u32 s17, s24;
	v3 =	vld [tilespmem:s20+$0x80];
	[tilespmem:s14+$0x0] =	vst v5  }
0x101: {  	s9 =	sadd.s32 $0x40, s9;
	s15 =	sadd.s32 $0x200, s15;
	v4 =	vld [tilespmem:s4+$0x80]  }
0x102: {  	s17 =	sadd.s32 $0x6400, s29;
	s14 =	sor.u32 s22, s24;
	s4 =	sand.u32 $0xFC00, s15;
	v5 =	vld [tilespmem:s23+$0x80]  }
0x103: {  	s29 =	sand.u32 $0x40, s12;
	s20 =	sor.u32 s25, s24;
	s23 =	sshrl.u32 s4, $0x2  }
0x104: {  	s4 =	sadd.s32 $0x2800, s23  }
0x105: {  	s15 =	sor.u32 $0x20, s29;
	s12 =	sor.u32 s29, s4  }
0x106: {  	s24 =	sor.u32 $0x10, s29;
	s22 =	sor.u32 s15, s4;
	v6 =	vld [tilespmem:s12+$0x80]  }
0x107: {  	s25 =	sor.u32 $0x30, s29;
	[tilespmem:s8+$0x0] =	vst v2;
	s29 =	sor.u32 s24, s4;
	v2 =	vld [tilespmem:s22+$0x80]  }
0x108: {  	s4 =	sor.u32 s25, s4;
	[tilespmem:s20+$0x0] =	vst v3;
	v3 =	vld [tilespmem:s29+$0x80]  }
0x109: {  	[tilespmem:s11+$0x0] =	vst v4;
	v63 =	vld [tilespmem:s4+$0x80]  }
0x10a: {  	[tilespmem:s14+$0x0] =	vst v5  }
0x10b: {  	s22 =	sor.u32 s15, s17;
	[tilespmem:s9+$0x0] =	vst v6  }
0x10c: {  	s8 =	simm.s32 $0x2800;
	s24 =	sor.u32 s24, s17;
	[tilespmem:s22+$0x0] =	vst v2  }
0x10d: {  	s25 =	sor.u32 s25, s17;
	s29 =	simm.s32 $0x7880;
	s12 =	sadd.s32 $0x0, s16;
	[tilespmem:s24+$0x0] =	vst v3  }
0x10e: {  	s11 =	simm.s32 $0x2900;
	s14 =	simm.s32 $0x6400;
	[tilespmem:s25+$0x0] =	vst v63;
	s9 =	simm.s32 $0x10  }
0x10f: {  	[spmem:s2] =	stream.indirect.scatter.add.f32 [tilespmem:s29], [sflag:$0x4], $0x1, s14, s30, $0xb8;
	[tilespmem:$0xB940] =	vst v63  }
.LBB2_20:
0x110: {  	[hbm4b:s12+s3] =	stream.linear.scatter [tilespmem:s8], [sflag:$0x5], $0x80, $0x38;
	[tilespmem:$0xB940] =	vst v63  }
0x111: {  	s4 =	smov.u32 s9;
	s8 =	smov.u32 s11;
	p1 =	sne.s32 s9, $0x270  }
.Ltmp12:
0x112: {  	s9 =	sadd.s32 $0x10, s9;
	(pc) =	sbr.rel @p1 .LBB2_20-.Ltmp12, $2  }
0x113: {  	_ =	sdelay $0x2  }
0x114: {  	s11 =	sadd.s32 $0x100, s11;
	s12 =	sadd.s32 s4, s16  }
0x115: {  	[hbm4b:s12+s3] =	stream.linear.scatter [tilespmem:s8], [sflag:$0x5], $0x80, $0x38;
	[tilespmem:$0xB940] =	vst v63  }
0x116: {  	s4 =	simm.s32 $0x0;
	s15 =	rddreg [dreg:$0xd]  }
0x117: {  	[hbm4b:s15+s4] =	stream.linear.scatter [tilespmem:s14], [sflag:$0x5], $0x1400, $0x38;
	[tilespmem:$0xB940] =	vst v63  }
0x118: {  	_ =	swait.ge [sflag:s28], $0x2300  }
0x119: {  	[sflag:s28] =	ssyncset.done $0x0  }
0x11a: {  	[sflag:s28] =	ssyncadd.s32 $0xFFFFDD00  }
0x11b: {  	_ =	swait.ge [sflag:s5], $0x1400  }
0x11c: {  	[sflag:s5] =	ssyncset.done $0x0  }
0x11d: {  	[sflag:s5] =	ssyncadd.s32 $0xFFFFEC00  }
0x11e: {  	_ =	swait.ge [sflag:s21], $0x1400  }
0x11f: {  	[sflag:s21] =	ssyncset.done $0x0  }
0x120: {  	s17 =	simm.s32 $0x0;
	[sflag:s21] =	ssyncadd.s32 $0xFFFFEC00  }
0x121: {  	s20 =	simm.s32 $0x0;
	s9 =	sand.u32 $0x40, s17;
	_ =	swait.ge [sflag:s21], $0x1400  }
0x122: {  	s11 =	sand.u32 $0x3F00, s20;
	s22 =	sor.u32 $0x10, s9;
	[sflag:s21] =	ssyncset.done $0x0  }
0x123: {  	s23 =	sor.u32 $0x20, s9;
	s8 =	sor.u32 s22, s11;
	[sflag:s21] =	ssyncadd.s32 $0xFFFFEC00  }
0x124: {  	s4 =	sand.u32 $0x1F80, s17;
	s15 =	sor.u32 $0x30, s9;
	s17 =	sor.u32 s23, s11;
	v2 =	vld [tilespmem:s8+$0x80]  }
0x125: {  	s24 =	simm.s32 $0x80;
	s20 =	sor.u32 s15, s11;
	v3 =	vld [tilespmem:s17+$0x80];
	s8 =	simm.s32 $0x40  }
0x126: {  	s9 =	sor.u32 s9, s11;
	s4 =	sadd.s32 $0x5000, s4;
	v4 =	vld [tilespmem:s20+$0x80];
	s17 =	sand.u32 $0x40, s8  }
0x127: {  	s11 =	sand.u32 $0x3F00, s24;
	s12 =	sor.u32 s22, s4;
	v6 =	vld [tilespmem:s9+$0x80];
	s20 =	sor.u32 $0x10, s17  }
0x128: {  	s25 =	sor.u32 s23, s4;
	s22 =	sor.u32 $0x20, s17;
	s29 =	sor.u32 s20, s11  }
0x129: {  	s4 =	sor.u32 s15, s4;
	s23 =	sand.u32 $0x1F80, s8;
	s24 =	sor.u32 s22, s11;
	[tilespmem:s12+$0x0] =	vst v2;
	v2 =	vld [tilespmem:s29+$0x80]  }
0x12a: {  	s23 =	sadd.s32 $0x5000, s23;
	s12 =	sor.u32 $0x30, s17;
	[tilespmem:s25+$0x0] =	vst v3;
	v3 =	vld [tilespmem:s24+$0x80];
	s29 =	sor.u32 s17, s11  }
0x12b: {  	s9 =	simm.s32 $0x5000;
	s14 =	sor.u32 s20, s23;
	[tilespmem:s4+$0x0] =	vst v4;
	s25 =	sor.u32 s12, s11;
	v4 =	vld [tilespmem:s29+$0x80]  }
0x12c: {  	s15 =	sor.u32 s22, s23;
	[tilespmem:s9+$0x0] =	vst v6;
	s12 =	sor.u32 s12, s23;
	s11 =	simm.s32 $0x400;
	v5 =	vld [tilespmem:s25+$0x80]  }
.LBB2_22:
0x12d: {  	s8 =	sadd.s32 $0x40, s8;
	s4 =	sshrl.u32 s11, $0x2  }
0x12e: {  	s9 =	sadd.s32 $0x40, s9;
	s17 =	sand.u32 $0x40, s8;
	s4 =	sand.u32 $0x3F00, s4  }
0x12f: {  	s20 =	sand.u32 $0x1F80, s8;
	[tilespmem:s14+$0x0] =	vst v2;
	p1 =	slt.u32 s8, $0x13C0;
	s14 =	sor.u32 $0x10, s17  }
0x130: {  	s22 =	sor.u32 $0x20, s17;
	s23 =	sor.u32 $0x30, s17;
	[tilespmem:s15+$0x0] =	vst v3;
	s20 =	sadd.s32 $0x5000, s20  }
.Ltmp13:
0x131: {  	s15 =	sor.u32 s14, s4;
	s24 =	sor.u32 s22, s4;
	[tilespmem:s12+$0x0] =	vst v5;
	(pc) =	sbr.rel @p1 .LBB2_22-.Ltmp13, $4  }
0x132: {  	s17 =	sor.u32 s17, s4;
	s14 =	sor.u32 s14, s20;
	s4 =	sor.u32 s23, s4;
	v2 =	vld [tilespmem:s15+$0x80];
	[tilespmem:s9+$0x0] =	vst v4  }
0x133: {  	s12 =	sor.u32 s23, s20;
	s15 =	sor.u32 s22, s20;
	v3 =	vld [tilespmem:s24+$0x80]  }
0x134: {  	v5 =	vld [tilespmem:s4+$0x80]  }
0x135: {  	s11 =	sadd.s32 $0x200, s11;
	v4 =	vld [tilespmem:s17+$0x80]  }
0x136: {  	_ = 	snop  }
0x137: {  	[tilespmem:s14+$0x0] =	vst v2  }
0x138: {  	[tilespmem:s15+$0x0] =	vst v3  }
0x139: {  	s4 =	sadd.s32 $0x40, s9;
	s29 =	simm.s32 $0x8C80;
	s8 =	simm.s32 $0x0;
	[tilespmem:s12+$0x0] =	vst v5  }
0x13a: {  	s9 =	simm.s32 $0x10;
	s11 =	simm.s32 $0x100;
	s12 =	sadd.s32 $0x0, s19;
	[tilespmem:s4+$0x0] =	vst v4  }
0x13b: {  	[spmem:s2] =	stream.indirect.scatter.add.f32 [tilespmem:s29], [sflag:$0x3], $0x1, s31, s30, $0xb8;
	[tilespmem:$0xB940] =	vst v63  }
.LBB2_24:
0x13c: {  	[hbm4b:s12+s3] =	stream.linear.scatter [tilespmem:s8], [sflag:$0x5], $0x80, $0x38;
	[tilespmem:$0xB940] =	vst v63  }
0x13d: {  	s4 =	smov.u32 s9;
	s8 =	smov.u32 s11;
	p1 =	sne.s32 s9, $0x220  }
.Ltmp14:
0x13e: {  	s9 =	sadd.s32 $0x10, s9;
	(pc) =	sbr.rel @p1 .LBB2_24-.Ltmp14, $2  }
0x13f: {  	_ =	sdelay $0x2  }
0x140: {  	s11 =	sadd.s32 $0x100, s11;
	s12 =	sadd.s32 s4, s19  }
0x141: {  	[hbm4b:s12+s3] =	stream.linear.scatter [tilespmem:s8], [sflag:$0x5], $0x80, $0x38;
	[tilespmem:$0xB940] =	vst v63  }
0x142: {  	s4 =	rddreg [dreg:$0xf]  }
0x143: {  	[hbm4b:s4+s3] =	stream.linear.scatter [tilespmem:s31], [sflag:$0x5], $0x1180, $0x38;
	[tilespmem:$0xB940] =	vst v63  }
0x144: {  	_ =	swait.ge [sflag:s18], $0x1400  }
0x145: {  	[sflag:s18] =	ssyncset.done $0x0  }
0x146: {  	[sflag:s18] =	ssyncadd.s32 $0xFFFFEC00  }
0x147: {  	_ =	swait.ge [sflag:s21], $0x1180  }
.Ltmp15:
0x148: {  	[sflag:s21] =	ssyncset.done $0x0;
	(pc) =	sbr.rel @p0 .LBB2_29-.Ltmp15, $4  }
0x149: {  	[sflag:s21] =	ssyncadd.s32 $0xFFFFEE80  }
0x14a: {  	_ =	swait.ge [sflag:s21], $0x1180  }
0x14b: {  	[sflag:s21] =	ssyncset.done $0x0  }
0x14c: {  	s15 =	simm.s32 $0xA080;
	s4 =	smov.u32 s1;
	[sflag:s21] =	ssyncadd.s32 $0xFFFFEE80  }
0x14d: {  	s1 =	rddreg [dreg:$0xe]  }
0x14e: {  	[tilespmem:s3], [sflag:$0x6] =	stream.linear.gather [hbm4b:s1+s3], $0x100, $0x38;
	[tilespmem:$0xB940] =	vst v63  }
0x14f: {  	_ =	swait.ge [sflag:s26], $0x100  }
0x150: {  	[sflag:s26] =	ssyncset.done $0x0  }
0x151: {  	s9 =	simm.s32 $0x80;
	[sflag:s26] =	ssyncadd.s32 $0xFFFFFF00  }
0x152: {  	s8 =	simm.s32 $0x7800;
	s11 =	simm.s32 $0x0;
	v2 =	vld [tilespmem:s9+$0x0]  }
.LBB2_27:
0x153: {  	s11 =	sadd.s32 $0x10, s11  }
0x154: {  	p1 =	slt.u32 s11, $0x70  }
.Ltmp16:
0x155: {  	_ = 	snop;
	(pc) =	sbr.rel @p1 .LBB2_27-.Ltmp16, $3  }
0x156: {  	_ =	sdelay $0x1  }
0x157: {  	[tilespmem:s8+$0x0] =	vst v2;
	s8 =	sadd.s32 $0x10, s8;
	s9 =	sadd.s32 $0x10, s9  }
0x158: {  	v2 =	vld [tilespmem:s9+$0x0]  }
.Ltmp17:
0x159: {  	_ = 	snop;
	(pc) =	sbr.rel .LBB2_28-.Ltmp17, $1  }
0x15a: {  	_ =	sdelay $0x3  }
.LBB2_30:
0x15b: {  	_ =	sfence.sel $0x180000  }
0x15c: {  	[bflag:$0x0] =	sbarrier.arrive $0xFFFF  }
0x15d: {  	_ =	strace $0x90000047  }
0x15e: {  	s0 =	stileid.u32;
	[bflag:$0x2] =	sbarrier.arrive $0xFFFF  }
0x15f: {  	p0 =	sne.s32 s0, $0x0;
	s0 =	rddreg [dreg:$0x4]  }
0x160: {  	s0 =	sadd.s32 @!p0 $0x100000, s0  }
0x161: {  	[sflag:s0] =	ssyncadd.tile.s32 @!p0 $0x1;
	_ =	shalt  }
.Lfunc_end2:
_tile_overlayer_lowered:
.L_overlay_start_2:
0x162: {  	(tag) =	ssettag $0x2  }
0x163: {  	s0 =	rddreg [dreg:$0x0];
	s2 =	stileid.u32  }
0x164: {  	s1 =	rddreg [dreg:$0x1];
	p0 =	sne.s32 s2, $0x0  }
0x165: {  	s3 =	rddreg [dreg:$0x2];
	[bflag:$0x3] =	sbarrier.arrive $0xFFFF;
	s2 =	simm.s32 @!p0 $0x1C06  }
0x166: {  	[timem:s3], [sflag:s2] =	dma.local @!p0 [hbm:s0], s1  }
0x167: {  	s0 =	simm.s32 @!p0 $0x6  }
0x168: {  	_ =	swait.ge @!p0 [sflag:s0], s1  }
0x169: {  	s1 =	ssub.s32 @!p0 $0x0, s1;
	[sflag:s0] =	ssyncset.done @!p0 $0x0  }
0x16a: {  	[sflag:s0] =	ssyncadd.s32 @!p0 s1  }
0x16b: {  	[bflag:$0x3] =	sbarrier.arrive $0xFFFF  }
0x16c: {  	_ =	shalt  }

</sc_bundles>
